<compile_context>
chip_gen: v7x
topology: tpu7x:2x2x1
jax: 0.10.2.dev20260603
libtpu: 0.0.44.dev20260713+nightly
codegen_flags: <defaults>
</compile_context>

<pallas_src>
import functools

import jax
import jax.numpy as jnp
from jax import lax
from jax.experimental import pallas as pl
from jax.experimental.pallas import tpu as pltpu
from jax.experimental.pallas import tpu_sc as plsc

_L = 16


def _splat(val_ref, flat_idx):
    return plsc.load_gather(
        val_ref, [jnp.full((_L,), flat_idx, dtype=jnp.int32)]
    )


def _make_sc_call(n_total, n_workers, chunk, v_rows, d_in, d_out):
    n_per_worker = n_total // n_workers
    n_chunks = n_per_worker // chunk
    groups = chunk // _L

    mesh = plsc.VectorSubcoreMesh(
        core_axis_name="c", subcore_axis_name="s", num_cores=2, num_subcores=16
    )
    tbl_words = max(((v_rows * d_out + 127) // 128) * 128, 128)

    @functools.partial(
        pl.kernel,
        out_type=jax.ShapeDtypeStruct((d_out * n_total,), jnp.float32),
        mesh=mesh,
        compiler_params=pltpu.CompilerParams(needs_layout_passes=False),
        scratch_types=[
            [pltpu.VMEM((chunk,), jnp.int32) for _ in range(2)],
            [[pltpu.VMEM((chunk,), jnp.float32) for _ in range(d_out)]
             for _ in range(2)],
            pltpu.VMEM((tbl_words,), jnp.float32),
            pltpu.VMEM((256,), jnp.float32),
            pltpu.VMEM((128,), jnp.float32),
            pltpu.VMEM((128,), jnp.float32),
            [pltpu.SemaphoreType.DMA for _ in range(2)],
            [pltpu.SemaphoreType.DMA for _ in range(2)],
            pltpu.SemaphoreType.DMA,
        ],
    )
    def sc_call(ids_hbm, et_hbm, w_hbm, b_hbm, out_hbm,
                ids_v, out_vs, tbl_v, et_v, w_v, b_v,
                sem_in, sem_out, sem_p):
        wid = lax.axis_index("s") * 2 + lax.axis_index("c")
        lanes = lax.iota(jnp.int32, _L)
        base = wid * n_per_worker

        in_descs = [None, None]
        in_descs[0] = pltpu.async_copy(
            ids_hbm.at[pl.ds(base, chunk)], ids_v[0], sem_in[0]
        )

        p0 = pltpu.async_copy(et_hbm, et_v, sem_p)
        p1 = pltpu.async_copy(w_hbm, w_v, sem_p)
        p2 = pltpu.async_copy(b_hbm, b_v, sem_p)
        p0.wait()
        p1.wait()
        p2.wait()

        n_row_groups = (v_rows + _L - 1) // _L
        for grp in range(n_row_groups):
            rows = jnp.minimum(lanes + grp * _L, v_rows - 1)
            accs = [_splat(b_v, 16 + c) for c in range(d_out)]
            for d in range(d_in):
                ecol = plsc.load_gather(et_v, [rows * d_in + d])
                ecol = jnp.maximum(ecol, 0.0)
                for c in range(d_out):
                    accs[c] = accs[c] + ecol * _splat(w_v, 16 + d * d_out + c)
            for c in range(d_out):
                plsc.store_scatter(tbl_v, [rows * d_out + c], accs[c])

        out_descs = [None, None]
        for k in range(n_chunks):
            buf = k % 2
            off = base + k * chunk
            if k + 1 < n_chunks:
                in_descs[1 - buf] = pltpu.async_copy(
                    ids_hbm.at[pl.ds(off + chunk, chunk)],
                    ids_v[1 - buf],
                    sem_in[1 - buf],
                )
            in_descs[buf].wait()
            if out_descs[buf] is not None:
                for dsc in out_descs[buf]:
                    dsc.wait()

            ids_b = ids_v[buf]
            out_b = out_vs[buf]

            @plsc.parallel_loop(0, chunk, step=_L, unroll=8)
            def grp_body(i):
                sl = pl.ds(i, _L)
                idx0 = ids_b[sl] * d_out
                for c in range(d_out):
                    out_b[c][sl] = plsc.load_gather(tbl_v, [idx0 + c])

            out_descs[buf] = [
                pltpu.async_copy(
                    out_b[c],
                    out_hbm.at[pl.ds(c * n_total + off, chunk)],
                    sem_out[buf],
                )
                for c in range(d_out)
            ]
        for buf in range(2):
            if out_descs[buf] is not None:
                for dsc in out_descs[buf]:
                    dsc.wait()

    return sc_call


@jax.jit
def kernel(input_ids, label, embed_table, W, b):
    del label
    batch, seq = input_ids.shape
    v_rows, d_in = embed_table.shape
    d_out = W.shape[1]
    n_total = batch * seq

    n_workers = 32
    chunk = 10240
    assert n_total % (n_workers * chunk) == 0

    jt, js = seq // 8, 8
    it, il = batch // 128, 128
    ids_flat = (
        input_ids.T.reshape(jt, js, it, il)
        .transpose(0, 2, 1, 3)
        .reshape(n_total)
        .astype(jnp.int32)
    )
    et_flat = jnp.zeros((256,), embed_table.dtype).at[: v_rows * d_in].set(
        embed_table.reshape(-1)
    )
    w_flat = jnp.zeros((128,), W.dtype).at[16 : 16 + d_in * d_out].set(W.reshape(-1))
    b_pad = jnp.zeros((128,), b.dtype).at[16 : 16 + d_out].set(b)
    sc_call = _make_sc_call(n_total, n_workers, chunk, v_rows, d_in, d_out)
    out_flat = sc_call(ids_flat, et_flat, w_flat, b_pad)
    return (
        out_flat.reshape(d_out, jt, it, js, il)
        .transpose(2, 4, 1, 3, 0)
        .reshape(batch, seq, d_out)
    )

# --- scband reference (transcript-rebuilt; emitter-appended) ---
"""Pipeline reference for scband-model-20315195310577 (READ-ONLY COPY).

The authoritative reference and input builder live on the scoring server;
editing this copy changes nothing except your own understanding.
"""

import jax, jax.numpy as jnp
import numpy as np


def setup_inputs(seed: int = 0) -> dict:
    key = jax.random.key(seed)
    k1, k2, k3, k4 = jax.random.split(key, 4)
    input_ids = jax.random.randint(k1, (16384, 200), 0, 20)
    label = jax.random.randint(k2, (16384,), 0, 3)
    # learned params: nn.Embedding(20, 10), nn.Linear(10, 3)
    embed_table = jax.random.normal(k3, (20, 10), dtype=jnp.float32)
    W = jax.random.normal(k4, (10, 3), dtype=jnp.float32) * 0.1
    b = jnp.zeros((3,), dtype=jnp.float32)
    return {"input_ids": input_ids, "label": label, "embed_table": embed_table, "W": W, "b": b}


def reference(input_ids, label, embed_table, W, b):
    # output = self.embed(batch['input_ids'])  -> gather rows of embedding table
    output = jnp.take(embed_table, input_ids, axis=0)  # [B, L, 10]
    # output2 = self.classifier(F.relu(output))
    output2 = jax.nn.relu(output) @ W + b  # [B, L, 3]
    return output2

if __name__ == "__main__":
    import jax
    _d = setup_inputs()
    print(jax.jit(kernel)(*tuple(_d.values())))

</pallas_src>

<mosaic_0001>
#map = affine_map<(d0, d1) -> (0)>
module attributes {stable_mosaic.version = 14 : i64} {
  func.func @sc_call(%arg0: i32, %arg1: i32, %arg2: memref<3276800xi32, #tpu.memory_space<hbm>>, %arg3: memref<256xf32, #tpu.memory_space<hbm>>, %arg4: memref<128xf32, #tpu.memory_space<hbm>>, %arg5: memref<128xf32, #tpu.memory_space<hbm>>, %arg6: memref<9830400xf32, #tpu.memory_space<hbm>>, %arg7: memref<10240xi32, #tpu.memory_space<vmem>>, %arg8: memref<10240xi32, #tpu.memory_space<vmem>>, %arg9: memref<10240xf32, #tpu.memory_space<vmem>>, %arg10: memref<10240xf32, #tpu.memory_space<vmem>>, %arg11: memref<10240xf32, #tpu.memory_space<vmem>>, %arg12: memref<10240xf32, #tpu.memory_space<vmem>>, %arg13: memref<10240xf32, #tpu.memory_space<vmem>>, %arg14: memref<10240xf32, #tpu.memory_space<vmem>>, %arg15: memref<128xf32, #tpu.memory_space<vmem>>, %arg16: memref<256xf32, #tpu.memory_space<vmem>>, %arg17: memref<128xf32, #tpu.memory_space<vmem>>, %arg18: memref<128xf32, #tpu.memory_space<vmem>>, %arg19: memref<!tpu.dma_semaphore, #tpu.memory_space<semaphore_mem>>, %arg20: memref<!tpu.dma_semaphore, #tpu.memory_space<semaphore_mem>>, %arg21: memref<!tpu.dma_semaphore, #tpu.memory_space<semaphore_mem>>, %arg22: memref<!tpu.dma_semaphore, #tpu.memory_space<semaphore_mem>>, %arg23: memref<!tpu.dma_semaphore, #tpu.memory_space<semaphore_mem>>) attributes {dimension_semantics = [#tpu.dimension_semantics<core_parallel>, #tpu.dimension_semantics<subcore_parallel>], iteration_bounds = array<i64: 2, 16>, scalar_prefetch = 0 : i64, scratch_operands = 17 : i64, tpu.core_type = #tpu.core_type<sc_vector_subcore>, window_params = [{transform_indices = #map}, {transform_indices = #map}, {transform_indices = #map}, {transform_indices = #map}, {transform_indices = #map}]} {
    %mul3A = arith.constant 2 : i32
    %mul3A_0 = arith.muli %arg1, %mul3A : i32
    %add3A = arith.addi %mul3A_0, %arg0 : i32
    %iota3A = tpu.iota {dimensions = array<i32: 0>} : vector<16xi32>
    %mul3A_1 = arith.constant 102400 : i32
    %mul3A_2 = arith.muli %add3A, %mul3A_1 : i32
    %dma_start3A = tpu.memref_slice %arg2[%mul3A_2] : memref<3276800xi32, #tpu.memory_space<hbm>> -> memref<10240xi32, #tpu.memory_space<hbm>>
    %dma_start3A_3 = tpu.memref_slice %arg2[%mul3A_2] : memref<3276800xi32, #tpu.memory_space<hbm>> -> memref<10240xi32, #tpu.memory_space<hbm>>
    tpu.enqueue_dma source(%dma_start3A_3 : memref<10240xi32, #tpu.memory_space<hbm>>) target(%arg7 : memref<10240xi32, #tpu.memory_space<vmem>>) target_semaphore(%arg19 : memref<!tpu.dma_semaphore, #tpu.memory_space<semaphore_mem>>)
    tpu.enqueue_dma source(%arg3 : memref<256xf32, #tpu.memory_space<hbm>>) target(%arg16 : memref<256xf32, #tpu.memory_space<vmem>>) target_semaphore(%arg23 : memref<!tpu.dma_semaphore, #tpu.memory_space<semaphore_mem>>)
    tpu.enqueue_dma source(%arg4 : memref<128xf32, #tpu.memory_space<hbm>>) target(%arg17 : memref<128xf32, #tpu.memory_space<vmem>>) target_semaphore(%arg23 : memref<!tpu.dma_semaphore, #tpu.memory_space<semaphore_mem>>)
    tpu.enqueue_dma source(%arg5 : memref<128xf32, #tpu.memory_space<hbm>>) target(%arg18 : memref<128xf32, #tpu.memory_space<vmem>>) target_semaphore(%arg23 : memref<!tpu.dma_semaphore, #tpu.memory_space<semaphore_mem>>)
    tpu.wait_dma2 semaphore(%arg23 : memref<!tpu.dma_semaphore, #tpu.memory_space<semaphore_mem>>) src(%arg3 : memref<256xf32, #tpu.memory_space<hbm>>) dst(%arg16 : memref<256xf32, #tpu.memory_space<vmem>>)
    tpu.wait_dma2 semaphore(%arg23 : memref<!tpu.dma_semaphore, #tpu.memory_space<semaphore_mem>>) src(%arg4 : memref<128xf32, #tpu.memory_space<hbm>>) dst(%arg17 : memref<128xf32, #tpu.memory_space<vmem>>)
    tpu.wait_dma2 semaphore(%arg23 : memref<!tpu.dma_semaphore, #tpu.memory_space<semaphore_mem>>) src(%arg5 : memref<128xf32, #tpu.memory_space<hbm>>) dst(%arg18 : memref<128xf32, #tpu.memory_space<vmem>>)
    %add3A_4 = arith.constant 0 : i32
    %add3A_5 = vector.broadcast %add3A_4 : i32 to vector<16xi32>
    %add3A_6 = arith.addi %iota3A, %add3A_5 : vector<16xi32>
    %min3A = arith.constant 19 : i32
    %min3A_7 = vector.broadcast %min3A : i32 to vector<16xi32>
    %min3A_8 = arith.minsi %add3A_6, %min3A_7 : vector<16xi32>
    %broadcast_in_dim3A = arith.constant 16 : i32
    %broadcast_in_dim3A_9 = vector.broadcast %broadcast_in_dim3A : i32 to vector<16xi32>
    %gather3A = tpu.vector_load_idx %arg18[%broadcast_in_dim3A_9] : memref<128xf32, #tpu.memory_space<vmem>>[vector<16xi32>], vector<16xf32>,
    %broadcast_in_dim3A_10 = arith.constant 17 : i32
    %broadcast_in_dim3A_11 = vector.broadcast %broadcast_in_dim3A_10 : i32 to vector<16xi32>
    %gather3A_12 = tpu.vector_load_idx %arg18[%broadcast_in_dim3A_11] : memref<128xf32, #tpu.memory_space<vmem>>[vector<16xi32>], vector<16xf32>,
    %broadcast_in_dim3A_13 = arith.constant 18 : i32
    %broadcast_in_dim3A_14 = vector.broadcast %broadcast_in_dim3A_13 : i32 to vector<16xi32>
    %gather3A_15 = tpu.vector_load_idx %arg18[%broadcast_in_dim3A_14] : memref<128xf32, #tpu.memory_space<vmem>>[vector<16xi32>], vector<16xf32>,
    %mul3A_16 = arith.constant 10 : i32
    %mul3A_17 = vector.broadcast %mul3A_16 : i32 to vector<16xi32>
    %mul3A_18 = arith.muli %min3A_8, %mul3A_17 : vector<16xi32>
    %add3A_19 = arith.constant 0 : i32
    %add3A_20 = vector.broadcast %add3A_19 : i32 to vector<16xi32>
    %add3A_21 = arith.addi %mul3A_18, %add3A_20 : vector<16xi32>
    %gather3A_22 = tpu.vector_load_idx %arg16[%add3A_21] : memref<256xf32, #tpu.memory_space<vmem>>[vector<16xi32>], vector<16xf32>,
    %max3A = arith.constant 0.000000e+00 : f32
    %max3A_23 = vector.broadcast %max3A : f32 to vector<16xf32>
    %max3A_24 = arith.maximumf %gather3A_22, %max3A_23 : vector<16xf32>
    %broadcast_in_dim3A_25 = arith.constant 16 : i32
    %broadcast_in_dim3A_26 = vector.broadcast %broadcast_in_dim3A_25 : i32 to vector<16xi32>
    %gather3A_27 = tpu.vector_load_idx %arg17[%broadcast_in_dim3A_26] : memref<128xf32, #tpu.memory_space<vmem>>[vector<16xi32>], vector<16xf32>,
    %mul3A_28 = arith.mulf %max3A_24, %gather3A_27 : vector<16xf32>
    %add3A_29 = arith.addf %gather3A, %mul3A_28 : vector<16xf32>
    %broadcast_in_dim3A_30 = arith.constant 17 : i32
    %broadcast_in_dim3A_31 = vector.broadcast %broadcast_in_dim3A_30 : i32 to vector<16xi32>
    %gather3A_32 = tpu.vector_load_idx %arg17[%broadcast_in_dim3A_31] : memref<128xf32, #tpu.memory_space<vmem>>[vector<16xi32>], vector<16xf32>,
    %mul3A_33 = arith.mulf %max3A_24, %gather3A_32 : vector<16xf32>
    %add3A_34 = arith.addf %gather3A_12, %mul3A_33 : vector<16xf32>
    %broadcast_in_dim3A_35 = arith.constant 18 : i32
    %broadcast_in_dim3A_36 = vector.broadcast %broadcast_in_dim3A_35 : i32 to vector<16xi32>
    %gather3A_37 = tpu.vector_load_idx %arg17[%broadcast_in_dim3A_36] : memref<128xf32, #tpu.memory_space<vmem>>[vector<16xi32>], vector<16xf32>,
    %mul3A_38 = arith.mulf %max3A_24, %gather3A_37 : vector<16xf32>
    %add3A_39 = arith.addf %gather3A_15, %mul3A_38 : vector<16xf32>
    %mul3A_40 = arith.constant 10 : i32
    %mul3A_41 = vector.broadcast %mul3A_40 : i32 to vector<16xi32>
    %mul3A_42 = arith.muli %min3A_8, %mul3A_41 : vector<16xi32>
    %add3A_43 = arith.constant 1 : i32
    %add3A_44 = vector.broadcast %add3A_43 : i32 to vector<16xi32>
    %add3A_45 = arith.addi %mul3A_42, %add3A_44 : vector<16xi32>
    %gather3A_46 = tpu.vector_load_idx %arg16[%add3A_45] : memref<256xf32, #tpu.memory_space<vmem>>[vector<16xi32>], vector<16xf32>,
    %max3A_47 = arith.constant 0.000000e+00 : f32
    %max3A_48 = vector.broadcast %max3A_47 : f32 to vector<16xf32>
    %max3A_49 = arith.maximumf %gather3A_46, %max3A_48 : vector<16xf32>
    %broadcast_in_dim3A_50 = arith.constant 19 : i32
    %broadcast_in_dim3A_51 = vector.broadcast %broadcast_in_dim3A_50 : i32 to vector<16xi32>
    %gather3A_52 = tpu.vector_load_idx %arg17[%broadcast_in_dim3A_51] : memref<128xf32, #tpu.memory_space<vmem>>[vector<16xi32>], vector<16xf32>,
    %mul3A_53 = arith.mulf %max3A_49, %gather3A_52 : vector<16xf32>
    %add3A_54 = arith.addf %add3A_29, %mul3A_53 : vector<16xf32>
    %broadcast_in_dim3A_55 = arith.constant 20 : i32
    %broadcast_in_dim3A_56 = vector.broadcast %broadcast_in_dim3A_55 : i32 to vector<16xi32>
    %gather3A_57 = tpu.vector_load_idx %arg17[%broadcast_in_dim3A_56] : memref<128xf32, #tpu.memory_space<vmem>>[vector<16xi32>], vector<16xf32>,
    %mul3A_58 = arith.mulf %max3A_49, %gather3A_57 : vector<16xf32>
    %add3A_59 = arith.addf %add3A_34, %mul3A_58 : vector<16xf32>
    %broadcast_in_dim3A_60 = arith.constant 21 : i32
    %broadcast_in_dim3A_61 = vector.broadcast %broadcast_in_dim3A_60 : i32 to vector<16xi32>
    %gather3A_62 = tpu.vector_load_idx %arg17[%broadcast_in_dim3A_61] : memref<128xf32, #tpu.memory_space<vmem>>[vector<16xi32>], vector<16xf32>,
    %mul3A_63 = arith.mulf %max3A_49, %gather3A_62 : vector<16xf32>
    %add3A_64 = arith.addf %add3A_39, %mul3A_63 : vector<16xf32>
    %mul3A_65 = arith.constant 10 : i32
    %mul3A_66 = vector.broadcast %mul3A_65 : i32 to vector<16xi32>
    %mul3A_67 = arith.muli %min3A_8, %mul3A_66 : vector<16xi32>
    %add3A_68 = arith.constant 2 : i32
    %add3A_69 = vector.broadcast %add3A_68 : i32 to vector<16xi32>
    %add3A_70 = arith.addi %mul3A_67, %add3A_69 : vector<16xi32>
    %gather3A_71 = tpu.vector_load_idx %arg16[%add3A_70] : memref<256xf32, #tpu.memory_space<vmem>>[vector<16xi32>], vector<16xf32>,
    %max3A_72 = arith.constant 0.000000e+00 : f32
    %max3A_73 = vector.broadcast %max3A_72 : f32 to vector<16xf32>
    %max3A_74 = arith.maximumf %gather3A_71, %max3A_73 : vector<16xf32>
    %broadcast_in_dim3A_75 = arith.constant 22 : i32
    %broadcast_in_dim3A_76 = vector.broadcast %broadcast_in_dim3A_75 : i32 to vector<16xi32>
    %gather3A_77 = tpu.vector_load_idx %arg17[%broadcast_in_dim3A_76] : memref<128xf32, #tpu.memory_space<vmem>>[vector<16xi32>], vector<16xf32>,
    %mul3A_78 = arith.mulf %max3A_74, %gather3A_77 : vector<16xf32>
    %add3A_79 = arith.addf %add3A_54, %mul3A_78 : vector<16xf32>
    %broadcast_in_dim3A_80 = arith.constant 23 : i32
    %broadcast_in_dim3A_81 = vector.broadcast %broadcast_in_dim3A_80 : i32 to vector<16xi32>
    %gather3A_82 = tpu.vector_load_idx %arg17[%broadcast_in_dim3A_81] : memref<128xf32, #tpu.memory_space<vmem>>[vector<16xi32>], vector<16xf32>,
    %mul3A_83 = arith.mulf %max3A_74, %gather3A_82 : vector<16xf32>
    %add3A_84 = arith.addf %add3A_59, %mul3A_83 : vector<16xf32>
    %broadcast_in_dim3A_85 = arith.constant 24 : i32
    %broadcast_in_dim3A_86 = vector.broadcast %broadcast_in_dim3A_85 : i32 to vector<16xi32>
    %gather3A_87 = tpu.vector_load_idx %arg17[%broadcast_in_dim3A_86] : memref<128xf32, #tpu.memory_space<vmem>>[vector<16xi32>], vector<16xf32>,
    %mul3A_88 = arith.mulf %max3A_74, %gather3A_87 : vector<16xf32>
    %add3A_89 = arith.addf %add3A_64, %mul3A_88 : vector<16xf32>
    %mul3A_90 = arith.constant 10 : i32
    %mul3A_91 = vector.broadcast %mul3A_90 : i32 to vector<16xi32>
    %mul3A_92 = arith.muli %min3A_8, %mul3A_91 : vector<16xi32>
    %add3A_93 = arith.constant 3 : i32
    %add3A_94 = vector.broadcast %add3A_93 : i32 to vector<16xi32>
    %add3A_95 = arith.addi %mul3A_92, %add3A_94 : vector<16xi32>
    %gather3A_96 = tpu.vector_load_idx %arg16[%add3A_95] : memref<256xf32, #tpu.memory_space<vmem>>[vector<16xi32>], vector<16xf32>,
    %max3A_97 = arith.constant 0.000000e+00 : f32
    %max3A_98 = vector.broadcast %max3A_97 : f32 to vector<16xf32>
    %max3A_99 = arith.maximumf %gather3A_96, %max3A_98 : vector<16xf32>
    %broadcast_in_dim3A_100 = arith.constant 25 : i32
    %broadcast_in_dim3A_101 = vector.broadcast %broadcast_in_dim3A_100 : i32 to vector<16xi32>
    %gather3A_102 = tpu.vector_load_idx %arg17[%broadcast_in_dim3A_101] : memref<128xf32, #tpu.memory_space<vmem>>[vector<16xi32>], vector<16xf32>,
    %mul3A_103 = arith.mulf %max3A_99, %gather3A_102 : vector<16xf32>
    %add3A_104 = arith.addf %add3A_79, %mul3A_103 : vector<16xf32>
    %broadcast_in_dim3A_105 = arith.constant 26 : i32
    %broadcast_in_dim3A_106 = vector.broadcast %broadcast_in_dim3A_105 : i32 to vector<16xi32>
    %gather3A_107 = tpu.vector_load_idx %arg17[%broadcast_in_dim3A_106] : memref<128xf32, #tpu.memory_space<vmem>>[vector<16xi32>], vector<16xf32>,
    %mul3A_108 = arith.mulf %max3A_99, %gather3A_107 : vector<16xf32>
    %add3A_109 = arith.addf %add3A_84, %mul3A_108 : vector<16xf32>
    %broadcast_in_dim3A_110 = arith.constant 27 : i32
    %broadcast_in_dim3A_111 = vector.broadcast %broadcast_in_dim3A_110 : i32 to vector<16xi32>
    %gather3A_112 = tpu.vector_load_idx %arg17[%broadcast_in_dim3A_111] : memref<128xf32, #tpu.memory_space<vmem>>[vector<16xi32>], vector<16xf32>,
    %mul3A_113 = arith.mulf %max3A_99, %gather3A_112 : vector<16xf32>
    %add3A_114 = arith.addf %add3A_89, %mul3A_113 : vector<16xf32>
    %mul3A_115 = arith.constant 10 : i32
    %mul3A_116 = vector.broadcast %mul3A_115 : i32 to vector<16xi32>
    %mul3A_117 = arith.muli %min3A_8, %mul3A_116 : vector<16xi32>
    %add3A_118 = arith.constant 4 : i32
    %add3A_119 = vector.broadcast %add3A_118 : i32 to vector<16xi32>
    %add3A_120 = arith.addi %mul3A_117, %add3A_119 : vector<16xi32>
    %gather3A_121 = tpu.vector_load_idx %arg16[%add3A_120] : memref<256xf32, #tpu.memory_space<vmem>>[vector<16xi32>], vector<16xf32>,
    %max3A_122 = arith.constant 0.000000e+00 : f32
    %max3A_123 = vector.broadcast %max3A_122 : f32 to vector<16xf32>
    %max3A_124 = arith.maximumf %gather3A_121, %max3A_123 : vector<16xf32>
    %broadcast_in_dim3A_125 = arith.constant 28 : i32
    %broadcast_in_dim3A_126 = vector.broadcast %broadcast_in_dim3A_125 : i32 to vector<16xi32>
    %gather3A_127 = tpu.vector_load_idx %arg17[%broadcast_in_dim3A_126] : memref<128xf32, #tpu.memory_space<vmem>>[vector<16xi32>], vector<16xf32>,
    %mul3A_128 = arith.mulf %max3A_124, %gather3A_127 : vector<16xf32>
    %add3A_129 = arith.addf %add3A_104, %mul3A_128 : vector<16xf32>
    %broadcast_in_dim3A_130 = arith.constant 29 : i32
    %broadcast_in_dim3A_131 = vector.broadcast %broadcast_in_dim3A_130 : i32 to vector<16xi32>
    %gather3A_132 = tpu.vector_load_idx %arg17[%broadcast_in_dim3A_131] : memref<128xf32, #tpu.memory_space<vmem>>[vector<16xi32>], vector<16xf32>,
    %mul3A_133 = arith.mulf %max3A_124, %gather3A_132 : vector<16xf32>
    %add3A_134 = arith.addf %add3A_109, %mul3A_133 : vector<16xf32>
    %broadcast_in_dim3A_135 = arith.constant 30 : i32
    %broadcast_in_dim3A_136 = vector.broadcast %broadcast_in_dim3A_135 : i32 to vector<16xi32>
    %gather3A_137 = tpu.vector_load_idx %arg17[%broadcast_in_dim3A_136] : memref<128xf32, #tpu.memory_space<vmem>>[vector<16xi32>], vector<16xf32>,
    %mul3A_138 = arith.mulf %max3A_124, %gather3A_137 : vector<16xf32>
    %add3A_139 = arith.addf %add3A_114, %mul3A_138 : vector<16xf32>
    %mul3A_140 = arith.constant 10 : i32
    %mul3A_141 = vector.broadcast %mul3A_140 : i32 to vector<16xi32>
    %mul3A_142 = arith.muli %min3A_8, %mul3A_141 : vector<16xi32>
    %add3A_143 = arith.constant 5 : i32
    %add3A_144 = vector.broadcast %add3A_143 : i32 to vector<16xi32>
    %add3A_145 = arith.addi %mul3A_142, %add3A_144 : vector<16xi32>
    %gather3A_146 = tpu.vector_load_idx %arg16[%add3A_145] : memref<256xf32, #tpu.memory_space<vmem>>[vector<16xi32>], vector<16xf32>,
    %max3A_147 = arith.constant 0.000000e+00 : f32
    %max3A_148 = vector.broadcast %max3A_147 : f32 to vector<16xf32>
    %max3A_149 = arith.maximumf %gather3A_146, %max3A_148 : vector<16xf32>
    %broadcast_in_dim3A_150 = arith.constant 31 : i32
    %broadcast_in_dim3A_151 = vector.broadcast %broadcast_in_dim3A_150 : i32 to vector<16xi32>
    %gather3A_152 = tpu.vector_load_idx %arg17[%broadcast_in_dim3A_151] : memref<128xf32, #tpu.memory_space<vmem>>[vector<16xi32>], vector<16xf32>,
    %mul3A_153 = arith.mulf %max3A_149, %gather3A_152 : vector<16xf32>
    %add3A_154 = arith.addf %add3A_129, %mul3A_153 : vector<16xf32>
    %broadcast_in_dim3A_155 = arith.constant 32 : i32
    %broadcast_in_dim3A_156 = vector.broadcast %broadcast_in_dim3A_155 : i32 to vector<16xi32>
    %gather3A_157 = tpu.vector_load_idx %arg17[%broadcast_in_dim3A_156] : memref<128xf32, #tpu.memory_space<vmem>>[vector<16xi32>], vector<16xf32>,
    %mul3A_158 = arith.mulf %max3A_149, %gather3A_157 : vector<16xf32>
    %add3A_159 = arith.addf %add3A_134, %mul3A_158 : vector<16xf32>
    %broadcast_in_dim3A_160 = arith.constant 33 : i32
    %broadcast_in_dim3A_161 = vector.broadcast %broadcast_in_dim3A_160 : i32 to vector<16xi32>
    %gather3A_162 = tpu.vector_load_idx %arg17[%broadcast_in_dim3A_161] : memref<128xf32, #tpu.memory_space<vmem>>[vector<16xi32>], vector<16xf32>,
    %mul3A_163 = arith.mulf %max3A_149, %gather3A_162 : vector<16xf32>
    %add3A_164 = arith.addf %add3A_139, %mul3A_163 : vector<16xf32>
    %mul3A_165 = arith.constant 10 : i32
    %mul3A_166 = vector.broadcast %mul3A_165 : i32 to vector<16xi32>
    %mul3A_167 = arith.muli %min3A_8, %mul3A_166 : vector<16xi32>
    %add3A_168 = arith.constant 6 : i32
    %add3A_169 = vector.broadcast %add3A_168 : i32 to vector<16xi32>
    %add3A_170 = arith.addi %mul3A_167, %add3A_169 : vector<16xi32>
    %gather3A_171 = tpu.vector_load_idx %arg16[%add3A_170] : memref<256xf32, #tpu.memory_space<vmem>>[vector<16xi32>], vector<16xf32>,
    %max3A_172 = arith.constant 0.000000e+00 : f32
    %max3A_173 = vector.broadcast %max3A_172 : f32 to vector<16xf32>
    %max3A_174 = arith.maximumf %gather3A_171, %max3A_173 : vector<16xf32>
    %broadcast_in_dim3A_175 = arith.constant 34 : i32
    %broadcast_in_dim3A_176 = vector.broadcast %broadcast_in_dim3A_175 : i32 to vector<16xi32>
    %gather3A_177 = tpu.vector_load_idx %arg17[%broadcast_in_dim3A_176] : memref<128xf32, #tpu.memory_space<vmem>>[vector<16xi32>], vector<16xf32>,
    %mul3A_178 = arith.mulf %max3A_174, %gather3A_177 : vector<16xf32>
    %add3A_179 = arith.addf %add3A_154, %mul3A_178 : vector<16xf32>
    %broadcast_in_dim3A_180 = arith.constant 35 : i32
    %broadcast_in_dim3A_181 = vector.broadcast %broadcast_in_dim3A_180 : i32 to vector<16xi32>
    %gather3A_182 = tpu.vector_load_idx %arg17[%broadcast_in_dim3A_181] : memref<128xf32, #tpu.memory_space<vmem>>[vector<16xi32>], vector<16xf32>,
    %mul3A_183 = arith.mulf %max3A_174, %gather3A_182 : vector<16xf32>
    %add3A_184 = arith.addf %add3A_159, %mul3A_183 : vector<16xf32>
    %broadcast_in_dim3A_185 = arith.constant 36 : i32
    %broadcast_in_dim3A_186 = vector.broadcast %broadcast_in_dim3A_185 : i32 to vector<16xi32>
    %gather3A_187 = tpu.vector_load_idx %arg17[%broadcast_in_dim3A_186] : memref<128xf32, #tpu.memory_space<vmem>>[vector<16xi32>], vector<16xf32>,
    %mul3A_188 = arith.mulf %max3A_174, %gather3A_187 : vector<16xf32>
    %add3A_189 = arith.addf %add3A_164, %mul3A_188 : vector<16xf32>
    %mul3A_190 = arith.constant 10 : i32
    %mul3A_191 = vector.broadcast %mul3A_190 : i32 to vector<16xi32>
    %mul3A_192 = arith.muli %min3A_8, %mul3A_191 : vector<16xi32>
    %add3A_193 = arith.constant 7 : i32
    %add3A_194 = vector.broadcast %add3A_193 : i32 to vector<16xi32>
    %add3A_195 = arith.addi %mul3A_192, %add3A_194 : vector<16xi32>
    %gather3A_196 = tpu.vector_load_idx %arg16[%add3A_195] : memref<256xf32, #tpu.memory_space<vmem>>[vector<16xi32>], vector<16xf32>,
    %max3A_197 = arith.constant 0.000000e+00 : f32
    %max3A_198 = vector.broadcast %max3A_197 : f32 to vector<16xf32>
    %max3A_199 = arith.maximumf %gather3A_196, %max3A_198 : vector<16xf32>
    %broadcast_in_dim3A_200 = arith.constant 37 : i32
    %broadcast_in_dim3A_201 = vector.broadcast %broadcast_in_dim3A_200 : i32 to vector<16xi32>
    %gather3A_202 = tpu.vector_load_idx %arg17[%broadcast_in_dim3A_201] : memref<128xf32, #tpu.memory_space<vmem>>[vector<16xi32>], vector<16xf32>,
    %mul3A_203 = arith.mulf %max3A_199, %gather3A_202 : vector<16xf32>
    %add3A_204 = arith.addf %add3A_179, %mul3A_203 : vector<16xf32>
    %broadcast_in_dim3A_205 = arith.constant 38 : i32
    %broadcast_in_dim3A_206 = vector.broadcast %broadcast_in_dim3A_205 : i32 to vector<16xi32>
    %gather3A_207 = tpu.vector_load_idx %arg17[%broadcast_in_dim3A_206] : memref<128xf32, #tpu.memory_space<vmem>>[vector<16xi32>], vector<16xf32>,
    %mul3A_208 = arith.mulf %max3A_199, %gather3A_207 : vector<16xf32>
    %add3A_209 = arith.addf %add3A_184, %mul3A_208 : vector<16xf32>
    %broadcast_in_dim3A_210 = arith.constant 39 : i32
    %broadcast_in_dim3A_211 = vector.broadcast %broadcast_in_dim3A_210 : i32 to vector<16xi32>
    %gather3A_212 = tpu.vector_load_idx %arg17[%broadcast_in_dim3A_211] : memref<128xf32, #tpu.memory_space<vmem>>[vector<16xi32>], vector<16xf32>,
    %mul3A_213 = arith.mulf %max3A_199, %gather3A_212 : vector<16xf32>
    %add3A_214 = arith.addf %add3A_189, %mul3A_213 : vector<16xf32>
    %mul3A_215 = arith.constant 10 : i32
    %mul3A_216 = vector.broadcast %mul3A_215 : i32 to vector<16xi32>
    %mul3A_217 = arith.muli %min3A_8, %mul3A_216 : vector<16xi32>
    %add3A_218 = arith.constant 8 : i32
    %add3A_219 = vector.broadcast %add3A_218 : i32 to vector<16xi32>
    %add3A_220 = arith.addi %mul3A_217, %add3A_219 : vector<16xi32>
    %gather3A_221 = tpu.vector_load_idx %arg16[%add3A_220] : memref<256xf32, #tpu.memory_space<vmem>>[vector<16xi32>], vector<16xf32>,
    %max3A_222 = arith.constant 0.000000e+00 : f32
    %max3A_223 = vector.broadcast %max3A_222 : f32 to vector<16xf32>
    %max3A_224 = arith.maximumf %gather3A_221, %max3A_223 : vector<16xf32>
    %broadcast_in_dim3A_225 = arith.constant 40 : i32
    %broadcast_in_dim3A_226 = vector.broadcast %broadcast_in_dim3A_225 : i32 to vector<16xi32>
    %gather3A_227 = tpu.vector_load_idx %arg17[%broadcast_in_dim3A_226] : memref<128xf32, #tpu.memory_space<vmem>>[vector<16xi32>], vector<16xf32>,
    %mul3A_228 = arith.mulf %max3A_224, %gather3A_227 : vector<16xf32>
    %add3A_229 = arith.addf %add3A_204, %mul3A_228 : vector<16xf32>
    %broadcast_in_dim3A_230 = arith.constant 41 : i32
    %broadcast_in_dim3A_231 = vector.broadcast %broadcast_in_dim3A_230 : i32 to vector<16xi32>
    %gather3A_232 = tpu.vector_load_idx %arg17[%broadcast_in_dim3A_231] : memref<128xf32, #tpu.memory_space<vmem>>[vector<16xi32>], vector<16xf32>,
    %mul3A_233 = arith.mulf %max3A_224, %gather3A_232 : vector<16xf32>
    %add3A_234 = arith.addf %add3A_209, %mul3A_233 : vector<16xf32>
    %broadcast_in_dim3A_235 = arith.constant 42 : i32
    %broadcast_in_dim3A_236 = vector.broadcast %broadcast_in_dim3A_235 : i32 to vector<16xi32>
    %gather3A_237 = tpu.vector_load_idx %arg17[%broadcast_in_dim3A_236] : memref<128xf32, #tpu.memory_space<vmem>>[vector<16xi32>], vector<16xf32>,
    %mul3A_238 = arith.mulf %max3A_224, %gather3A_237 : vector<16xf32>
    %add3A_239 = arith.addf %add3A_214, %mul3A_238 : vector<16xf32>
    %mul3A_240 = arith.constant 10 : i32
    %mul3A_241 = vector.broadcast %mul3A_240 : i32 to vector<16xi32>
    %mul3A_242 = arith.muli %min3A_8, %mul3A_241 : vector<16xi32>
    %add3A_243 = arith.constant 9 : i32
    %add3A_244 = vector.broadcast %add3A_243 : i32 to vector<16xi32>
    %add3A_245 = arith.addi %mul3A_242, %add3A_244 : vector<16xi32>
    %gather3A_246 = tpu.vector_load_idx %arg16[%add3A_245] : memref<256xf32, #tpu.memory_space<vmem>>[vector<16xi32>], vector<16xf32>,
    %max3A_247 = arith.constant 0.000000e+00 : f32
    %max3A_248 = vector.broadcast %max3A_247 : f32 to vector<16xf32>
    %max3A_249 = arith.maximumf %gather3A_246, %max3A_248 : vector<16xf32>
    %broadcast_in_dim3A_250 = arith.constant 43 : i32
    %broadcast_in_dim3A_251 = vector.broadcast %broadcast_in_dim3A_250 : i32 to vector<16xi32>
    %gather3A_252 = tpu.vector_load_idx %arg17[%broadcast_in_dim3A_251] : memref<128xf32, #tpu.memory_space<vmem>>[vector<16xi32>], vector<16xf32>,
    %mul3A_253 = arith.mulf %max3A_249, %gather3A_252 : vector<16xf32>
    %add3A_254 = arith.addf %add3A_229, %mul3A_253 : vector<16xf32>
    %broadcast_in_dim3A_255 = arith.constant 44 : i32
    %broadcast_in_dim3A_256 = vector.broadcast %broadcast_in_dim3A_255 : i32 to vector<16xi32>
    %gather3A_257 = tpu.vector_load_idx %arg17[%broadcast_in_dim3A_256] : memref<128xf32, #tpu.memory_space<vmem>>[vector<16xi32>], vector<16xf32>,
    %mul3A_258 = arith.mulf %max3A_249, %gather3A_257 : vector<16xf32>
    %add3A_259 = arith.addf %add3A_234, %mul3A_258 : vector<16xf32>
    %broadcast_in_dim3A_260 = arith.constant 45 : i32
    %broadcast_in_dim3A_261 = vector.broadcast %broadcast_in_dim3A_260 : i32 to vector<16xi32>
    %gather3A_262 = tpu.vector_load_idx %arg17[%broadcast_in_dim3A_261] : memref<128xf32, #tpu.memory_space<vmem>>[vector<16xi32>], vector<16xf32>,
    %mul3A_263 = arith.mulf %max3A_249, %gather3A_262 : vector<16xf32>
    %add3A_264 = arith.addf %add3A_239, %mul3A_263 : vector<16xf32>
    %mul3A_265 = arith.constant 3 : i32
    %mul3A_266 = vector.broadcast %mul3A_265 : i32 to vector<16xi32>
    %mul3A_267 = arith.muli %min3A_8, %mul3A_266 : vector<16xi32>
    %add3A_268 = arith.constant 0 : i32
    %add3A_269 = vector.broadcast %add3A_268 : i32 to vector<16xi32>
    %add3A_270 = arith.addi %mul3A_267, %add3A_269 : vector<16xi32>
    tpu.vector_store_idx %arg15[%add3A_270], %add3A_254 : memref<128xf32, #tpu.memory_space<vmem>>[vector<16xi32>], vector<16xf32>,
    %mul3A_271 = arith.constant 3 : i32
    %mul3A_272 = vector.broadcast %mul3A_271 : i32 to vector<16xi32>
    %mul3A_273 = arith.muli %min3A_8, %mul3A_272 : vector<16xi32>
    %add3A_274 = arith.constant 1 : i32
    %add3A_275 = vector.broadcast %add3A_274 : i32 to vector<16xi32>
    %add3A_276 = arith.addi %mul3A_273, %add3A_275 : vector<16xi32>
    tpu.vector_store_idx %arg15[%add3A_276], %add3A_259 : memref<128xf32, #tpu.memory_space<vmem>>[vector<16xi32>], vector<16xf32>,
    %mul3A_277 = arith.constant 3 : i32
    %mul3A_278 = vector.broadcast %mul3A_277 : i32 to vector<16xi32>
    %mul3A_279 = arith.muli %min3A_8, %mul3A_278 : vector<16xi32>
    %add3A_280 = arith.constant 2 : i32
    %add3A_281 = vector.broadcast %add3A_280 : i32 to vector<16xi32>
    %add3A_282 = arith.addi %mul3A_279, %add3A_281 : vector<16xi32>
    tpu.vector_store_idx %arg15[%add3A_282], %add3A_264 : memref<128xf32, #tpu.memory_space<vmem>>[vector<16xi32>], vector<16xf32>,
    %add3A_283 = arith.constant 16 : i32
    %add3A_284 = vector.broadcast %add3A_283 : i32 to vector<16xi32>
    %add3A_285 = arith.addi %iota3A, %add3A_284 : vector<16xi32>
    %min3A_286 = arith.constant 19 : i32
    %min3A_287 = vector.broadcast %min3A_286 : i32 to vector<16xi32>
    %min3A_288 = arith.minsi %add3A_285, %min3A_287 : vector<16xi32>
    %broadcast_in_dim3A_289 = arith.constant 16 : i32
    %broadcast_in_dim3A_290 = vector.broadcast %broadcast_in_dim3A_289 : i32 to vector<16xi32>
    %gather3A_291 = tpu.vector_load_idx %arg18[%broadcast_in_dim3A_290] : memref<128xf32, #tpu.memory_space<vmem>>[vector<16xi32>], vector<16xf32>,
    %broadcast_in_dim3A_292 = arith.constant 17 : i32
    %broadcast_in_dim3A_293 = vector.broadcast %broadcast_in_dim3A_292 : i32 to vector<16xi32>
    %gather3A_294 = tpu.vector_load_idx %arg18[%broadcast_in_dim3A_293] : memref<128xf32, #tpu.memory_space<vmem>>[vector<16xi32>], vector<16xf32>,
    %broadcast_in_dim3A_295 = arith.constant 18 : i32
    %broadcast_in_dim3A_296 = vector.broadcast %broadcast_in_dim3A_295 : i32 to vector<16xi32>
    %gather3A_297 = tpu.vector_load_idx %arg18[%broadcast_in_dim3A_296] : memref<128xf32, #tpu.memory_space<vmem>>[vector<16xi32>], vector<16xf32>,
    %mul3A_298 = arith.constant 10 : i32
    %mul3A_299 = vector.broadcast %mul3A_298 : i32 to vector<16xi32>
    %mul3A_300 = arith.muli %min3A_288, %mul3A_299 : vector<16xi32>
    %add3A_301 = arith.constant 0 : i32
    %add3A_302 = vector.broadcast %add3A_301 : i32 to vector<16xi32>
    %add3A_303 = arith.addi %mul3A_300, %add3A_302 : vector<16xi32>
    %gather3A_304 = tpu.vector_load_idx %arg16[%add3A_303] : memref<256xf32, #tpu.memory_space<vmem>>[vector<16xi32>], vector<16xf32>,
    %max3A_305 = arith.constant 0.000000e+00 : f32
    %max3A_306 = vector.broadcast %max3A_305 : f32 to vector<16xf32>
    %max3A_307 = arith.maximumf %gather3A_304, %max3A_306 : vector<16xf32>
    %broadcast_in_dim3A_308 = arith.constant 16 : i32
    %broadcast_in_dim3A_309 = vector.broadcast %broadcast_in_dim3A_308 : i32 to vector<16xi32>
    %gather3A_310 = tpu.vector_load_idx %arg17[%broadcast_in_dim3A_309] : memref<128xf32, #tpu.memory_space<vmem>>[vector<16xi32>], vector<16xf32>,
    %mul3A_311 = arith.mulf %max3A_307, %gather3A_310 : vector<16xf32>
    %add3A_312 = arith.addf %gather3A_291, %mul3A_311 : vector<16xf32>
    %broadcast_in_dim3A_313 = arith.constant 17 : i32
    %broadcast_in_dim3A_314 = vector.broadcast %broadcast_in_dim3A_313 : i32 to vector<16xi32>
    %gather3A_315 = tpu.vector_load_idx %arg17[%broadcast_in_dim3A_314] : memref<128xf32, #tpu.memory_space<vmem>>[vector<16xi32>], vector<16xf32>,
    %mul3A_316 = arith.mulf %max3A_307, %gather3A_315 : vector<16xf32>
    %add3A_317 = arith.addf %gather3A_294, %mul3A_316 : vector<16xf32>
    %broadcast_in_dim3A_318 = arith.constant 18 : i32
    %broadcast_in_dim3A_319 = vector.broadcast %broadcast_in_dim3A_318 : i32 to vector<16xi32>
    %gather3A_320 = tpu.vector_load_idx %arg17[%broadcast_in_dim3A_319] : memref<128xf32, #tpu.memory_space<vmem>>[vector<16xi32>], vector<16xf32>,
    %mul3A_321 = arith.mulf %max3A_307, %gather3A_320 : vector<16xf32>
    %add3A_322 = arith.addf %gather3A_297, %mul3A_321 : vector<16xf32>
    %mul3A_323 = arith.constant 10 : i32
    %mul3A_324 = vector.broadcast %mul3A_323 : i32 to vector<16xi32>
    %mul3A_325 = arith.muli %min3A_288, %mul3A_324 : vector<16xi32>
    %add3A_326 = arith.constant 1 : i32
    %add3A_327 = vector.broadcast %add3A_326 : i32 to vector<16xi32>
    %add3A_328 = arith.addi %mul3A_325, %add3A_327 : vector<16xi32>
    %gather3A_329 = tpu.vector_load_idx %arg16[%add3A_328] : memref<256xf32, #tpu.memory_space<vmem>>[vector<16xi32>], vector<16xf32>,
    %max3A_330 = arith.constant 0.000000e+00 : f32
    %max3A_331 = vector.broadcast %max3A_330 : f32 to vector<16xf32>
    %max3A_332 = arith.maximumf %gather3A_329, %max3A_331 : vector<16xf32>
    %broadcast_in_dim3A_333 = arith.constant 19 : i32
    %broadcast_in_dim3A_334 = vector.broadcast %broadcast_in_dim3A_333 : i32 to vector<16xi32>
    %gather3A_335 = tpu.vector_load_idx %arg17[%broadcast_in_dim3A_334] : memref<128xf32, #tpu.memory_space<vmem>>[vector<16xi32>], vector<16xf32>,
    %mul3A_336 = arith.mulf %max3A_332, %gather3A_335 : vector<16xf32>
    %add3A_337 = arith.addf %add3A_312, %mul3A_336 : vector<16xf32>
    %broadcast_in_dim3A_338 = arith.constant 20 : i32
    %broadcast_in_dim3A_339 = vector.broadcast %broadcast_in_dim3A_338 : i32 to vector<16xi32>
    %gather3A_340 = tpu.vector_load_idx %arg17[%broadcast_in_dim3A_339] : memref<128xf32, #tpu.memory_space<vmem>>[vector<16xi32>], vector<16xf32>,
    %mul3A_341 = arith.mulf %max3A_332, %gather3A_340 : vector<16xf32>
    %add3A_342 = arith.addf %add3A_317, %mul3A_341 : vector<16xf32>
    %broadcast_in_dim3A_343 = arith.constant 21 : i32
    %broadcast_in_dim3A_344 = vector.broadcast %broadcast_in_dim3A_343 : i32 to vector<16xi32>
    %gather3A_345 = tpu.vector_load_idx %arg17[%broadcast_in_dim3A_344] : memref<128xf32, #tpu.memory_space<vmem>>[vector<16xi32>], vector<16xf32>,
    %mul3A_346 = arith.mulf %max3A_332, %gather3A_345 : vector<16xf32>
    %add3A_347 = arith.addf %add3A_322, %mul3A_346 : vector<16xf32>
    %mul3A_348 = arith.constant 10 : i32
    %mul3A_349 = vector.broadcast %mul3A_348 : i32 to vector<16xi32>
    %mul3A_350 = arith.muli %min3A_288, %mul3A_349 : vector<16xi32>
    %add3A_351 = arith.constant 2 : i32
    %add3A_352 = vector.broadcast %add3A_351 : i32 to vector<16xi32>
    %add3A_353 = arith.addi %mul3A_350, %add3A_352 : vector<16xi32>
    %gather3A_354 = tpu.vector_load_idx %arg16[%add3A_353] : memref<256xf32, #tpu.memory_space<vmem>>[vector<16xi32>], vector<16xf32>,
    %max3A_355 = arith.constant 0.000000e+00 : f32
    %max3A_356 = vector.broadcast %max3A_355 : f32 to vector<16xf32>
    %max3A_357 = arith.maximumf %gather3A_354, %max3A_356 : vector<16xf32>
    %broadcast_in_dim3A_358 = arith.constant 22 : i32
    %broadcast_in_dim3A_359 = vector.broadcast %broadcast_in_dim3A_358 : i32 to vector<16xi32>
    %gather3A_360 = tpu.vector_load_idx %arg17[%broadcast_in_dim3A_359] : memref<128xf32, #tpu.memory_space<vmem>>[vector<16xi32>], vector<16xf32>,
    %mul3A_361 = arith.mulf %max3A_357, %gather3A_360 : vector<16xf32>
    %add3A_362 = arith.addf %add3A_337, %mul3A_361 : vector<16xf32>
    %broadcast_in_dim3A_363 = arith.constant 23 : i32
    %broadcast_in_dim3A_364 = vector.broadcast %broadcast_in_dim3A_363 : i32 to vector<16xi32>
    %gather3A_365 = tpu.vector_load_idx %arg17[%broadcast_in_dim3A_364] : memref<128xf32, #tpu.memory_space<vmem>>[vector<16xi32>], vector<16xf32>,
    %mul3A_366 = arith.mulf %max3A_357, %gather3A_365 : vector<16xf32>
    %add3A_367 = arith.addf %add3A_342, %mul3A_366 : vector<16xf32>
    %broadcast_in_dim3A_368 = arith.constant 24 : i32
    %broadcast_in_dim3A_369 = vector.broadcast %broadcast_in_dim3A_368 : i32 to vector<16xi32>
    %gather3A_370 = tpu.vector_load_idx %arg17[%broadcast_in_dim3A_369] : memref<128xf32, #tpu.memory_space<vmem>>[vector<16xi32>], vector<16xf32>,
    %mul3A_371 = arith.mulf %max3A_357, %gather3A_370 : vector<16xf32>
    %add3A_372 = arith.addf %add3A_347, %mul3A_371 : vector<16xf32>
    %mul3A_373 = arith.constant 10 : i32
    %mul3A_374 = vector.broadcast %mul3A_373 : i32 to vector<16xi32>
    %mul3A_375 = arith.muli %min3A_288, %mul3A_374 : vector<16xi32>
    %add3A_376 = arith.constant 3 : i32
    %add3A_377 = vector.broadcast %add3A_376 : i32 to vector<16xi32>
    %add3A_378 = arith.addi %mul3A_375, %add3A_377 : vector<16xi32>
    %gather3A_379 = tpu.vector_load_idx %arg16[%add3A_378] : memref<256xf32, #tpu.memory_space<vmem>>[vector<16xi32>], vector<16xf32>,
    %max3A_380 = arith.constant 0.000000e+00 : f32
    %max3A_381 = vector.broadcast %max3A_380 : f32 to vector<16xf32>
    %max3A_382 = arith.maximumf %gather3A_379, %max3A_381 : vector<16xf32>
    %broadcast_in_dim3A_383 = arith.constant 25 : i32
    %broadcast_in_dim3A_384 = vector.broadcast %broadcast_in_dim3A_383 : i32 to vector<16xi32>
    %gather3A_385 = tpu.vector_load_idx %arg17[%broadcast_in_dim3A_384] : memref<128xf32, #tpu.memory_space<vmem>>[vector<16xi32>], vector<16xf32>,
    %mul3A_386 = arith.mulf %max3A_382, %gather3A_385 : vector<16xf32>
    %add3A_387 = arith.addf %add3A_362, %mul3A_386 : vector<16xf32>
    %broadcast_in_dim3A_388 = arith.constant 26 : i32
    %broadcast_in_dim3A_389 = vector.broadcast %broadcast_in_dim3A_388 : i32 to vector<16xi32>
    %gather3A_390 = tpu.vector_load_idx %arg17[%broadcast_in_dim3A_389] : memref<128xf32, #tpu.memory_space<vmem>>[vector<16xi32>], vector<16xf32>,
    %mul3A_391 = arith.mulf %max3A_382, %gather3A_390 : vector<16xf32>
    %add3A_392 = arith.addf %add3A_367, %mul3A_391 : vector<16xf32>
    %broadcast_in_dim3A_393 = arith.constant 27 : i32
    %broadcast_in_dim3A_394 = vector.broadcast %broadcast_in_dim3A_393 : i32 to vector<16xi32>
    %gather3A_395 = tpu.vector_load_idx %arg17[%broadcast_in_dim3A_394] : memref<128xf32, #tpu.memory_space<vmem>>[vector<16xi32>], vector<16xf32>,
    %mul3A_396 = arith.mulf %max3A_382, %gather3A_395 : vector<16xf32>
    %add3A_397 = arith.addf %add3A_372, %mul3A_396 : vector<16xf32>
    %mul3A_398 = arith.constant 10 : i32
    %mul3A_399 = vector.broadcast %mul3A_398 : i32 to vector<16xi32>
    %mul3A_400 = arith.muli %min3A_288, %mul3A_399 : vector<16xi32>
    %add3A_401 = arith.constant 4 : i32
    %add3A_402 = vector.broadcast %add3A_401 : i32 to vector<16xi32>
    %add3A_403 = arith.addi %mul3A_400, %add3A_402 : vector<16xi32>
    %gather3A_404 = tpu.vector_load_idx %arg16[%add3A_403] : memref<256xf32, #tpu.memory_space<vmem>>[vector<16xi32>], vector<16xf32>,
    %max3A_405 = arith.constant 0.000000e+00 : f32
    %max3A_406 = vector.broadcast %max3A_405 : f32 to vector<16xf32>
    %max3A_407 = arith.maximumf %gather3A_404, %max3A_406 : vector<16xf32>
    %broadcast_in_dim3A_408 = arith.constant 28 : i32
    %broadcast_in_dim3A_409 = vector.broadcast %broadcast_in_dim3A_408 : i32 to vector<16xi32>
    %gather3A_410 = tpu.vector_load_idx %arg17[%broadcast_in_dim3A_409] : memref<128xf32, #tpu.memory_space<vmem>>[vector<16xi32>], vector<16xf32>,
    %mul3A_411 = arith.mulf %max3A_407, %gather3A_410 : vector<16xf32>
    %add3A_412 = arith.addf %add3A_387, %mul3A_411 : vector<16xf32>
    %broadcast_in_dim3A_413 = arith.constant 29 : i32
    %broadcast_in_dim3A_414 = vector.broadcast %broadcast_in_dim3A_413 : i32 to vector<16xi32>
    %gather3A_415 = tpu.vector_load_idx %arg17[%broadcast_in_dim3A_414] : memref<128xf32, #tpu.memory_space<vmem>>[vector<16xi32>], vector<16xf32>,
    %mul3A_416 = arith.mulf %max3A_407, %gather3A_415 : vector<16xf32>
    %add3A_417 = arith.addf %add3A_392, %mul3A_416 : vector<16xf32>
    %broadcast_in_dim3A_418 = arith.constant 30 : i32
    %broadcast_in_dim3A_419 = vector.broadcast %broadcast_in_dim3A_418 : i32 to vector<16xi32>
    %gather3A_420 = tpu.vector_load_idx %arg17[%broadcast_in_dim3A_419] : memref<128xf32, #tpu.memory_space<vmem>>[vector<16xi32>], vector<16xf32>,
    %mul3A_421 = arith.mulf %max3A_407, %gather3A_420 : vector<16xf32>
    %add3A_422 = arith.addf %add3A_397, %mul3A_421 : vector<16xf32>
    %mul3A_423 = arith.constant 10 : i32
    %mul3A_424 = vector.broadcast %mul3A_423 : i32 to vector<16xi32>
    %mul3A_425 = arith.muli %min3A_288, %mul3A_424 : vector<16xi32>
    %add3A_426 = arith.constant 5 : i32
    %add3A_427 = vector.broadcast %add3A_426 : i32 to vector<16xi32>
    %add3A_428 = arith.addi %mul3A_425, %add3A_427 : vector<16xi32>
    %gather3A_429 = tpu.vector_load_idx %arg16[%add3A_428] : memref<256xf32, #tpu.memory_space<vmem>>[vector<16xi32>], vector<16xf32>,
    %max3A_430 = arith.constant 0.000000e+00 : f32
    %max3A_431 = vector.broadcast %max3A_430 : f32 to vector<16xf32>
    %max3A_432 = arith.maximumf %gather3A_429, %max3A_431 : vector<16xf32>
    %broadcast_in_dim3A_433 = arith.constant 31 : i32
    %broadcast_in_dim3A_434 = vector.broadcast %broadcast_in_dim3A_433 : i32 to vector<16xi32>
    %gather3A_435 = tpu.vector_load_idx %arg17[%broadcast_in_dim3A_434] : memref<128xf32, #tpu.memory_space<vmem>>[vector<16xi32>], vector<16xf32>,
    %mul3A_436 = arith.mulf %max3A_432, %gather3A_435 : vector<16xf32>
    %add3A_437 = arith.addf %add3A_412, %mul3A_436 : vector<16xf32>
    %broadcast_in_dim3A_438 = arith.constant 32 : i32
    %broadcast_in_dim3A_439 = vector.broadcast %broadcast_in_dim3A_438 : i32 to vector<16xi32>
    %gather3A_440 = tpu.vector_load_idx %arg17[%broadcast_in_dim3A_439] : memref<128xf32, #tpu.memory_space<vmem>>[vector<16xi32>], vector<16xf32>,
    %mul3A_441 = arith.mulf %max3A_432, %gather3A_440 : vector<16xf32>
    %add3A_442 = arith.addf %add3A_417, %mul3A_441 : vector<16xf32>
    %broadcast_in_dim3A_443 = arith.constant 33 : i32
    %broadcast_in_dim3A_444 = vector.broadcast %broadcast_in_dim3A_443 : i32 to vector<16xi32>
    %gather3A_445 = tpu.vector_load_idx %arg17[%broadcast_in_dim3A_444] : memref<128xf32, #tpu.memory_space<vmem>>[vector<16xi32>], vector<16xf32>,
    %mul3A_446 = arith.mulf %max3A_432, %gather3A_445 : vector<16xf32>
    %add3A_447 = arith.addf %add3A_422, %mul3A_446 : vector<16xf32>
    %mul3A_448 = arith.constant 10 : i32
    %mul3A_449 = vector.broadcast %mul3A_448 : i32 to vector<16xi32>
    %mul3A_450 = arith.muli %min3A_288, %mul3A_449 : vector<16xi32>
    %add3A_451 = arith.constant 6 : i32
    %add3A_452 = vector.broadcast %add3A_451 : i32 to vector<16xi32>
    %add3A_453 = arith.addi %mul3A_450, %add3A_452 : vector<16xi32>
    %gather3A_454 = tpu.vector_load_idx %arg16[%add3A_453] : memref<256xf32, #tpu.memory_space<vmem>>[vector<16xi32>], vector<16xf32>,
    %max3A_455 = arith.constant 0.000000e+00 : f32
    %max3A_456 = vector.broadcast %max3A_455 : f32 to vector<16xf32>
    %max3A_457 = arith.maximumf %gather3A_454, %max3A_456 : vector<16xf32>
    %broadcast_in_dim3A_458 = arith.constant 34 : i32
    %broadcast_in_dim3A_459 = vector.broadcast %broadcast_in_dim3A_458 : i32 to vector<16xi32>
    %gather3A_460 = tpu.vector_load_idx %arg17[%broadcast_in_dim3A_459] : memref<128xf32, #tpu.memory_space<vmem>>[vector<16xi32>], vector<16xf32>,
    %mul3A_461 = arith.mulf %max3A_457, %gather3A_460 : vector<16xf32>
    %add3A_462 = arith.addf %add3A_437, %mul3A_461 : vector<16xf32>
    %broadcast_in_dim3A_463 = arith.constant 35 : i32
    %broadcast_in_dim3A_464 = vector.broadcast %broadcast_in_dim3A_463 : i32 to vector<16xi32>
    %gather3A_465 = tpu.vector_load_idx %arg17[%broadcast_in_dim3A_464] : memref<128xf32, #tpu.memory_space<vmem>>[vector<16xi32>], vector<16xf32>,
    %mul3A_466 = arith.mulf %max3A_457, %gather3A_465 : vector<16xf32>
    %add3A_467 = arith.addf %add3A_442, %mul3A_466 : vector<16xf32>
    %broadcast_in_dim3A_468 = arith.constant 36 : i32
    %broadcast_in_dim3A_469 = vector.broadcast %broadcast_in_dim3A_468 : i32 to vector<16xi32>
    %gather3A_470 = tpu.vector_load_idx %arg17[%broadcast_in_dim3A_469] : memref<128xf32, #tpu.memory_space<vmem>>[vector<16xi32>], vector<16xf32>,
    %mul3A_471 = arith.mulf %max3A_457, %gather3A_470 : vector<16xf32>
    %add3A_472 = arith.addf %add3A_447, %mul3A_471 : vector<16xf32>
    %mul3A_473 = arith.constant 10 : i32
    %mul3A_474 = vector.broadcast %mul3A_473 : i32 to vector<16xi32>
    %mul3A_475 = arith.muli %min3A_288, %mul3A_474 : vector<16xi32>
    %add3A_476 = arith.constant 7 : i32
    %add3A_477 = vector.broadcast %add3A_476 : i32 to vector<16xi32>
    %add3A_478 = arith.addi %mul3A_475, %add3A_477 : vector<16xi32>
    %gather3A_479 = tpu.vector_load_idx %arg16[%add3A_478] : memref<256xf32, #tpu.memory_space<vmem>>[vector<16xi32>], vector<16xf32>,
    %max3A_480 = arith.constant 0.000000e+00 : f32
    %max3A_481 = vector.broadcast %max3A_480 : f32 to vector<16xf32>
    %max3A_482 = arith.maximumf %gather3A_479, %max3A_481 : vector<16xf32>
    %broadcast_in_dim3A_483 = arith.constant 37 : i32
    %broadcast_in_dim3A_484 = vector.broadcast %broadcast_in_dim3A_483 : i32 to vector<16xi32>
    %gather3A_485 = tpu.vector_load_idx %arg17[%broadcast_in_dim3A_484] : memref<128xf32, #tpu.memory_space<vmem>>[vector<16xi32>], vector<16xf32>,
    %mul3A_486 = arith.mulf %max3A_482, %gather3A_485 : vector<16xf32>
    %add3A_487 = arith.addf %add3A_462, %mul3A_486 : vector<16xf32>
    %broadcast_in_dim3A_488 = arith.constant 38 : i32
    %broadcast_in_dim3A_489 = vector.broadcast %broadcast_in_dim3A_488 : i32 to vector<16xi32>
    %gather3A_490 = tpu.vector_load_idx %arg17[%broadcast_in_dim3A_489] : memref<128xf32, #tpu.memory_space<vmem>>[vector<16xi32>], vector<16xf32>,
    %mul3A_491 = arith.mulf %max3A_482, %gather3A_490 : vector<16xf32>
    %add3A_492 = arith.addf %add3A_467, %mul3A_491 : vector<16xf32>
    %broadcast_in_dim3A_493 = arith.constant 39 : i32
    %broadcast_in_dim3A_494 = vector.broadcast %broadcast_in_dim3A_493 : i32 to vector<16xi32>
    %gather3A_495 = tpu.vector_load_idx %arg17[%broadcast_in_dim3A_494] : memref<128xf32, #tpu.memory_space<vmem>>[vector<16xi32>], vector<16xf32>,
    %mul3A_496 = arith.mulf %max3A_482, %gather3A_495 : vector<16xf32>
    %add3A_497 = arith.addf %add3A_472, %mul3A_496 : vector<16xf32>
    %mul3A_498 = arith.constant 10 : i32
    %mul3A_499 = vector.broadcast %mul3A_498 : i32 to vector<16xi32>
    %mul3A_500 = arith.muli %min3A_288, %mul3A_499 : vector<16xi32>
    %add3A_501 = arith.constant 8 : i32
    %add3A_502 = vector.broadcast %add3A_501 : i32 to vector<16xi32>
    %add3A_503 = arith.addi %mul3A_500, %add3A_502 : vector<16xi32>
    %gather3A_504 = tpu.vector_load_idx %arg16[%add3A_503] : memref<256xf32, #tpu.memory_space<vmem>>[vector<16xi32>], vector<16xf32>,
    %max3A_505 = arith.constant 0.000000e+00 : f32
    %max3A_506 = vector.broadcast %max3A_505 : f32 to vector<16xf32>
    %max3A_507 = arith.maximumf %gather3A_504, %max3A_506 : vector<16xf32>
    %broadcast_in_dim3A_508 = arith.constant 40 : i32
    %broadcast_in_dim3A_509 = vector.broadcast %broadcast_in_dim3A_508 : i32 to vector<16xi32>
    %gather3A_510 = tpu.vector_load_idx %arg17[%broadcast_in_dim3A_509] : memref<128xf32, #tpu.memory_space<vmem>>[vector<16xi32>], vector<16xf32>,
    %mul3A_511 = arith.mulf %max3A_507, %gather3A_510 : vector<16xf32>
    %add3A_512 = arith.addf %add3A_487, %mul3A_511 : vector<16xf32>
    %broadcast_in_dim3A_513 = arith.constant 41 : i32
    %broadcast_in_dim3A_514 = vector.broadcast %broadcast_in_dim3A_513 : i32 to vector<16xi32>
    %gather3A_515 = tpu.vector_load_idx %arg17[%broadcast_in_dim3A_514] : memref<128xf32, #tpu.memory_space<vmem>>[vector<16xi32>], vector<16xf32>,
    %mul3A_516 = arith.mulf %max3A_507, %gather3A_515 : vector<16xf32>
    %add3A_517 = arith.addf %add3A_492, %mul3A_516 : vector<16xf32>
    %broadcast_in_dim3A_518 = arith.constant 42 : i32
    %broadcast_in_dim3A_519 = vector.broadcast %broadcast_in_dim3A_518 : i32 to vector<16xi32>
    %gather3A_520 = tpu.vector_load_idx %arg17[%broadcast_in_dim3A_519] : memref<128xf32, #tpu.memory_space<vmem>>[vector<16xi32>], vector<16xf32>,
    %mul3A_521 = arith.mulf %max3A_507, %gather3A_520 : vector<16xf32>
    %add3A_522 = arith.addf %add3A_497, %mul3A_521 : vector<16xf32>
    %mul3A_523 = arith.constant 10 : i32
    %mul3A_524 = vector.broadcast %mul3A_523 : i32 to vector<16xi32>
    %mul3A_525 = arith.muli %min3A_288, %mul3A_524 : vector<16xi32>
    %add3A_526 = arith.constant 9 : i32
    %add3A_527 = vector.broadcast %add3A_526 : i32 to vector<16xi32>
    %add3A_528 = arith.addi %mul3A_525, %add3A_527 : vector<16xi32>
    %gather3A_529 = tpu.vector_load_idx %arg16[%add3A_528] : memref<256xf32, #tpu.memory_space<vmem>>[vector<16xi32>], vector<16xf32>,
    %max3A_530 = arith.constant 0.000000e+00 : f32
    %max3A_531 = vector.broadcast %max3A_530 : f32 to vector<16xf32>
    %max3A_532 = arith.maximumf %gather3A_529, %max3A_531 : vector<16xf32>
    %broadcast_in_dim3A_533 = arith.constant 43 : i32
    %broadcast_in_dim3A_534 = vector.broadcast %broadcast_in_dim3A_533 : i32 to vector<16xi32>
    %gather3A_535 = tpu.vector_load_idx %arg17[%broadcast_in_dim3A_534] : memref<128xf32, #tpu.memory_space<vmem>>[vector<16xi32>], vector<16xf32>,
    %mul3A_536 = arith.mulf %max3A_532, %gather3A_535 : vector<16xf32>
    %add3A_537 = arith.addf %add3A_512, %mul3A_536 : vector<16xf32>
    %broadcast_in_dim3A_538 = arith.constant 44 : i32
    %broadcast_in_dim3A_539 = vector.broadcast %broadcast_in_dim3A_538 : i32 to vector<16xi32>
    %gather3A_540 = tpu.vector_load_idx %arg17[%broadcast_in_dim3A_539] : memref<128xf32, #tpu.memory_space<vmem>>[vector<16xi32>], vector<16xf32>,
    %mul3A_541 = arith.mulf %max3A_532, %gather3A_540 : vector<16xf32>
    %add3A_542 = arith.addf %add3A_517, %mul3A_541 : vector<16xf32>
    %broadcast_in_dim3A_543 = arith.constant 45 : i32
    %broadcast_in_dim3A_544 = vector.broadcast %broadcast_in_dim3A_543 : i32 to vector<16xi32>
    %gather3A_545 = tpu.vector_load_idx %arg17[%broadcast_in_dim3A_544] : memref<128xf32, #tpu.memory_space<vmem>>[vector<16xi32>], vector<16xf32>,
    %mul3A_546 = arith.mulf %max3A_532, %gather3A_545 : vector<16xf32>
    %add3A_547 = arith.addf %add3A_522, %mul3A_546 : vector<16xf32>
    %mul3A_548 = arith.constant 3 : i32
    %mul3A_549 = vector.broadcast %mul3A_548 : i32 to vector<16xi32>
    %mul3A_550 = arith.muli %min3A_288, %mul3A_549 : vector<16xi32>
    %add3A_551 = arith.constant 0 : i32
    %add3A_552 = vector.broadcast %add3A_551 : i32 to vector<16xi32>
    %add3A_553 = arith.addi %mul3A_550, %add3A_552 : vector<16xi32>
    tpu.vector_store_idx %arg15[%add3A_553], %add3A_537 : memref<128xf32, #tpu.memory_space<vmem>>[vector<16xi32>], vector<16xf32>,
    %mul3A_554 = arith.constant 3 : i32
    %mul3A_555 = vector.broadcast %mul3A_554 : i32 to vector<16xi32>
    %mul3A_556 = arith.muli %min3A_288, %mul3A_555 : vector<16xi32>
    %add3A_557 = arith.constant 1 : i32
    %add3A_558 = vector.broadcast %add3A_557 : i32 to vector<16xi32>
    %add3A_559 = arith.addi %mul3A_556, %add3A_558 : vector<16xi32>
    tpu.vector_store_idx %arg15[%add3A_559], %add3A_542 : memref<128xf32, #tpu.memory_space<vmem>>[vector<16xi32>], vector<16xf32>,
    %mul3A_560 = arith.constant 3 : i32
    %mul3A_561 = vector.broadcast %mul3A_560 : i32 to vector<16xi32>
    %mul3A_562 = arith.muli %min3A_288, %mul3A_561 : vector<16xi32>
    %add3A_563 = arith.constant 2 : i32
    %add3A_564 = vector.broadcast %add3A_563 : i32 to vector<16xi32>
    %add3A_565 = arith.addi %mul3A_562, %add3A_564 : vector<16xi32>
    tpu.vector_store_idx %arg15[%add3A_565], %add3A_547 : memref<128xf32, #tpu.memory_space<vmem>>[vector<16xi32>], vector<16xf32>,
    %add3A_566 = arith.constant 0 : i32
    %add3A_567 = arith.addi %mul3A_2, %add3A_566 : i32
    %add3A_568 = arith.constant 10240 : i32
    %add3A_569 = arith.addi %add3A_567, %add3A_568 : i32
    %dma_start3A_570 = tpu.memref_slice %arg2[%add3A_569] : memref<3276800xi32, #tpu.memory_space<hbm>> -> memref<10240xi32, #tpu.memory_space<hbm>>
    %dma_start3A_571 = tpu.memref_slice %arg2[%add3A_569] : memref<3276800xi32, #tpu.memory_space<hbm>> -> memref<10240xi32, #tpu.memory_space<hbm>>
    tpu.enqueue_dma source(%dma_start3A_571 : memref<10240xi32, #tpu.memory_space<hbm>>) target(%arg8 : memref<10240xi32, #tpu.memory_space<vmem>>) target_semaphore(%arg20 : memref<!tpu.dma_semaphore, #tpu.memory_space<semaphore_mem>>)
    %dma_wait3A = tpu.memref_slice %arg2[%mul3A_2] : memref<3276800xi32, #tpu.memory_space<hbm>> -> memref<10240xi32, #tpu.memory_space<hbm>>
    %dma_wait3A_572 = tpu.memref_slice %arg2[%mul3A_2] : memref<3276800xi32, #tpu.memory_space<hbm>> -> memref<10240xi32, #tpu.memory_space<hbm>>
    tpu.wait_dma2 semaphore(%arg19 : memref<!tpu.dma_semaphore, #tpu.memory_space<semaphore_mem>>) src(%dma_wait3A_572 : memref<10240xi32, #tpu.memory_space<hbm>>) dst(%arg7 : memref<10240xi32, #tpu.memory_space<vmem>>)
    %parallel_loop3A = arith.constant 0 : i32
    %parallel_loop3A_573 = arith.constant 10240 : i32
    %parallel_loop3A_574 = arith.constant 16 : i32
    scf.for %parallel_loop3A_850 = %parallel_loop3A to %parallel_loop3A_573 step %parallel_loop3A_574  : i32 {
      %parallel_loop3A_851 = arith.index_cast %parallel_loop3A_850 : i32 to index
      %parallel_loop3A_852 = tpu.vector_load %arg7[%parallel_loop3A_851] {strides = array<i32>} : memref<10240xi32, #tpu.memory_space<vmem>>, vector<16xi32>,
      %parallel_loop3A_853 = arith.constant 3 : i32
      %parallel_loop3A_854 = vector.broadcast %parallel_loop3A_853 : i32 to vector<16xi32>
      %parallel_loop3A_855 = arith.muli %parallel_loop3A_852, %parallel_loop3A_854 : vector<16xi32>
      %parallel_loop3A_856 = arith.constant 0 : i32
      %parallel_loop3A_857 = vector.broadcast %parallel_loop3A_856 : i32 to vector<16xi32>
      %parallel_loop3A_858 = arith.addi %parallel_loop3A_855, %parallel_loop3A_857 : vector<16xi32>
      %parallel_loop3A_859 = tpu.vector_load_idx %arg15[%parallel_loop3A_858] : memref<128xf32, #tpu.memory_space<vmem>>[vector<16xi32>], vector<16xf32>,
      %parallel_loop3A_860 = arith.index_cast %parallel_loop3A_850 : i32 to index
      %parallel_loop3A_861 = tpu.vector_load %arg9[%parallel_loop3A_860] {strides = array<i32>} : memref<10240xf32, #tpu.memory_space<vmem>>, vector<16xf32>,
      tpu.vector_store %arg9[%parallel_loop3A_860], %parallel_loop3A_859 {strides = array<i32>} : memref<10240xf32, #tpu.memory_space<vmem>>, vector<16xf32>,
      %parallel_loop3A_862 = arith.constant 1 : i32
      %parallel_loop3A_863 = vector.broadcast %parallel_loop3A_862 : i32 to vector<16xi32>
      %parallel_loop3A_864 = arith.addi %parallel_loop3A_855, %parallel_loop3A_863 : vector<16xi32>
      %parallel_loop3A_865 = tpu.vector_load_idx %arg15[%parallel_loop3A_864] : memref<128xf32, #tpu.memory_space<vmem>>[vector<16xi32>], vector<16xf32>,
      %parallel_loop3A_866 = arith.index_cast %parallel_loop3A_850 : i32 to index
      %parallel_loop3A_867 = tpu.vector_load %arg10[%parallel_loop3A_866] {strides = array<i32>} : memref<10240xf32, #tpu.memory_space<vmem>>, vector<16xf32>,
      tpu.vector_store %arg10[%parallel_loop3A_866], %parallel_loop3A_865 {strides = array<i32>} : memref<10240xf32, #tpu.memory_space<vmem>>, vector<16xf32>,
      %parallel_loop3A_868 = arith.constant 2 : i32
      %parallel_loop3A_869 = vector.broadcast %parallel_loop3A_868 : i32 to vector<16xi32>
      %parallel_loop3A_870 = arith.addi %parallel_loop3A_855, %parallel_loop3A_869 : vector<16xi32>
      %parallel_loop3A_871 = tpu.vector_load_idx %arg15[%parallel_loop3A_870] : memref<128xf32, #tpu.memory_space<vmem>>[vector<16xi32>], vector<16xf32>,
      %parallel_loop3A_872 = arith.index_cast %parallel_loop3A_850 : i32 to index
      %parallel_loop3A_873 = tpu.vector_load %arg11[%parallel_loop3A_872] {strides = array<i32>} : memref<10240xf32, #tpu.memory_space<vmem>>, vector<16xf32>,
      tpu.vector_store %arg11[%parallel_loop3A_872], %parallel_loop3A_871 {strides = array<i32>} : memref<10240xf32, #tpu.memory_space<vmem>>, vector<16xf32>,
    } {sc.loop_unroll_factor = 8 : i64, sc.parallel_access}
    %add3A_575 = arith.constant 0 : i32
    %add3A_576 = arith.addi %add3A_575, %add3A_567 : i32
    %dma_start3A_577 = tpu.memref_slice %arg6[%add3A_576] : memref<9830400xf32, #tpu.memory_space<hbm>> -> memref<10240xf32, #tpu.memory_space<hbm>>
    %dma_start3A_578 = tpu.memref_slice %arg6[%add3A_576] : memref<9830400xf32, #tpu.memory_space<hbm>> -> memref<10240xf32, #tpu.memory_space<hbm>>
    tpu.enqueue_dma source(%arg9 : memref<10240xf32, #tpu.memory_space<vmem>>) target(%dma_start3A_578 : memref<10240xf32, #tpu.memory_space<hbm>>) target_semaphore(%arg21 : memref<!tpu.dma_semaphore, #tpu.memory_space<semaphore_mem>>)
    %add3A_579 = arith.constant 3276800 : i32
    %add3A_580 = arith.addi %add3A_579, %add3A_567 : i32
    %dma_start3A_581 = tpu.memref_slice %arg6[%add3A_580] : memref<9830400xf32, #tpu.memory_space<hbm>> -> memref<10240xf32, #tpu.memory_space<hbm>>
    %dma_start3A_582 = tpu.memref_slice %arg6[%add3A_580] : memref<9830400xf32, #tpu.memory_space<hbm>> -> memref<10240xf32, #tpu.memory_space<hbm>>
    tpu.enqueue_dma source(%arg10 : memref<10240xf32, #tpu.memory_space<vmem>>) target(%dma_start3A_582 : memref<10240xf32, #tpu.memory_space<hbm>>) target_semaphore(%arg21 : memref<!tpu.dma_semaphore, #tpu.memory_space<semaphore_mem>>)
    %add3A_583 = arith.constant 6553600 : i32
    %add3A_584 = arith.addi %add3A_583, %add3A_567 : i32
    %dma_start3A_585 = tpu.memref_slice %arg6[%add3A_584] : memref<9830400xf32, #tpu.memory_space<hbm>> -> memref<10240xf32, #tpu.memory_space<hbm>>
    %dma_start3A_586 = tpu.memref_slice %arg6[%add3A_584] : memref<9830400xf32, #tpu.memory_space<hbm>> -> memref<10240xf32, #tpu.memory_space<hbm>>
    tpu.enqueue_dma source(%arg11 : memref<10240xf32, #tpu.memory_space<vmem>>) target(%dma_start3A_586 : memref<10240xf32, #tpu.memory_space<hbm>>) target_semaphore(%arg21 : memref<!tpu.dma_semaphore, #tpu.memory_space<semaphore_mem>>)
    %add3A_587 = arith.constant 10240 : i32
    %add3A_588 = arith.addi %mul3A_2, %add3A_587 : i32
    %add3A_589 = arith.constant 10240 : i32
    %add3A_590 = arith.addi %add3A_588, %add3A_589 : i32
    %dma_start3A_591 = tpu.memref_slice %arg2[%add3A_590] : memref<3276800xi32, #tpu.memory_space<hbm>> -> memref<10240xi32, #tpu.memory_space<hbm>>
    %dma_start3A_592 = tpu.memref_slice %arg2[%add3A_590] : memref<3276800xi32, #tpu.memory_space<hbm>> -> memref<10240xi32, #tpu.memory_space<hbm>>
    tpu.enqueue_dma source(%dma_start3A_592 : memref<10240xi32, #tpu.memory_space<hbm>>) target(%arg7 : memref<10240xi32, #tpu.memory_space<vmem>>) target_semaphore(%arg19 : memref<!tpu.dma_semaphore, #tpu.memory_space<semaphore_mem>>)
    %dma_wait3A_593 = tpu.memref_slice %arg2[%add3A_569] : memref<3276800xi32, #tpu.memory_space<hbm>> -> memref<10240xi32, #tpu.memory_space<hbm>>
    %dma_wait3A_594 = tpu.memref_slice %arg2[%add3A_569] : memref<3276800xi32, #tpu.memory_space<hbm>> -> memref<10240xi32, #tpu.memory_space<hbm>>
    tpu.wait_dma2 semaphore(%arg20 : memref<!tpu.dma_semaphore, #tpu.memory_space<semaphore_mem>>) src(%dma_wait3A_594 : memref<10240xi32, #tpu.memory_space<hbm>>) dst(%arg8 : memref<10240xi32, #tpu.memory_space<vmem>>)
    %parallel_loop3A_595 = arith.constant 0 : i32
    %parallel_loop3A_596 = arith.constant 10240 : i32
    %parallel_loop3A_597 = arith.constant 16 : i32
    scf.for %parallel_loop3A_850 = %parallel_loop3A_595 to %parallel_loop3A_596 step %parallel_loop3A_597  : i32 {
      %parallel_loop3A_851 = arith.index_cast %parallel_loop3A_850 : i32 to index
      %parallel_loop3A_852 = tpu.vector_load %arg8[%parallel_loop3A_851] {strides = array<i32>} : memref<10240xi32, #tpu.memory_space<vmem>>, vector<16xi32>,
      %parallel_loop3A_853 = arith.constant 3 : i32
      %parallel_loop3A_854 = vector.broadcast %parallel_loop3A_853 : i32 to vector<16xi32>
      %parallel_loop3A_855 = arith.muli %parallel_loop3A_852, %parallel_loop3A_854 : vector<16xi32>
      %parallel_loop3A_856 = arith.constant 0 : i32
      %parallel_loop3A_857 = vector.broadcast %parallel_loop3A_856 : i32 to vector<16xi32>
      %parallel_loop3A_858 = arith.addi %parallel_loop3A_855, %parallel_loop3A_857 : vector<16xi32>
      %parallel_loop3A_859 = tpu.vector_load_idx %arg15[%parallel_loop3A_858] : memref<128xf32, #tpu.memory_space<vmem>>[vector<16xi32>], vector<16xf32>,
      %parallel_loop3A_860 = arith.index_cast %parallel_loop3A_850 : i32 to index
      %parallel_loop3A_861 = tpu.vector_load %arg12[%parallel_loop3A_860] {strides = array<i32>} : memref<10240xf32, #tpu.memory_space<vmem>>, vector<16xf32>,
      tpu.vector_store %arg12[%parallel_loop3A_860], %parallel_loop3A_859 {strides = array<i32>} : memref<10240xf32, #tpu.memory_space<vmem>>, vector<16xf32>,
      %parallel_loop3A_862 = arith.constant 1 : i32
      %parallel_loop3A_863 = vector.broadcast %parallel_loop3A_862 : i32 to vector<16xi32>
      %parallel_loop3A_864 = arith.addi %parallel_loop3A_855, %parallel_loop3A_863 : vector<16xi32>
      %parallel_loop3A_865 = tpu.vector_load_idx %arg15[%parallel_loop3A_864] : memref<128xf32, #tpu.memory_space<vmem>>[vector<16xi32>], vector<16xf32>,
      %parallel_loop3A_866 = arith.index_cast %parallel_loop3A_850 : i32 to index
      %parallel_loop3A_867 = tpu.vector_load %arg13[%parallel_loop3A_866] {strides = array<i32>} : memref<10240xf32, #tpu.memory_space<vmem>>, vector<16xf32>,
      tpu.vector_store %arg13[%parallel_loop3A_866], %parallel_loop3A_865 {strides = array<i32>} : memref<10240xf32, #tpu.memory_space<vmem>>, vector<16xf32>,
      %parallel_loop3A_868 = arith.constant 2 : i32
      %parallel_loop3A_869 = vector.broadcast %parallel_loop3A_868 : i32 to vector<16xi32>
      %parallel_loop3A_870 = arith.addi %parallel_loop3A_855, %parallel_loop3A_869 : vector<16xi32>
      %parallel_loop3A_871 = tpu.vector_load_idx %arg15[%parallel_loop3A_870] : memref<128xf32, #tpu.memory_space<vmem>>[vector<16xi32>], vector<16xf32>,
      %parallel_loop3A_872 = arith.index_cast %parallel_loop3A_850 : i32 to index
      %parallel_loop3A_873 = tpu.vector_load %arg14[%parallel_loop3A_872] {strides = array<i32>} : memref<10240xf32, #tpu.memory_space<vmem>>, vector<16xf32>,
      tpu.vector_store %arg14[%parallel_loop3A_872], %parallel_loop3A_871 {strides = array<i32>} : memref<10240xf32, #tpu.memory_space<vmem>>, vector<16xf32>,
    } {sc.loop_unroll_factor = 8 : i64, sc.parallel_access}
    %add3A_598 = arith.constant 0 : i32
    %add3A_599 = arith.addi %add3A_598, %add3A_588 : i32
    %dma_start3A_600 = tpu.memref_slice %arg6[%add3A_599] : memref<9830400xf32, #tpu.memory_space<hbm>> -> memref<10240xf32, #tpu.memory_space<hbm>>
    %dma_start3A_601 = tpu.memref_slice %arg6[%add3A_599] : memref<9830400xf32, #tpu.memory_space<hbm>> -> memref<10240xf32, #tpu.memory_space<hbm>>
    tpu.enqueue_dma source(%arg12 : memref<10240xf32, #tpu.memory_space<vmem>>) target(%dma_start3A_601 : memref<10240xf32, #tpu.memory_space<hbm>>) target_semaphore(%arg22 : memref<!tpu.dma_semaphore, #tpu.memory_space<semaphore_mem>>)
    %add3A_602 = arith.constant 3276800 : i32
    %add3A_603 = arith.addi %add3A_602, %add3A_588 : i32
    %dma_start3A_604 = tpu.memref_slice %arg6[%add3A_603] : memref<9830400xf32, #tpu.memory_space<hbm>> -> memref<10240xf32, #tpu.memory_space<hbm>>
    %dma_start3A_605 = tpu.memref_slice %arg6[%add3A_603] : memref<9830400xf32, #tpu.memory_space<hbm>> -> memref<10240xf32, #tpu.memory_space<hbm>>
    tpu.enqueue_dma source(%arg13 : memref<10240xf32, #tpu.memory_space<vmem>>) target(%dma_start3A_605 : memref<10240xf32, #tpu.memory_space<hbm>>) target_semaphore(%arg22 : memref<!tpu.dma_semaphore, #tpu.memory_space<semaphore_mem>>)
    %add3A_606 = arith.constant 6553600 : i32
    %add3A_607 = arith.addi %add3A_606, %add3A_588 : i32
    %dma_start3A_608 = tpu.memref_slice %arg6[%add3A_607] : memref<9830400xf32, #tpu.memory_space<hbm>> -> memref<10240xf32, #tpu.memory_space<hbm>>
    %dma_start3A_609 = tpu.memref_slice %arg6[%add3A_607] : memref<9830400xf32, #tpu.memory_space<hbm>> -> memref<10240xf32, #tpu.memory_space<hbm>>
    tpu.enqueue_dma source(%arg14 : memref<10240xf32, #tpu.memory_space<vmem>>) target(%dma_start3A_609 : memref<10240xf32, #tpu.memory_space<hbm>>) target_semaphore(%arg22 : memref<!tpu.dma_semaphore, #tpu.memory_space<semaphore_mem>>)
    %add3A_610 = arith.constant 20480 : i32
    %add3A_611 = arith.addi %mul3A_2, %add3A_610 : i32
    %add3A_612 = arith.constant 10240 : i32
    %add3A_613 = arith.addi %add3A_611, %add3A_612 : i32
    %dma_start3A_614 = tpu.memref_slice %arg2[%add3A_613] : memref<3276800xi32, #tpu.memory_space<hbm>> -> memref<10240xi32, #tpu.memory_space<hbm>>
    %dma_start3A_615 = tpu.memref_slice %arg2[%add3A_613] : memref<3276800xi32, #tpu.memory_space<hbm>> -> memref<10240xi32, #tpu.memory_space<hbm>>
    tpu.enqueue_dma source(%dma_start3A_615 : memref<10240xi32, #tpu.memory_space<hbm>>) target(%arg8 : memref<10240xi32, #tpu.memory_space<vmem>>) target_semaphore(%arg20 : memref<!tpu.dma_semaphore, #tpu.memory_space<semaphore_mem>>)
    %dma_wait3A_616 = tpu.memref_slice %arg2[%add3A_590] : memref<3276800xi32, #tpu.memory_space<hbm>> -> memref<10240xi32, #tpu.memory_space<hbm>>
    %dma_wait3A_617 = tpu.memref_slice %arg2[%add3A_590] : memref<3276800xi32, #tpu.memory_space<hbm>> -> memref<10240xi32, #tpu.memory_space<hbm>>
    tpu.wait_dma2 semaphore(%arg19 : memref<!tpu.dma_semaphore, #tpu.memory_space<semaphore_mem>>) src(%dma_wait3A_617 : memref<10240xi32, #tpu.memory_space<hbm>>) dst(%arg7 : memref<10240xi32, #tpu.memory_space<vmem>>)
    %dma_wait3A_618 = tpu.memref_slice %arg6[%add3A_576] : memref<9830400xf32, #tpu.memory_space<hbm>> -> memref<10240xf32, #tpu.memory_space<hbm>>
    %dma_wait3A_619 = tpu.memref_slice %arg6[%add3A_576] : memref<9830400xf32, #tpu.memory_space<hbm>> -> memref<10240xf32, #tpu.memory_space<hbm>>
    tpu.wait_dma2 semaphore(%arg21 : memref<!tpu.dma_semaphore, #tpu.memory_space<semaphore_mem>>) src(%arg9 : memref<10240xf32, #tpu.memory_space<vmem>>) dst(%dma_wait3A_619 : memref<10240xf32, #tpu.memory_space<hbm>>)
    %dma_wait3A_620 = tpu.memref_slice %arg6[%add3A_580] : memref<9830400xf32, #tpu.memory_space<hbm>> -> memref<10240xf32, #tpu.memory_space<hbm>>
    %dma_wait3A_621 = tpu.memref_slice %arg6[%add3A_580] : memref<9830400xf32, #tpu.memory_space<hbm>> -> memref<10240xf32, #tpu.memory_space<hbm>>
    tpu.wait_dma2 semaphore(%arg21 : memref<!tpu.dma_semaphore, #tpu.memory_space<semaphore_mem>>) src(%arg10 : memref<10240xf32, #tpu.memory_space<vmem>>) dst(%dma_wait3A_621 : memref<10240xf32, #tpu.memory_space<hbm>>)
    %dma_wait3A_622 = tpu.memref_slice %arg6[%add3A_584] : memref<9830400xf32, #tpu.memory_space<hbm>> -> memref<10240xf32, #tpu.memory_space<hbm>>
    %dma_wait3A_623 = tpu.memref_slice %arg6[%add3A_584] : memref<9830400xf32, #tpu.memory_space<hbm>> -> memref<10240xf32, #tpu.memory_space<hbm>>
    tpu.wait_dma2 semaphore(%arg21 : memref<!tpu.dma_semaphore, #tpu.memory_space<semaphore_mem>>) src(%arg11 : memref<10240xf32, #tpu.memory_space<vmem>>) dst(%dma_wait3A_623 : memref<10240xf32, #tpu.memory_space<hbm>>)
    %parallel_loop3A_624 = arith.constant 0 : i32
    %parallel_loop3A_625 = arith.constant 10240 : i32
    %parallel_loop3A_626 = arith.constant 16 : i32
    scf.for %parallel_loop3A_850 = %parallel_loop3A_624 to %parallel_loop3A_625 step %parallel_loop3A_626  : i32 {
      %parallel_loop3A_851 = arith.index_cast %parallel_loop3A_850 : i32 to index
      %parallel_loop3A_852 = tpu.vector_load %arg7[%parallel_loop3A_851] {strides = array<i32>} : memref<10240xi32, #tpu.memory_space<vmem>>, vector<16xi32>,
      %parallel_loop3A_853 = arith.constant 3 : i32
      %parallel_loop3A_854 = vector.broadcast %parallel_loop3A_853 : i32 to vector<16xi32>
      %parallel_loop3A_855 = arith.muli %parallel_loop3A_852, %parallel_loop3A_854 : vector<16xi32>
      %parallel_loop3A_856 = arith.constant 0 : i32
      %parallel_loop3A_857 = vector.broadcast %parallel_loop3A_856 : i32 to vector<16xi32>
      %parallel_loop3A_858 = arith.addi %parallel_loop3A_855, %parallel_loop3A_857 : vector<16xi32>
      %parallel_loop3A_859 = tpu.vector_load_idx %arg15[%parallel_loop3A_858] : memref<128xf32, #tpu.memory_space<vmem>>[vector<16xi32>], vector<16xf32>,
      %parallel_loop3A_860 = arith.index_cast %parallel_loop3A_850 : i32 to index
      %parallel_loop3A_861 = tpu.vector_load %arg9[%parallel_loop3A_860] {strides = array<i32>} : memref<10240xf32, #tpu.memory_space<vmem>>, vector<16xf32>,
      tpu.vector_store %arg9[%parallel_loop3A_860], %parallel_loop3A_859 {strides = array<i32>} : memref<10240xf32, #tpu.memory_space<vmem>>, vector<16xf32>,
      %parallel_loop3A_862 = arith.constant 1 : i32
      %parallel_loop3A_863 = vector.broadcast %parallel_loop3A_862 : i32 to vector<16xi32>
      %parallel_loop3A_864 = arith.addi %parallel_loop3A_855, %parallel_loop3A_863 : vector<16xi32>
      %parallel_loop3A_865 = tpu.vector_load_idx %arg15[%parallel_loop3A_864] : memref<128xf32, #tpu.memory_space<vmem>>[vector<16xi32>], vector<16xf32>,
      %parallel_loop3A_866 = arith.index_cast %parallel_loop3A_850 : i32 to index
      %parallel_loop3A_867 = tpu.vector_load %arg10[%parallel_loop3A_866] {strides = array<i32>} : memref<10240xf32, #tpu.memory_space<vmem>>, vector<16xf32>,
      tpu.vector_store %arg10[%parallel_loop3A_866], %parallel_loop3A_865 {strides = array<i32>} : memref<10240xf32, #tpu.memory_space<vmem>>, vector<16xf32>,
      %parallel_loop3A_868 = arith.constant 2 : i32
      %parallel_loop3A_869 = vector.broadcast %parallel_loop3A_868 : i32 to vector<16xi32>
      %parallel_loop3A_870 = arith.addi %parallel_loop3A_855, %parallel_loop3A_869 : vector<16xi32>
      %parallel_loop3A_871 = tpu.vector_load_idx %arg15[%parallel_loop3A_870] : memref<128xf32, #tpu.memory_space<vmem>>[vector<16xi32>], vector<16xf32>,
      %parallel_loop3A_872 = arith.index_cast %parallel_loop3A_850 : i32 to index
      %parallel_loop3A_873 = tpu.vector_load %arg11[%parallel_loop3A_872] {strides = array<i32>} : memref<10240xf32, #tpu.memory_space<vmem>>, vector<16xf32>,
      tpu.vector_store %arg11[%parallel_loop3A_872], %parallel_loop3A_871 {strides = array<i32>} : memref<10240xf32, #tpu.memory_space<vmem>>, vector<16xf32>,
    } {sc.loop_unroll_factor = 8 : i64, sc.parallel_access}
    %add3A_627 = arith.constant 0 : i32
    %add3A_628 = arith.addi %add3A_627, %add3A_611 : i32
    %dma_start3A_629 = tpu.memref_slice %arg6[%add3A_628] : memref<9830400xf32, #tpu.memory_space<hbm>> -> memref<10240xf32, #tpu.memory_space<hbm>>
    %dma_start3A_630 = tpu.memref_slice %arg6[%add3A_628] : memref<9830400xf32, #tpu.memory_space<hbm>> -> memref<10240xf32, #tpu.memory_space<hbm>>
    tpu.enqueue_dma source(%arg9 : memref<10240xf32, #tpu.memory_space<vmem>>) target(%dma_start3A_630 : memref<10240xf32, #tpu.memory_space<hbm>>) target_semaphore(%arg21 : memref<!tpu.dma_semaphore, #tpu.memory_space<semaphore_mem>>)
    %add3A_631 = arith.constant 3276800 : i32
    %add3A_632 = arith.addi %add3A_631, %add3A_611 : i32
    %dma_start3A_633 = tpu.memref_slice %arg6[%add3A_632] : memref<9830400xf32, #tpu.memory_space<hbm>> -> memref<10240xf32, #tpu.memory_space<hbm>>
    %dma_start3A_634 = tpu.memref_slice %arg6[%add3A_632] : memref<9830400xf32, #tpu.memory_space<hbm>> -> memref<10240xf32, #tpu.memory_space<hbm>>
    tpu.enqueue_dma source(%arg10 : memref<10240xf32, #tpu.memory_space<vmem>>) target(%dma_start3A_634 : memref<10240xf32, #tpu.memory_space<hbm>>) target_semaphore(%arg21 : memref<!tpu.dma_semaphore, #tpu.memory_space<semaphore_mem>>)
    %add3A_635 = arith.constant 6553600 : i32
    %add3A_636 = arith.addi %add3A_635, %add3A_611 : i32
    %dma_start3A_637 = tpu.memref_slice %arg6[%add3A_636] : memref<9830400xf32, #tpu.memory_space<hbm>> -> memref<10240xf32, #tpu.memory_space<hbm>>
    %dma_start3A_638 = tpu.memref_slice %arg6[%add3A_636] : memref<9830400xf32, #tpu.memory_space<hbm>> -> memref<10240xf32, #tpu.memory_space<hbm>>
    tpu.enqueue_dma source(%arg11 : memref<10240xf32, #tpu.memory_space<vmem>>) target(%dma_start3A_638 : memref<10240xf32, #tpu.memory_space<hbm>>) target_semaphore(%arg21 : memref<!tpu.dma_semaphore, #tpu.memory_space<semaphore_mem>>)
    %add3A_639 = arith.constant 30720 : i32
    %add3A_640 = arith.addi %mul3A_2, %add3A_639 : i32
    %add3A_641 = arith.constant 10240 : i32
    %add3A_642 = arith.addi %add3A_640, %add3A_641 : i32
    %dma_start3A_643 = tpu.memref_slice %arg2[%add3A_642] : memref<3276800xi32, #tpu.memory_space<hbm>> -> memref<10240xi32, #tpu.memory_space<hbm>>
    %dma_start3A_644 = tpu.memref_slice %arg2[%add3A_642] : memref<3276800xi32, #tpu.memory_space<hbm>> -> memref<10240xi32, #tpu.memory_space<hbm>>
    tpu.enqueue_dma source(%dma_start3A_644 : memref<10240xi32, #tpu.memory_space<hbm>>) target(%arg7 : memref<10240xi32, #tpu.memory_space<vmem>>) target_semaphore(%arg19 : memref<!tpu.dma_semaphore, #tpu.memory_space<semaphore_mem>>)
    %dma_wait3A_645 = tpu.memref_slice %arg2[%add3A_613] : memref<3276800xi32, #tpu.memory_space<hbm>> -> memref<10240xi32, #tpu.memory_space<hbm>>
    %dma_wait3A_646 = tpu.memref_slice %arg2[%add3A_613] : memref<3276800xi32, #tpu.memory_space<hbm>> -> memref<10240xi32, #tpu.memory_space<hbm>>
    tpu.wait_dma2 semaphore(%arg20 : memref<!tpu.dma_semaphore, #tpu.memory_space<semaphore_mem>>) src(%dma_wait3A_646 : memref<10240xi32, #tpu.memory_space<hbm>>) dst(%arg8 : memref<10240xi32, #tpu.memory_space<vmem>>)
    %dma_wait3A_647 = tpu.memref_slice %arg6[%add3A_599] : memref<9830400xf32, #tpu.memory_space<hbm>> -> memref<10240xf32, #tpu.memory_space<hbm>>
    %dma_wait3A_648 = tpu.memref_slice %arg6[%add3A_599] : memref<9830400xf32, #tpu.memory_space<hbm>> -> memref<10240xf32, #tpu.memory_space<hbm>>
    tpu.wait_dma2 semaphore(%arg22 : memref<!tpu.dma_semaphore, #tpu.memory_space<semaphore_mem>>) src(%arg12 : memref<10240xf32, #tpu.memory_space<vmem>>) dst(%dma_wait3A_648 : memref<10240xf32, #tpu.memory_space<hbm>>)
    %dma_wait3A_649 = tpu.memref_slice %arg6[%add3A_603] : memref<9830400xf32, #tpu.memory_space<hbm>> -> memref<10240xf32, #tpu.memory_space<hbm>>
    %dma_wait3A_650 = tpu.memref_slice %arg6[%add3A_603] : memref<9830400xf32, #tpu.memory_space<hbm>> -> memref<10240xf32, #tpu.memory_space<hbm>>
    tpu.wait_dma2 semaphore(%arg22 : memref<!tpu.dma_semaphore, #tpu.memory_space<semaphore_mem>>) src(%arg13 : memref<10240xf32, #tpu.memory_space<vmem>>) dst(%dma_wait3A_650 : memref<10240xf32, #tpu.memory_space<hbm>>)
    %dma_wait3A_651 = tpu.memref_slice %arg6[%add3A_607] : memref<9830400xf32, #tpu.memory_space<hbm>> -> memref<10240xf32, #tpu.memory_space<hbm>>
    %dma_wait3A_652 = tpu.memref_slice %arg6[%add3A_607] : memref<9830400xf32, #tpu.memory_space<hbm>> -> memref<10240xf32, #tpu.memory_space<hbm>>
    tpu.wait_dma2 semaphore(%arg22 : memref<!tpu.dma_semaphore, #tpu.memory_space<semaphore_mem>>) src(%arg14 : memref<10240xf32, #tpu.memory_space<vmem>>) dst(%dma_wait3A_652 : memref<10240xf32, #tpu.memory_space<hbm>>)
    %parallel_loop3A_653 = arith.constant 0 : i32
    %parallel_loop3A_654 = arith.constant 10240 : i32
    %parallel_loop3A_655 = arith.constant 16 : i32
    scf.for %parallel_loop3A_850 = %parallel_loop3A_653 to %parallel_loop3A_654 step %parallel_loop3A_655  : i32 {
      %parallel_loop3A_851 = arith.index_cast %parallel_loop3A_850 : i32 to index
      %parallel_loop3A_852 = tpu.vector_load %arg8[%parallel_loop3A_851] {strides = array<i32>} : memref<10240xi32, #tpu.memory_space<vmem>>, vector<16xi32>,
      %parallel_loop3A_853 = arith.constant 3 : i32
      %parallel_loop3A_854 = vector.broadcast %parallel_loop3A_853 : i32 to vector<16xi32>
      %parallel_loop3A_855 = arith.muli %parallel_loop3A_852, %parallel_loop3A_854 : vector<16xi32>
      %parallel_loop3A_856 = arith.constant 0 : i32
      %parallel_loop3A_857 = vector.broadcast %parallel_loop3A_856 : i32 to vector<16xi32>
      %parallel_loop3A_858 = arith.addi %parallel_loop3A_855, %parallel_loop3A_857 : vector<16xi32>
      %parallel_loop3A_859 = tpu.vector_load_idx %arg15[%parallel_loop3A_858] : memref<128xf32, #tpu.memory_space<vmem>>[vector<16xi32>], vector<16xf32>,
      %parallel_loop3A_860 = arith.index_cast %parallel_loop3A_850 : i32 to index
      %parallel_loop3A_861 = tpu.vector_load %arg12[%parallel_loop3A_860] {strides = array<i32>} : memref<10240xf32, #tpu.memory_space<vmem>>, vector<16xf32>,
      tpu.vector_store %arg12[%parallel_loop3A_860], %parallel_loop3A_859 {strides = array<i32>} : memref<10240xf32, #tpu.memory_space<vmem>>, vector<16xf32>,
      %parallel_loop3A_862 = arith.constant 1 : i32
      %parallel_loop3A_863 = vector.broadcast %parallel_loop3A_862 : i32 to vector<16xi32>
      %parallel_loop3A_864 = arith.addi %parallel_loop3A_855, %parallel_loop3A_863 : vector<16xi32>
      %parallel_loop3A_865 = tpu.vector_load_idx %arg15[%parallel_loop3A_864] : memref<128xf32, #tpu.memory_space<vmem>>[vector<16xi32>], vector<16xf32>,
      %parallel_loop3A_866 = arith.index_cast %parallel_loop3A_850 : i32 to index
      %parallel_loop3A_867 = tpu.vector_load %arg13[%parallel_loop3A_866] {strides = array<i32>} : memref<10240xf32, #tpu.memory_space<vmem>>, vector<16xf32>,
      tpu.vector_store %arg13[%parallel_loop3A_866], %parallel_loop3A_865 {strides = array<i32>} : memref<10240xf32, #tpu.memory_space<vmem>>, vector<16xf32>,
      %parallel_loop3A_868 = arith.constant 2 : i32
      %parallel_loop3A_869 = vector.broadcast %parallel_loop3A_868 : i32 to vector<16xi32>
      %parallel_loop3A_870 = arith.addi %parallel_loop3A_855, %parallel_loop3A_869 : vector<16xi32>
      %parallel_loop3A_871 = tpu.vector_load_idx %arg15[%parallel_loop3A_870] : memref<128xf32, #tpu.memory_space<vmem>>[vector<16xi32>], vector<16xf32>,
      %parallel_loop3A_872 = arith.index_cast %parallel_loop3A_850 : i32 to index
      %parallel_loop3A_873 = tpu.vector_load %arg14[%parallel_loop3A_872] {strides = array<i32>} : memref<10240xf32, #tpu.memory_space<vmem>>, vector<16xf32>,
      tpu.vector_store %arg14[%parallel_loop3A_872], %parallel_loop3A_871 {strides = array<i32>} : memref<10240xf32, #tpu.memory_space<vmem>>, vector<16xf32>,
    } {sc.loop_unroll_factor = 8 : i64, sc.parallel_access}
    %add3A_656 = arith.constant 0 : i32
    %add3A_657 = arith.addi %add3A_656, %add3A_640 : i32
    %dma_start3A_658 = tpu.memref_slice %arg6[%add3A_657] : memref<9830400xf32, #tpu.memory_space<hbm>> -> memref<10240xf32, #tpu.memory_space<hbm>>
    %dma_start3A_659 = tpu.memref_slice %arg6[%add3A_657] : memref<9830400xf32, #tpu.memory_space<hbm>> -> memref<10240xf32, #tpu.memory_space<hbm>>
    tpu.enqueue_dma source(%arg12 : memref<10240xf32, #tpu.memory_space<vmem>>) target(%dma_start3A_659 : memref<10240xf32, #tpu.memory_space<hbm>>) target_semaphore(%arg22 : memref<!tpu.dma_semaphore, #tpu.memory_space<semaphore_mem>>)
    %add3A_660 = arith.constant 3276800 : i32
    %add3A_661 = arith.addi %add3A_660, %add3A_640 : i32
    %dma_start3A_662 = tpu.memref_slice %arg6[%add3A_661] : memref<9830400xf32, #tpu.memory_space<hbm>> -> memref<10240xf32, #tpu.memory_space<hbm>>
    %dma_start3A_663 = tpu.memref_slice %arg6[%add3A_661] : memref<9830400xf32, #tpu.memory_space<hbm>> -> memref<10240xf32, #tpu.memory_space<hbm>>
    tpu.enqueue_dma source(%arg13 : memref<10240xf32, #tpu.memory_space<vmem>>) target(%dma_start3A_663 : memref<10240xf32, #tpu.memory_space<hbm>>) target_semaphore(%arg22 : memref<!tpu.dma_semaphore, #tpu.memory_space<semaphore_mem>>)
    %add3A_664 = arith.constant 6553600 : i32
    %add3A_665 = arith.addi %add3A_664, %add3A_640 : i32
    %dma_start3A_666 = tpu.memref_slice %arg6[%add3A_665] : memref<9830400xf32, #tpu.memory_space<hbm>> -> memref<10240xf32, #tpu.memory_space<hbm>>
    %dma_start3A_667 = tpu.memref_slice %arg6[%add3A_665] : memref<9830400xf32, #tpu.memory_space<hbm>> -> memref<10240xf32, #tpu.memory_space<hbm>>
    tpu.enqueue_dma source(%arg14 : memref<10240xf32, #tpu.memory_space<vmem>>) target(%dma_start3A_667 : memref<10240xf32, #tpu.memory_space<hbm>>) target_semaphore(%arg22 : memref<!tpu.dma_semaphore, #tpu.memory_space<semaphore_mem>>)
    %add3A_668 = arith.constant 40960 : i32
    %add3A_669 = arith.addi %mul3A_2, %add3A_668 : i32
    %add3A_670 = arith.constant 10240 : i32
    %add3A_671 = arith.addi %add3A_669, %add3A_670 : i32
    %dma_start3A_672 = tpu.memref_slice %arg2[%add3A_671] : memref<3276800xi32, #tpu.memory_space<hbm>> -> memref<10240xi32, #tpu.memory_space<hbm>>
    %dma_start3A_673 = tpu.memref_slice %arg2[%add3A_671] : memref<3276800xi32, #tpu.memory_space<hbm>> -> memref<10240xi32, #tpu.memory_space<hbm>>
    tpu.enqueue_dma source(%dma_start3A_673 : memref<10240xi32, #tpu.memory_space<hbm>>) target(%arg8 : memref<10240xi32, #tpu.memory_space<vmem>>) target_semaphore(%arg20 : memref<!tpu.dma_semaphore, #tpu.memory_space<semaphore_mem>>)
    %dma_wait3A_674 = tpu.memref_slice %arg2[%add3A_642] : memref<3276800xi32, #tpu.memory_space<hbm>> -> memref<10240xi32, #tpu.memory_space<hbm>>
    %dma_wait3A_675 = tpu.memref_slice %arg2[%add3A_642] : memref<3276800xi32, #tpu.memory_space<hbm>> -> memref<10240xi32, #tpu.memory_space<hbm>>
    tpu.wait_dma2 semaphore(%arg19 : memref<!tpu.dma_semaphore, #tpu.memory_space<semaphore_mem>>) src(%dma_wait3A_675 : memref<10240xi32, #tpu.memory_space<hbm>>) dst(%arg7 : memref<10240xi32, #tpu.memory_space<vmem>>)
    %dma_wait3A_676 = tpu.memref_slice %arg6[%add3A_628] : memref<9830400xf32, #tpu.memory_space<hbm>> -> memref<10240xf32, #tpu.memory_space<hbm>>
    %dma_wait3A_677 = tpu.memref_slice %arg6[%add3A_628] : memref<9830400xf32, #tpu.memory_space<hbm>> -> memref<10240xf32, #tpu.memory_space<hbm>>
    tpu.wait_dma2 semaphore(%arg21 : memref<!tpu.dma_semaphore, #tpu.memory_space<semaphore_mem>>) src(%arg9 : memref<10240xf32, #tpu.memory_space<vmem>>) dst(%dma_wait3A_677 : memref<10240xf32, #tpu.memory_space<hbm>>)
    %dma_wait3A_678 = tpu.memref_slice %arg6[%add3A_632] : memref<9830400xf32, #tpu.memory_space<hbm>> -> memref<10240xf32, #tpu.memory_space<hbm>>
    %dma_wait3A_679 = tpu.memref_slice %arg6[%add3A_632] : memref<9830400xf32, #tpu.memory_space<hbm>> -> memref<10240xf32, #tpu.memory_space<hbm>>
    tpu.wait_dma2 semaphore(%arg21 : memref<!tpu.dma_semaphore, #tpu.memory_space<semaphore_mem>>) src(%arg10 : memref<10240xf32, #tpu.memory_space<vmem>>) dst(%dma_wait3A_679 : memref<10240xf32, #tpu.memory_space<hbm>>)
    %dma_wait3A_680 = tpu.memref_slice %arg6[%add3A_636] : memref<9830400xf32, #tpu.memory_space<hbm>> -> memref<10240xf32, #tpu.memory_space<hbm>>
    %dma_wait3A_681 = tpu.memref_slice %arg6[%add3A_636] : memref<9830400xf32, #tpu.memory_space<hbm>> -> memref<10240xf32, #tpu.memory_space<hbm>>
    tpu.wait_dma2 semaphore(%arg21 : memref<!tpu.dma_semaphore, #tpu.memory_space<semaphore_mem>>) src(%arg11 : memref<10240xf32, #tpu.memory_space<vmem>>) dst(%dma_wait3A_681 : memref<10240xf32, #tpu.memory_space<hbm>>)
    %parallel_loop3A_682 = arith.constant 0 : i32
    %parallel_loop3A_683 = arith.constant 10240 : i32
    %parallel_loop3A_684 = arith.constant 16 : i32
    scf.for %parallel_loop3A_850 = %parallel_loop3A_682 to %parallel_loop3A_683 step %parallel_loop3A_684  : i32 {
      %parallel_loop3A_851 = arith.index_cast %parallel_loop3A_850 : i32 to index
      %parallel_loop3A_852 = tpu.vector_load %arg7[%parallel_loop3A_851] {strides = array<i32>} : memref<10240xi32, #tpu.memory_space<vmem>>, vector<16xi32>,
      %parallel_loop3A_853 = arith.constant 3 : i32
      %parallel_loop3A_854 = vector.broadcast %parallel_loop3A_853 : i32 to vector<16xi32>
      %parallel_loop3A_855 = arith.muli %parallel_loop3A_852, %parallel_loop3A_854 : vector<16xi32>
      %parallel_loop3A_856 = arith.constant 0 : i32
      %parallel_loop3A_857 = vector.broadcast %parallel_loop3A_856 : i32 to vector<16xi32>
      %parallel_loop3A_858 = arith.addi %parallel_loop3A_855, %parallel_loop3A_857 : vector<16xi32>
      %parallel_loop3A_859 = tpu.vector_load_idx %arg15[%parallel_loop3A_858] : memref<128xf32, #tpu.memory_space<vmem>>[vector<16xi32>], vector<16xf32>,
      %parallel_loop3A_860 = arith.index_cast %parallel_loop3A_850 : i32 to index
      %parallel_loop3A_861 = tpu.vector_load %arg9[%parallel_loop3A_860] {strides = array<i32>} : memref<10240xf32, #tpu.memory_space<vmem>>, vector<16xf32>,
      tpu.vector_store %arg9[%parallel_loop3A_860], %parallel_loop3A_859 {strides = array<i32>} : memref<10240xf32, #tpu.memory_space<vmem>>, vector<16xf32>,
      %parallel_loop3A_862 = arith.constant 1 : i32
      %parallel_loop3A_863 = vector.broadcast %parallel_loop3A_862 : i32 to vector<16xi32>
      %parallel_loop3A_864 = arith.addi %parallel_loop3A_855, %parallel_loop3A_863 : vector<16xi32>
      %parallel_loop3A_865 = tpu.vector_load_idx %arg15[%parallel_loop3A_864] : memref<128xf32, #tpu.memory_space<vmem>>[vector<16xi32>], vector<16xf32>,
      %parallel_loop3A_866 = arith.index_cast %parallel_loop3A_850 : i32 to index
      %parallel_loop3A_867 = tpu.vector_load %arg10[%parallel_loop3A_866] {strides = array<i32>} : memref<10240xf32, #tpu.memory_space<vmem>>, vector<16xf32>,
      tpu.vector_store %arg10[%parallel_loop3A_866], %parallel_loop3A_865 {strides = array<i32>} : memref<10240xf32, #tpu.memory_space<vmem>>, vector<16xf32>,
      %parallel_loop3A_868 = arith.constant 2 : i32
      %parallel_loop3A_869 = vector.broadcast %parallel_loop3A_868 : i32 to vector<16xi32>
      %parallel_loop3A_870 = arith.addi %parallel_loop3A_855, %parallel_loop3A_869 : vector<16xi32>
      %parallel_loop3A_871 = tpu.vector_load_idx %arg15[%parallel_loop3A_870] : memref<128xf32, #tpu.memory_space<vmem>>[vector<16xi32>], vector<16xf32>,
      %parallel_loop3A_872 = arith.index_cast %parallel_loop3A_850 : i32 to index
      %parallel_loop3A_873 = tpu.vector_load %arg11[%parallel_loop3A_872] {strides = array<i32>} : memref<10240xf32, #tpu.memory_space<vmem>>, vector<16xf32>,
      tpu.vector_store %arg11[%parallel_loop3A_872], %parallel_loop3A_871 {strides = array<i32>} : memref<10240xf32, #tpu.memory_space<vmem>>, vector<16xf32>,
    } {sc.loop_unroll_factor = 8 : i64, sc.parallel_access}
    %add3A_685 = arith.constant 0 : i32
    %add3A_686 = arith.addi %add3A_685, %add3A_669 : i32
    %dma_start3A_687 = tpu.memref_slice %arg6[%add3A_686] : memref<9830400xf32, #tpu.memory_space<hbm>> -> memref<10240xf32, #tpu.memory_space<hbm>>
    %dma_start3A_688 = tpu.memref_slice %arg6[%add3A_686] : memref<9830400xf32, #tpu.memory_space<hbm>> -> memref<10240xf32, #tpu.memory_space<hbm>>
    tpu.enqueue_dma source(%arg9 : memref<10240xf32, #tpu.memory_space<vmem>>) target(%dma_start3A_688 : memref<10240xf32, #tpu.memory_space<hbm>>) target_semaphore(%arg21 : memref<!tpu.dma_semaphore, #tpu.memory_space<semaphore_mem>>)
    %add3A_689 = arith.constant 3276800 : i32
    %add3A_690 = arith.addi %add3A_689, %add3A_669 : i32
    %dma_start3A_691 = tpu.memref_slice %arg6[%add3A_690] : memref<9830400xf32, #tpu.memory_space<hbm>> -> memref<10240xf32, #tpu.memory_space<hbm>>
    %dma_start3A_692 = tpu.memref_slice %arg6[%add3A_690] : memref<9830400xf32, #tpu.memory_space<hbm>> -> memref<10240xf32, #tpu.memory_space<hbm>>
    tpu.enqueue_dma source(%arg10 : memref<10240xf32, #tpu.memory_space<vmem>>) target(%dma_start3A_692 : memref<10240xf32, #tpu.memory_space<hbm>>) target_semaphore(%arg21 : memref<!tpu.dma_semaphore, #tpu.memory_space<semaphore_mem>>)
    %add3A_693 = arith.constant 6553600 : i32
    %add3A_694 = arith.addi %add3A_693, %add3A_669 : i32
    %dma_start3A_695 = tpu.memref_slice %arg6[%add3A_694] : memref<9830400xf32, #tpu.memory_space<hbm>> -> memref<10240xf32, #tpu.memory_space<hbm>>
    %dma_start3A_696 = tpu.memref_slice %arg6[%add3A_694] : memref<9830400xf32, #tpu.memory_space<hbm>> -> memref<10240xf32, #tpu.memory_space<hbm>>
    tpu.enqueue_dma source(%arg11 : memref<10240xf32, #tpu.memory_space<vmem>>) target(%dma_start3A_696 : memref<10240xf32, #tpu.memory_space<hbm>>) target_semaphore(%arg21 : memref<!tpu.dma_semaphore, #tpu.memory_space<semaphore_mem>>)
    %add3A_697 = arith.constant 51200 : i32
    %add3A_698 = arith.addi %mul3A_2, %add3A_697 : i32
    %add3A_699 = arith.constant 10240 : i32
    %add3A_700 = arith.addi %add3A_698, %add3A_699 : i32
    %dma_start3A_701 = tpu.memref_slice %arg2[%add3A_700] : memref<3276800xi32, #tpu.memory_space<hbm>> -> memref<10240xi32, #tpu.memory_space<hbm>>
    %dma_start3A_702 = tpu.memref_slice %arg2[%add3A_700] : memref<3276800xi32, #tpu.memory_space<hbm>> -> memref<10240xi32, #tpu.memory_space<hbm>>
    tpu.enqueue_dma source(%dma_start3A_702 : memref<10240xi32, #tpu.memory_space<hbm>>) target(%arg7 : memref<10240xi32, #tpu.memory_space<vmem>>) target_semaphore(%arg19 : memref<!tpu.dma_semaphore, #tpu.memory_space<semaphore_mem>>)
    %dma_wait3A_703 = tpu.memref_slice %arg2[%add3A_671] : memref<3276800xi32, #tpu.memory_space<hbm>> -> memref<10240xi32, #tpu.memory_space<hbm>>
    %dma_wait3A_704 = tpu.memref_slice %arg2[%add3A_671] : memref<3276800xi32, #tpu.memory_space<hbm>> -> memref<10240xi32, #tpu.memory_space<hbm>>
    tpu.wait_dma2 semaphore(%arg20 : memref<!tpu.dma_semaphore, #tpu.memory_space<semaphore_mem>>) src(%dma_wait3A_704 : memref<10240xi32, #tpu.memory_space<hbm>>) dst(%arg8 : memref<10240xi32, #tpu.memory_space<vmem>>)
    %dma_wait3A_705 = tpu.memref_slice %arg6[%add3A_657] : memref<9830400xf32, #tpu.memory_space<hbm>> -> memref<10240xf32, #tpu.memory_space<hbm>>
    %dma_wait3A_706 = tpu.memref_slice %arg6[%add3A_657] : memref<9830400xf32, #tpu.memory_space<hbm>> -> memref<10240xf32, #tpu.memory_space<hbm>>
    tpu.wait_dma2 semaphore(%arg22 : memref<!tpu.dma_semaphore, #tpu.memory_space<semaphore_mem>>) src(%arg12 : memref<10240xf32, #tpu.memory_space<vmem>>) dst(%dma_wait3A_706 : memref<10240xf32, #tpu.memory_space<hbm>>)
    %dma_wait3A_707 = tpu.memref_slice %arg6[%add3A_661] : memref<9830400xf32, #tpu.memory_space<hbm>> -> memref<10240xf32, #tpu.memory_space<hbm>>
    %dma_wait3A_708 = tpu.memref_slice %arg6[%add3A_661] : memref<9830400xf32, #tpu.memory_space<hbm>> -> memref<10240xf32, #tpu.memory_space<hbm>>
    tpu.wait_dma2 semaphore(%arg22 : memref<!tpu.dma_semaphore, #tpu.memory_space<semaphore_mem>>) src(%arg13 : memref<10240xf32, #tpu.memory_space<vmem>>) dst(%dma_wait3A_708 : memref<10240xf32, #tpu.memory_space<hbm>>)
    %dma_wait3A_709 = tpu.memref_slice %arg6[%add3A_665] : memref<9830400xf32, #tpu.memory_space<hbm>> -> memref<10240xf32, #tpu.memory_space<hbm>>
    %dma_wait3A_710 = tpu.memref_slice %arg6[%add3A_665] : memref<9830400xf32, #tpu.memory_space<hbm>> -> memref<10240xf32, #tpu.memory_space<hbm>>
    tpu.wait_dma2 semaphore(%arg22 : memref<!tpu.dma_semaphore, #tpu.memory_space<semaphore_mem>>) src(%arg14 : memref<10240xf32, #tpu.memory_space<vmem>>) dst(%dma_wait3A_710 : memref<10240xf32, #tpu.memory_space<hbm>>)
    %parallel_loop3A_711 = arith.constant 0 : i32
    %parallel_loop3A_712 = arith.constant 10240 : i32
    %parallel_loop3A_713 = arith.constant 16 : i32
    scf.for %parallel_loop3A_850 = %parallel_loop3A_711 to %parallel_loop3A_712 step %parallel_loop3A_713  : i32 {
      %parallel_loop3A_851 = arith.index_cast %parallel_loop3A_850 : i32 to index
      %parallel_loop3A_852 = tpu.vector_load %arg8[%parallel_loop3A_851] {strides = array<i32>} : memref<10240xi32, #tpu.memory_space<vmem>>, vector<16xi32>,
      %parallel_loop3A_853 = arith.constant 3 : i32
      %parallel_loop3A_854 = vector.broadcast %parallel_loop3A_853 : i32 to vector<16xi32>
      %parallel_loop3A_855 = arith.muli %parallel_loop3A_852, %parallel_loop3A_854 : vector<16xi32>
      %parallel_loop3A_856 = arith.constant 0 : i32
      %parallel_loop3A_857 = vector.broadcast %parallel_loop3A_856 : i32 to vector<16xi32>
      %parallel_loop3A_858 = arith.addi %parallel_loop3A_855, %parallel_loop3A_857 : vector<16xi32>
      %parallel_loop3A_859 = tpu.vector_load_idx %arg15[%parallel_loop3A_858] : memref<128xf32, #tpu.memory_space<vmem>>[vector<16xi32>], vector<16xf32>,
      %parallel_loop3A_860 = arith.index_cast %parallel_loop3A_850 : i32 to index
      %parallel_loop3A_861 = tpu.vector_load %arg12[%parallel_loop3A_860] {strides = array<i32>} : memref<10240xf32, #tpu.memory_space<vmem>>, vector<16xf32>,
      tpu.vector_store %arg12[%parallel_loop3A_860], %parallel_loop3A_859 {strides = array<i32>} : memref<10240xf32, #tpu.memory_space<vmem>>, vector<16xf32>,
      %parallel_loop3A_862 = arith.constant 1 : i32
      %parallel_loop3A_863 = vector.broadcast %parallel_loop3A_862 : i32 to vector<16xi32>
      %parallel_loop3A_864 = arith.addi %parallel_loop3A_855, %parallel_loop3A_863 : vector<16xi32>
      %parallel_loop3A_865 = tpu.vector_load_idx %arg15[%parallel_loop3A_864] : memref<128xf32, #tpu.memory_space<vmem>>[vector<16xi32>], vector<16xf32>,
      %parallel_loop3A_866 = arith.index_cast %parallel_loop3A_850 : i32 to index
      %parallel_loop3A_867 = tpu.vector_load %arg13[%parallel_loop3A_866] {strides = array<i32>} : memref<10240xf32, #tpu.memory_space<vmem>>, vector<16xf32>,
      tpu.vector_store %arg13[%parallel_loop3A_866], %parallel_loop3A_865 {strides = array<i32>} : memref<10240xf32, #tpu.memory_space<vmem>>, vector<16xf32>,
      %parallel_loop3A_868 = arith.constant 2 : i32
      %parallel_loop3A_869 = vector.broadcast %parallel_loop3A_868 : i32 to vector<16xi32>
      %parallel_loop3A_870 = arith.addi %parallel_loop3A_855, %parallel_loop3A_869 : vector<16xi32>
      %parallel_loop3A_871 = tpu.vector_load_idx %arg15[%parallel_loop3A_870] : memref<128xf32, #tpu.memory_space<vmem>>[vector<16xi32>], vector<16xf32>,
      %parallel_loop3A_872 = arith.index_cast %parallel_loop3A_850 : i32 to index
      %parallel_loop3A_873 = tpu.vector_load %arg14[%parallel_loop3A_872] {strides = array<i32>} : memref<10240xf32, #tpu.memory_space<vmem>>, vector<16xf32>,
      tpu.vector_store %arg14[%parallel_loop3A_872], %parallel_loop3A_871 {strides = array<i32>} : memref<10240xf32, #tpu.memory_space<vmem>>, vector<16xf32>,
    } {sc.loop_unroll_factor = 8 : i64, sc.parallel_access}
    %add3A_714 = arith.constant 0 : i32
    %add3A_715 = arith.addi %add3A_714, %add3A_698 : i32
    %dma_start3A_716 = tpu.memref_slice %arg6[%add3A_715] : memref<9830400xf32, #tpu.memory_space<hbm>> -> memref<10240xf32, #tpu.memory_space<hbm>>
    %dma_start3A_717 = tpu.memref_slice %arg6[%add3A_715] : memref<9830400xf32, #tpu.memory_space<hbm>> -> memref<10240xf32, #tpu.memory_space<hbm>>
    tpu.enqueue_dma source(%arg12 : memref<10240xf32, #tpu.memory_space<vmem>>) target(%dma_start3A_717 : memref<10240xf32, #tpu.memory_space<hbm>>) target_semaphore(%arg22 : memref<!tpu.dma_semaphore, #tpu.memory_space<semaphore_mem>>)
    %add3A_718 = arith.constant 3276800 : i32
    %add3A_719 = arith.addi %add3A_718, %add3A_698 : i32
    %dma_start3A_720 = tpu.memref_slice %arg6[%add3A_719] : memref<9830400xf32, #tpu.memory_space<hbm>> -> memref<10240xf32, #tpu.memory_space<hbm>>
    %dma_start3A_721 = tpu.memref_slice %arg6[%add3A_719] : memref<9830400xf32, #tpu.memory_space<hbm>> -> memref<10240xf32, #tpu.memory_space<hbm>>
    tpu.enqueue_dma source(%arg13 : memref<10240xf32, #tpu.memory_space<vmem>>) target(%dma_start3A_721 : memref<10240xf32, #tpu.memory_space<hbm>>) target_semaphore(%arg22 : memref<!tpu.dma_semaphore, #tpu.memory_space<semaphore_mem>>)
    %add3A_722 = arith.constant 6553600 : i32
    %add3A_723 = arith.addi %add3A_722, %add3A_698 : i32
    %dma_start3A_724 = tpu.memref_slice %arg6[%add3A_723] : memref<9830400xf32, #tpu.memory_space<hbm>> -> memref<10240xf32, #tpu.memory_space<hbm>>
    %dma_start3A_725 = tpu.memref_slice %arg6[%add3A_723] : memref<9830400xf32, #tpu.memory_space<hbm>> -> memref<10240xf32, #tpu.memory_space<hbm>>
    tpu.enqueue_dma source(%arg14 : memref<10240xf32, #tpu.memory_space<vmem>>) target(%dma_start3A_725 : memref<10240xf32, #tpu.memory_space<hbm>>) target_semaphore(%arg22 : memref<!tpu.dma_semaphore, #tpu.memory_space<semaphore_mem>>)
    %add3A_726 = arith.constant 61440 : i32
    %add3A_727 = arith.addi %mul3A_2, %add3A_726 : i32
    %add3A_728 = arith.constant 10240 : i32
    %add3A_729 = arith.addi %add3A_727, %add3A_728 : i32
    %dma_start3A_730 = tpu.memref_slice %arg2[%add3A_729] : memref<3276800xi32, #tpu.memory_space<hbm>> -> memref<10240xi32, #tpu.memory_space<hbm>>
    %dma_start3A_731 = tpu.memref_slice %arg2[%add3A_729] : memref<3276800xi32, #tpu.memory_space<hbm>> -> memref<10240xi32, #tpu.memory_space<hbm>>
    tpu.enqueue_dma source(%dma_start3A_731 : memref<10240xi32, #tpu.memory_space<hbm>>) target(%arg8 : memref<10240xi32, #tpu.memory_space<vmem>>) target_semaphore(%arg20 : memref<!tpu.dma_semaphore, #tpu.memory_space<semaphore_mem>>)
    %dma_wait3A_732 = tpu.memref_slice %arg2[%add3A_700] : memref<3276800xi32, #tpu.memory_space<hbm>> -> memref<10240xi32, #tpu.memory_space<hbm>>
    %dma_wait3A_733 = tpu.memref_slice %arg2[%add3A_700] : memref<3276800xi32, #tpu.memory_space<hbm>> -> memref<10240xi32, #tpu.memory_space<hbm>>
    tpu.wait_dma2 semaphore(%arg19 : memref<!tpu.dma_semaphore, #tpu.memory_space<semaphore_mem>>) src(%dma_wait3A_733 : memref<10240xi32, #tpu.memory_space<hbm>>) dst(%arg7 : memref<10240xi32, #tpu.memory_space<vmem>>)
    %dma_wait3A_734 = tpu.memref_slice %arg6[%add3A_686] : memref<9830400xf32, #tpu.memory_space<hbm>> -> memref<10240xf32, #tpu.memory_space<hbm>>
    %dma_wait3A_735 = tpu.memref_slice %arg6[%add3A_686] : memref<9830400xf32, #tpu.memory_space<hbm>> -> memref<10240xf32, #tpu.memory_space<hbm>>
    tpu.wait_dma2 semaphore(%arg21 : memref<!tpu.dma_semaphore, #tpu.memory_space<semaphore_mem>>) src(%arg9 : memref<10240xf32, #tpu.memory_space<vmem>>) dst(%dma_wait3A_735 : memref<10240xf32, #tpu.memory_space<hbm>>)
    %dma_wait3A_736 = tpu.memref_slice %arg6[%add3A_690] : memref<9830400xf32, #tpu.memory_space<hbm>> -> memref<10240xf32, #tpu.memory_space<hbm>>
    %dma_wait3A_737 = tpu.memref_slice %arg6[%add3A_690] : memref<9830400xf32, #tpu.memory_space<hbm>> -> memref<10240xf32, #tpu.memory_space<hbm>>
    tpu.wait_dma2 semaphore(%arg21 : memref<!tpu.dma_semaphore, #tpu.memory_space<semaphore_mem>>) src(%arg10 : memref<10240xf32, #tpu.memory_space<vmem>>) dst(%dma_wait3A_737 : memref<10240xf32, #tpu.memory_space<hbm>>)
    %dma_wait3A_738 = tpu.memref_slice %arg6[%add3A_694] : memref<9830400xf32, #tpu.memory_space<hbm>> -> memref<10240xf32, #tpu.memory_space<hbm>>
    %dma_wait3A_739 = tpu.memref_slice %arg6[%add3A_694] : memref<9830400xf32, #tpu.memory_space<hbm>> -> memref<10240xf32, #tpu.memory_space<hbm>>
    tpu.wait_dma2 semaphore(%arg21 : memref<!tpu.dma_semaphore, #tpu.memory_space<semaphore_mem>>) src(%arg11 : memref<10240xf32, #tpu.memory_space<vmem>>) dst(%dma_wait3A_739 : memref<10240xf32, #tpu.memory_space<hbm>>)
    %parallel_loop3A_740 = arith.constant 0 : i32
    %parallel_loop3A_741 = arith.constant 10240 : i32
    %parallel_loop3A_742 = arith.constant 16 : i32
    scf.for %parallel_loop3A_850 = %parallel_loop3A_740 to %parallel_loop3A_741 step %parallel_loop3A_742  : i32 {
      %parallel_loop3A_851 = arith.index_cast %parallel_loop3A_850 : i32 to index
      %parallel_loop3A_852 = tpu.vector_load %arg7[%parallel_loop3A_851] {strides = array<i32>} : memref<10240xi32, #tpu.memory_space<vmem>>, vector<16xi32>,
      %parallel_loop3A_853 = arith.constant 3 : i32
      %parallel_loop3A_854 = vector.broadcast %parallel_loop3A_853 : i32 to vector<16xi32>
      %parallel_loop3A_855 = arith.muli %parallel_loop3A_852, %parallel_loop3A_854 : vector<16xi32>
      %parallel_loop3A_856 = arith.constant 0 : i32
      %parallel_loop3A_857 = vector.broadcast %parallel_loop3A_856 : i32 to vector<16xi32>
      %parallel_loop3A_858 = arith.addi %parallel_loop3A_855, %parallel_loop3A_857 : vector<16xi32>
      %parallel_loop3A_859 = tpu.vector_load_idx %arg15[%parallel_loop3A_858] : memref<128xf32, #tpu.memory_space<vmem>>[vector<16xi32>], vector<16xf32>,
      %parallel_loop3A_860 = arith.index_cast %parallel_loop3A_850 : i32 to index
      %parallel_loop3A_861 = tpu.vector_load %arg9[%parallel_loop3A_860] {strides = array<i32>} : memref<10240xf32, #tpu.memory_space<vmem>>, vector<16xf32>,
      tpu.vector_store %arg9[%parallel_loop3A_860], %parallel_loop3A_859 {strides = array<i32>} : memref<10240xf32, #tpu.memory_space<vmem>>, vector<16xf32>,
      %parallel_loop3A_862 = arith.constant 1 : i32
      %parallel_loop3A_863 = vector.broadcast %parallel_loop3A_862 : i32 to vector<16xi32>
      %parallel_loop3A_864 = arith.addi %parallel_loop3A_855, %parallel_loop3A_863 : vector<16xi32>
      %parallel_loop3A_865 = tpu.vector_load_idx %arg15[%parallel_loop3A_864] : memref<128xf32, #tpu.memory_space<vmem>>[vector<16xi32>], vector<16xf32>,
      %parallel_loop3A_866 = arith.index_cast %parallel_loop3A_850 : i32 to index
      %parallel_loop3A_867 = tpu.vector_load %arg10[%parallel_loop3A_866] {strides = array<i32>} : memref<10240xf32, #tpu.memory_space<vmem>>, vector<16xf32>,
      tpu.vector_store %arg10[%parallel_loop3A_866], %parallel_loop3A_865 {strides = array<i32>} : memref<10240xf32, #tpu.memory_space<vmem>>, vector<16xf32>,
      %parallel_loop3A_868 = arith.constant 2 : i32
      %parallel_loop3A_869 = vector.broadcast %parallel_loop3A_868 : i32 to vector<16xi32>
      %parallel_loop3A_870 = arith.addi %parallel_loop3A_855, %parallel_loop3A_869 : vector<16xi32>
      %parallel_loop3A_871 = tpu.vector_load_idx %arg15[%parallel_loop3A_870] : memref<128xf32, #tpu.memory_space<vmem>>[vector<16xi32>], vector<16xf32>,
      %parallel_loop3A_872 = arith.index_cast %parallel_loop3A_850 : i32 to index
      %parallel_loop3A_873 = tpu.vector_load %arg11[%parallel_loop3A_872] {strides = array<i32>} : memref<10240xf32, #tpu.memory_space<vmem>>, vector<16xf32>,
      tpu.vector_store %arg11[%parallel_loop3A_872], %parallel_loop3A_871 {strides = array<i32>} : memref<10240xf32, #tpu.memory_space<vmem>>, vector<16xf32>,
    } {sc.loop_unroll_factor = 8 : i64, sc.parallel_access}
    %add3A_743 = arith.constant 0 : i32
    %add3A_744 = arith.addi %add3A_743, %add3A_727 : i32
    %dma_start3A_745 = tpu.memref_slice %arg6[%add3A_744] : memref<9830400xf32, #tpu.memory_space<hbm>> -> memref<10240xf32, #tpu.memory_space<hbm>>
    %dma_start3A_746 = tpu.memref_slice %arg6[%add3A_744] : memref<9830400xf32, #tpu.memory_space<hbm>> -> memref<10240xf32, #tpu.memory_space<hbm>>
    tpu.enqueue_dma source(%arg9 : memref<10240xf32, #tpu.memory_space<vmem>>) target(%dma_start3A_746 : memref<10240xf32, #tpu.memory_space<hbm>>) target_semaphore(%arg21 : memref<!tpu.dma_semaphore, #tpu.memory_space<semaphore_mem>>)
    %add3A_747 = arith.constant 3276800 : i32
    %add3A_748 = arith.addi %add3A_747, %add3A_727 : i32
    %dma_start3A_749 = tpu.memref_slice %arg6[%add3A_748] : memref<9830400xf32, #tpu.memory_space<hbm>> -> memref<10240xf32, #tpu.memory_space<hbm>>
    %dma_start3A_750 = tpu.memref_slice %arg6[%add3A_748] : memref<9830400xf32, #tpu.memory_space<hbm>> -> memref<10240xf32, #tpu.memory_space<hbm>>
    tpu.enqueue_dma source(%arg10 : memref<10240xf32, #tpu.memory_space<vmem>>) target(%dma_start3A_750 : memref<10240xf32, #tpu.memory_space<hbm>>) target_semaphore(%arg21 : memref<!tpu.dma_semaphore, #tpu.memory_space<semaphore_mem>>)
    %add3A_751 = arith.constant 6553600 : i32
    %add3A_752 = arith.addi %add3A_751, %add3A_727 : i32
    %dma_start3A_753 = tpu.memref_slice %arg6[%add3A_752] : memref<9830400xf32, #tpu.memory_space<hbm>> -> memref<10240xf32, #tpu.memory_space<hbm>>
    %dma_start3A_754 = tpu.memref_slice %arg6[%add3A_752] : memref<9830400xf32, #tpu.memory_space<hbm>> -> memref<10240xf32, #tpu.memory_space<hbm>>
    tpu.enqueue_dma source(%arg11 : memref<10240xf32, #tpu.memory_space<vmem>>) target(%dma_start3A_754 : memref<10240xf32, #tpu.memory_space<hbm>>) target_semaphore(%arg21 : memref<!tpu.dma_semaphore, #tpu.memory_space<semaphore_mem>>)
    %add3A_755 = arith.constant 71680 : i32
    %add3A_756 = arith.addi %mul3A_2, %add3A_755 : i32
    %add3A_757 = arith.constant 10240 : i32
    %add3A_758 = arith.addi %add3A_756, %add3A_757 : i32
    %dma_start3A_759 = tpu.memref_slice %arg2[%add3A_758] : memref<3276800xi32, #tpu.memory_space<hbm>> -> memref<10240xi32, #tpu.memory_space<hbm>>
    %dma_start3A_760 = tpu.memref_slice %arg2[%add3A_758] : memref<3276800xi32, #tpu.memory_space<hbm>> -> memref<10240xi32, #tpu.memory_space<hbm>>
    tpu.enqueue_dma source(%dma_start3A_760 : memref<10240xi32, #tpu.memory_space<hbm>>) target(%arg7 : memref<10240xi32, #tpu.memory_space<vmem>>) target_semaphore(%arg19 : memref<!tpu.dma_semaphore, #tpu.memory_space<semaphore_mem>>)
    %dma_wait3A_761 = tpu.memref_slice %arg2[%add3A_729] : memref<3276800xi32, #tpu.memory_space<hbm>> -> memref<10240xi32, #tpu.memory_space<hbm>>
    %dma_wait3A_762 = tpu.memref_slice %arg2[%add3A_729] : memref<3276800xi32, #tpu.memory_space<hbm>> -> memref<10240xi32, #tpu.memory_space<hbm>>
    tpu.wait_dma2 semaphore(%arg20 : memref<!tpu.dma_semaphore, #tpu.memory_space<semaphore_mem>>) src(%dma_wait3A_762 : memref<10240xi32, #tpu.memory_space<hbm>>) dst(%arg8 : memref<10240xi32, #tpu.memory_space<vmem>>)
    %dma_wait3A_763 = tpu.memref_slice %arg6[%add3A_715] : memref<9830400xf32, #tpu.memory_space<hbm>> -> memref<10240xf32, #tpu.memory_space<hbm>>
    %dma_wait3A_764 = tpu.memref_slice %arg6[%add3A_715] : memref<9830400xf32, #tpu.memory_space<hbm>> -> memref<10240xf32, #tpu.memory_space<hbm>>
    tpu.wait_dma2 semaphore(%arg22 : memref<!tpu.dma_semaphore, #tpu.memory_space<semaphore_mem>>) src(%arg12 : memref<10240xf32, #tpu.memory_space<vmem>>) dst(%dma_wait3A_764 : memref<10240xf32, #tpu.memory_space<hbm>>)
    %dma_wait3A_765 = tpu.memref_slice %arg6[%add3A_719] : memref<9830400xf32, #tpu.memory_space<hbm>> -> memref<10240xf32, #tpu.memory_space<hbm>>
    %dma_wait3A_766 = tpu.memref_slice %arg6[%add3A_719] : memref<9830400xf32, #tpu.memory_space<hbm>> -> memref<10240xf32, #tpu.memory_space<hbm>>
    tpu.wait_dma2 semaphore(%arg22 : memref<!tpu.dma_semaphore, #tpu.memory_space<semaphore_mem>>) src(%arg13 : memref<10240xf32, #tpu.memory_space<vmem>>) dst(%dma_wait3A_766 : memref<10240xf32, #tpu.memory_space<hbm>>)
    %dma_wait3A_767 = tpu.memref_slice %arg6[%add3A_723] : memref<9830400xf32, #tpu.memory_space<hbm>> -> memref<10240xf32, #tpu.memory_space<hbm>>
    %dma_wait3A_768 = tpu.memref_slice %arg6[%add3A_723] : memref<9830400xf32, #tpu.memory_space<hbm>> -> memref<10240xf32, #tpu.memory_space<hbm>>
    tpu.wait_dma2 semaphore(%arg22 : memref<!tpu.dma_semaphore, #tpu.memory_space<semaphore_mem>>) src(%arg14 : memref<10240xf32, #tpu.memory_space<vmem>>) dst(%dma_wait3A_768 : memref<10240xf32, #tpu.memory_space<hbm>>)
    %parallel_loop3A_769 = arith.constant 0 : i32
    %parallel_loop3A_770 = arith.constant 10240 : i32
    %parallel_loop3A_771 = arith.constant 16 : i32
    scf.for %parallel_loop3A_850 = %parallel_loop3A_769 to %parallel_loop3A_770 step %parallel_loop3A_771  : i32 {
      %parallel_loop3A_851 = arith.index_cast %parallel_loop3A_850 : i32 to index
      %parallel_loop3A_852 = tpu.vector_load %arg8[%parallel_loop3A_851] {strides = array<i32>} : memref<10240xi32, #tpu.memory_space<vmem>>, vector<16xi32>,
      %parallel_loop3A_853 = arith.constant 3 : i32
      %parallel_loop3A_854 = vector.broadcast %parallel_loop3A_853 : i32 to vector<16xi32>
      %parallel_loop3A_855 = arith.muli %parallel_loop3A_852, %parallel_loop3A_854 : vector<16xi32>
      %parallel_loop3A_856 = arith.constant 0 : i32
      %parallel_loop3A_857 = vector.broadcast %parallel_loop3A_856 : i32 to vector<16xi32>
      %parallel_loop3A_858 = arith.addi %parallel_loop3A_855, %parallel_loop3A_857 : vector<16xi32>
      %parallel_loop3A_859 = tpu.vector_load_idx %arg15[%parallel_loop3A_858] : memref<128xf32, #tpu.memory_space<vmem>>[vector<16xi32>], vector<16xf32>,
      %parallel_loop3A_860 = arith.index_cast %parallel_loop3A_850 : i32 to index
      %parallel_loop3A_861 = tpu.vector_load %arg12[%parallel_loop3A_860] {strides = array<i32>} : memref<10240xf32, #tpu.memory_space<vmem>>, vector<16xf32>,
      tpu.vector_store %arg12[%parallel_loop3A_860], %parallel_loop3A_859 {strides = array<i32>} : memref<10240xf32, #tpu.memory_space<vmem>>, vector<16xf32>,
      %parallel_loop3A_862 = arith.constant 1 : i32
      %parallel_loop3A_863 = vector.broadcast %parallel_loop3A_862 : i32 to vector<16xi32>
      %parallel_loop3A_864 = arith.addi %parallel_loop3A_855, %parallel_loop3A_863 : vector<16xi32>
      %parallel_loop3A_865 = tpu.vector_load_idx %arg15[%parallel_loop3A_864] : memref<128xf32, #tpu.memory_space<vmem>>[vector<16xi32>], vector<16xf32>,
      %parallel_loop3A_866 = arith.index_cast %parallel_loop3A_850 : i32 to index
      %parallel_loop3A_867 = tpu.vector_load %arg13[%parallel_loop3A_866] {strides = array<i32>} : memref<10240xf32, #tpu.memory_space<vmem>>, vector<16xf32>,
      tpu.vector_store %arg13[%parallel_loop3A_866], %parallel_loop3A_865 {strides = array<i32>} : memref<10240xf32, #tpu.memory_space<vmem>>, vector<16xf32>,
      %parallel_loop3A_868 = arith.constant 2 : i32
      %parallel_loop3A_869 = vector.broadcast %parallel_loop3A_868 : i32 to vector<16xi32>
      %parallel_loop3A_870 = arith.addi %parallel_loop3A_855, %parallel_loop3A_869 : vector<16xi32>
      %parallel_loop3A_871 = tpu.vector_load_idx %arg15[%parallel_loop3A_870] : memref<128xf32, #tpu.memory_space<vmem>>[vector<16xi32>], vector<16xf32>,
      %parallel_loop3A_872 = arith.index_cast %parallel_loop3A_850 : i32 to index
      %parallel_loop3A_873 = tpu.vector_load %arg14[%parallel_loop3A_872] {strides = array<i32>} : memref<10240xf32, #tpu.memory_space<vmem>>, vector<16xf32>,
      tpu.vector_store %arg14[%parallel_loop3A_872], %parallel_loop3A_871 {strides = array<i32>} : memref<10240xf32, #tpu.memory_space<vmem>>, vector<16xf32>,
    } {sc.loop_unroll_factor = 8 : i64, sc.parallel_access}
    %add3A_772 = arith.constant 0 : i32
    %add3A_773 = arith.addi %add3A_772, %add3A_756 : i32
    %dma_start3A_774 = tpu.memref_slice %arg6[%add3A_773] : memref<9830400xf32, #tpu.memory_space<hbm>> -> memref<10240xf32, #tpu.memory_space<hbm>>
    %dma_start3A_775 = tpu.memref_slice %arg6[%add3A_773] : memref<9830400xf32, #tpu.memory_space<hbm>> -> memref<10240xf32, #tpu.memory_space<hbm>>
    tpu.enqueue_dma source(%arg12 : memref<10240xf32, #tpu.memory_space<vmem>>) target(%dma_start3A_775 : memref<10240xf32, #tpu.memory_space<hbm>>) target_semaphore(%arg22 : memref<!tpu.dma_semaphore, #tpu.memory_space<semaphore_mem>>)
    %add3A_776 = arith.constant 3276800 : i32
    %add3A_777 = arith.addi %add3A_776, %add3A_756 : i32
    %dma_start3A_778 = tpu.memref_slice %arg6[%add3A_777] : memref<9830400xf32, #tpu.memory_space<hbm>> -> memref<10240xf32, #tpu.memory_space<hbm>>
    %dma_start3A_779 = tpu.memref_slice %arg6[%add3A_777] : memref<9830400xf32, #tpu.memory_space<hbm>> -> memref<10240xf32, #tpu.memory_space<hbm>>
    tpu.enqueue_dma source(%arg13 : memref<10240xf32, #tpu.memory_space<vmem>>) target(%dma_start3A_779 : memref<10240xf32, #tpu.memory_space<hbm>>) target_semaphore(%arg22 : memref<!tpu.dma_semaphore, #tpu.memory_space<semaphore_mem>>)
    %add3A_780 = arith.constant 6553600 : i32
    %add3A_781 = arith.addi %add3A_780, %add3A_756 : i32
    %dma_start3A_782 = tpu.memref_slice %arg6[%add3A_781] : memref<9830400xf32, #tpu.memory_space<hbm>> -> memref<10240xf32, #tpu.memory_space<hbm>>
    %dma_start3A_783 = tpu.memref_slice %arg6[%add3A_781] : memref<9830400xf32, #tpu.memory_space<hbm>> -> memref<10240xf32, #tpu.memory_space<hbm>>
    tpu.enqueue_dma source(%arg14 : memref<10240xf32, #tpu.memory_space<vmem>>) target(%dma_start3A_783 : memref<10240xf32, #tpu.memory_space<hbm>>) target_semaphore(%arg22 : memref<!tpu.dma_semaphore, #tpu.memory_space<semaphore_mem>>)
    %add3A_784 = arith.constant 81920 : i32
    %add3A_785 = arith.addi %mul3A_2, %add3A_784 : i32
    %add3A_786 = arith.constant 10240 : i32
    %add3A_787 = arith.addi %add3A_785, %add3A_786 : i32
    %dma_start3A_788 = tpu.memref_slice %arg2[%add3A_787] : memref<3276800xi32, #tpu.memory_space<hbm>> -> memref<10240xi32, #tpu.memory_space<hbm>>
    %dma_start3A_789 = tpu.memref_slice %arg2[%add3A_787] : memref<3276800xi32, #tpu.memory_space<hbm>> -> memref<10240xi32, #tpu.memory_space<hbm>>
    tpu.enqueue_dma source(%dma_start3A_789 : memref<10240xi32, #tpu.memory_space<hbm>>) target(%arg8 : memref<10240xi32, #tpu.memory_space<vmem>>) target_semaphore(%arg20 : memref<!tpu.dma_semaphore, #tpu.memory_space<semaphore_mem>>)
    %dma_wait3A_790 = tpu.memref_slice %arg2[%add3A_758] : memref<3276800xi32, #tpu.memory_space<hbm>> -> memref<10240xi32, #tpu.memory_space<hbm>>
    %dma_wait3A_791 = tpu.memref_slice %arg2[%add3A_758] : memref<3276800xi32, #tpu.memory_space<hbm>> -> memref<10240xi32, #tpu.memory_space<hbm>>
    tpu.wait_dma2 semaphore(%arg19 : memref<!tpu.dma_semaphore, #tpu.memory_space<semaphore_mem>>) src(%dma_wait3A_791 : memref<10240xi32, #tpu.memory_space<hbm>>) dst(%arg7 : memref<10240xi32, #tpu.memory_space<vmem>>)
    %dma_wait3A_792 = tpu.memref_slice %arg6[%add3A_744] : memref<9830400xf32, #tpu.memory_space<hbm>> -> memref<10240xf32, #tpu.memory_space<hbm>>
    %dma_wait3A_793 = tpu.memref_slice %arg6[%add3A_744] : memref<9830400xf32, #tpu.memory_space<hbm>> -> memref<10240xf32, #tpu.memory_space<hbm>>
    tpu.wait_dma2 semaphore(%arg21 : memref<!tpu.dma_semaphore, #tpu.memory_space<semaphore_mem>>) src(%arg9 : memref<10240xf32, #tpu.memory_space<vmem>>) dst(%dma_wait3A_793 : memref<10240xf32, #tpu.memory_space<hbm>>)
    %dma_wait3A_794 = tpu.memref_slice %arg6[%add3A_748] : memref<9830400xf32, #tpu.memory_space<hbm>> -> memref<10240xf32, #tpu.memory_space<hbm>>
    %dma_wait3A_795 = tpu.memref_slice %arg6[%add3A_748] : memref<9830400xf32, #tpu.memory_space<hbm>> -> memref<10240xf32, #tpu.memory_space<hbm>>
    tpu.wait_dma2 semaphore(%arg21 : memref<!tpu.dma_semaphore, #tpu.memory_space<semaphore_mem>>) src(%arg10 : memref<10240xf32, #tpu.memory_space<vmem>>) dst(%dma_wait3A_795 : memref<10240xf32, #tpu.memory_space<hbm>>)
    %dma_wait3A_796 = tpu.memref_slice %arg6[%add3A_752] : memref<9830400xf32, #tpu.memory_space<hbm>> -> memref<10240xf32, #tpu.memory_space<hbm>>
    %dma_wait3A_797 = tpu.memref_slice %arg6[%add3A_752] : memref<9830400xf32, #tpu.memory_space<hbm>> -> memref<10240xf32, #tpu.memory_space<hbm>>
    tpu.wait_dma2 semaphore(%arg21 : memref<!tpu.dma_semaphore, #tpu.memory_space<semaphore_mem>>) src(%arg11 : memref<10240xf32, #tpu.memory_space<vmem>>) dst(%dma_wait3A_797 : memref<10240xf32, #tpu.memory_space<hbm>>)
    %parallel_loop3A_798 = arith.constant 0 : i32
    %parallel_loop3A_799 = arith.constant 10240 : i32
    %parallel_loop3A_800 = arith.constant 16 : i32
    scf.for %parallel_loop3A_850 = %parallel_loop3A_798 to %parallel_loop3A_799 step %parallel_loop3A_800  : i32 {
      %parallel_loop3A_851 = arith.index_cast %parallel_loop3A_850 : i32 to index
      %parallel_loop3A_852 = tpu.vector_load %arg7[%parallel_loop3A_851] {strides = array<i32>} : memref<10240xi32, #tpu.memory_space<vmem>>, vector<16xi32>,
      %parallel_loop3A_853 = arith.constant 3 : i32
      %parallel_loop3A_854 = vector.broadcast %parallel_loop3A_853 : i32 to vector<16xi32>
      %parallel_loop3A_855 = arith.muli %parallel_loop3A_852, %parallel_loop3A_854 : vector<16xi32>
      %parallel_loop3A_856 = arith.constant 0 : i32
      %parallel_loop3A_857 = vector.broadcast %parallel_loop3A_856 : i32 to vector<16xi32>
      %parallel_loop3A_858 = arith.addi %parallel_loop3A_855, %parallel_loop3A_857 : vector<16xi32>
      %parallel_loop3A_859 = tpu.vector_load_idx %arg15[%parallel_loop3A_858] : memref<128xf32, #tpu.memory_space<vmem>>[vector<16xi32>], vector<16xf32>,
      %parallel_loop3A_860 = arith.index_cast %parallel_loop3A_850 : i32 to index
      %parallel_loop3A_861 = tpu.vector_load %arg9[%parallel_loop3A_860] {strides = array<i32>} : memref<10240xf32, #tpu.memory_space<vmem>>, vector<16xf32>,
      tpu.vector_store %arg9[%parallel_loop3A_860], %parallel_loop3A_859 {strides = array<i32>} : memref<10240xf32, #tpu.memory_space<vmem>>, vector<16xf32>,
      %parallel_loop3A_862 = arith.constant 1 : i32
      %parallel_loop3A_863 = vector.broadcast %parallel_loop3A_862 : i32 to vector<16xi32>
      %parallel_loop3A_864 = arith.addi %parallel_loop3A_855, %parallel_loop3A_863 : vector<16xi32>
      %parallel_loop3A_865 = tpu.vector_load_idx %arg15[%parallel_loop3A_864] : memref<128xf32, #tpu.memory_space<vmem>>[vector<16xi32>], vector<16xf32>,
      %parallel_loop3A_866 = arith.index_cast %parallel_loop3A_850 : i32 to index
      %parallel_loop3A_867 = tpu.vector_load %arg10[%parallel_loop3A_866] {strides = array<i32>} : memref<10240xf32, #tpu.memory_space<vmem>>, vector<16xf32>,
      tpu.vector_store %arg10[%parallel_loop3A_866], %parallel_loop3A_865 {strides = array<i32>} : memref<10240xf32, #tpu.memory_space<vmem>>, vector<16xf32>,
      %parallel_loop3A_868 = arith.constant 2 : i32
      %parallel_loop3A_869 = vector.broadcast %parallel_loop3A_868 : i32 to vector<16xi32>
      %parallel_loop3A_870 = arith.addi %parallel_loop3A_855, %parallel_loop3A_869 : vector<16xi32>
      %parallel_loop3A_871 = tpu.vector_load_idx %arg15[%parallel_loop3A_870] : memref<128xf32, #tpu.memory_space<vmem>>[vector<16xi32>], vector<16xf32>,
      %parallel_loop3A_872 = arith.index_cast %parallel_loop3A_850 : i32 to index
      %parallel_loop3A_873 = tpu.vector_load %arg11[%parallel_loop3A_872] {strides = array<i32>} : memref<10240xf32, #tpu.memory_space<vmem>>, vector<16xf32>,
      tpu.vector_store %arg11[%parallel_loop3A_872], %parallel_loop3A_871 {strides = array<i32>} : memref<10240xf32, #tpu.memory_space<vmem>>, vector<16xf32>,
    } {sc.loop_unroll_factor = 8 : i64, sc.parallel_access}
    %add3A_801 = arith.constant 0 : i32
    %add3A_802 = arith.addi %add3A_801, %add3A_785 : i32
    %dma_start3A_803 = tpu.memref_slice %arg6[%add3A_802] : memref<9830400xf32, #tpu.memory_space<hbm>> -> memref<10240xf32, #tpu.memory_space<hbm>>
    %dma_start3A_804 = tpu.memref_slice %arg6[%add3A_802] : memref<9830400xf32, #tpu.memory_space<hbm>> -> memref<10240xf32, #tpu.memory_space<hbm>>
    tpu.enqueue_dma source(%arg9 : memref<10240xf32, #tpu.memory_space<vmem>>) target(%dma_start3A_804 : memref<10240xf32, #tpu.memory_space<hbm>>) target_semaphore(%arg21 : memref<!tpu.dma_semaphore, #tpu.memory_space<semaphore_mem>>)
    %add3A_805 = arith.constant 3276800 : i32
    %add3A_806 = arith.addi %add3A_805, %add3A_785 : i32
    %dma_start3A_807 = tpu.memref_slice %arg6[%add3A_806] : memref<9830400xf32, #tpu.memory_space<hbm>> -> memref<10240xf32, #tpu.memory_space<hbm>>
    %dma_start3A_808 = tpu.memref_slice %arg6[%add3A_806] : memref<9830400xf32, #tpu.memory_space<hbm>> -> memref<10240xf32, #tpu.memory_space<hbm>>
    tpu.enqueue_dma source(%arg10 : memref<10240xf32, #tpu.memory_space<vmem>>) target(%dma_start3A_808 : memref<10240xf32, #tpu.memory_space<hbm>>) target_semaphore(%arg21 : memref<!tpu.dma_semaphore, #tpu.memory_space<semaphore_mem>>)
    %add3A_809 = arith.constant 6553600 : i32
    %add3A_810 = arith.addi %add3A_809, %add3A_785 : i32
    %dma_start3A_811 = tpu.memref_slice %arg6[%add3A_810] : memref<9830400xf32, #tpu.memory_space<hbm>> -> memref<10240xf32, #tpu.memory_space<hbm>>
    %dma_start3A_812 = tpu.memref_slice %arg6[%add3A_810] : memref<9830400xf32, #tpu.memory_space<hbm>> -> memref<10240xf32, #tpu.memory_space<hbm>>
    tpu.enqueue_dma source(%arg11 : memref<10240xf32, #tpu.memory_space<vmem>>) target(%dma_start3A_812 : memref<10240xf32, #tpu.memory_space<hbm>>) target_semaphore(%arg21 : memref<!tpu.dma_semaphore, #tpu.memory_space<semaphore_mem>>)
    %add3A_813 = arith.constant 92160 : i32
    %add3A_814 = arith.addi %mul3A_2, %add3A_813 : i32
    %dma_wait3A_815 = tpu.memref_slice %arg2[%add3A_787] : memref<3276800xi32, #tpu.memory_space<hbm>> -> memref<10240xi32, #tpu.memory_space<hbm>>
    %dma_wait3A_816 = tpu.memref_slice %arg2[%add3A_787] : memref<3276800xi32, #tpu.memory_space<hbm>> -> memref<10240xi32, #tpu.memory_space<hbm>>
    tpu.wait_dma2 semaphore(%arg20 : memref<!tpu.dma_semaphore, #tpu.memory_space<semaphore_mem>>) src(%dma_wait3A_816 : memref<10240xi32, #tpu.memory_space<hbm>>) dst(%arg8 : memref<10240xi32, #tpu.memory_space<vmem>>)
    %dma_wait3A_817 = tpu.memref_slice %arg6[%add3A_773] : memref<9830400xf32, #tpu.memory_space<hbm>> -> memref<10240xf32, #tpu.memory_space<hbm>>
    %dma_wait3A_818 = tpu.memref_slice %arg6[%add3A_773] : memref<9830400xf32, #tpu.memory_space<hbm>> -> memref<10240xf32, #tpu.memory_space<hbm>>
    tpu.wait_dma2 semaphore(%arg22 : memref<!tpu.dma_semaphore, #tpu.memory_space<semaphore_mem>>) src(%arg12 : memref<10240xf32, #tpu.memory_space<vmem>>) dst(%dma_wait3A_818 : memref<10240xf32, #tpu.memory_space<hbm>>)
    %dma_wait3A_819 = tpu.memref_slice %arg6[%add3A_777] : memref<9830400xf32, #tpu.memory_space<hbm>> -> memref<10240xf32, #tpu.memory_space<hbm>>
    %dma_wait3A_820 = tpu.memref_slice %arg6[%add3A_777] : memref<9830400xf32, #tpu.memory_space<hbm>> -> memref<10240xf32, #tpu.memory_space<hbm>>
    tpu.wait_dma2 semaphore(%arg22 : memref<!tpu.dma_semaphore, #tpu.memory_space<semaphore_mem>>) src(%arg13 : memref<10240xf32, #tpu.memory_space<vmem>>) dst(%dma_wait3A_820 : memref<10240xf32, #tpu.memory_space<hbm>>)
    %dma_wait3A_821 = tpu.memref_slice %arg6[%add3A_781] : memref<9830400xf32, #tpu.memory_space<hbm>> -> memref<10240xf32, #tpu.memory_space<hbm>>
    %dma_wait3A_822 = tpu.memref_slice %arg6[%add3A_781] : memref<9830400xf32, #tpu.memory_space<hbm>> -> memref<10240xf32, #tpu.memory_space<hbm>>
    tpu.wait_dma2 semaphore(%arg22 : memref<!tpu.dma_semaphore, #tpu.memory_space<semaphore_mem>>) src(%arg14 : memref<10240xf32, #tpu.memory_space<vmem>>) dst(%dma_wait3A_822 : memref<10240xf32, #tpu.memory_space<hbm>>)
    %parallel_loop3A_823 = arith.constant 0 : i32
    %parallel_loop3A_824 = arith.constant 10240 : i32
    %parallel_loop3A_825 = arith.constant 16 : i32
    scf.for %parallel_loop3A_850 = %parallel_loop3A_823 to %parallel_loop3A_824 step %parallel_loop3A_825  : i32 {
      %parallel_loop3A_851 = arith.index_cast %parallel_loop3A_850 : i32 to index
      %parallel_loop3A_852 = tpu.vector_load %arg8[%parallel_loop3A_851] {strides = array<i32>} : memref<10240xi32, #tpu.memory_space<vmem>>, vector<16xi32>,
      %parallel_loop3A_853 = arith.constant 3 : i32
      %parallel_loop3A_854 = vector.broadcast %parallel_loop3A_853 : i32 to vector<16xi32>
      %parallel_loop3A_855 = arith.muli %parallel_loop3A_852, %parallel_loop3A_854 : vector<16xi32>
      %parallel_loop3A_856 = arith.constant 0 : i32
      %parallel_loop3A_857 = vector.broadcast %parallel_loop3A_856 : i32 to vector<16xi32>
      %parallel_loop3A_858 = arith.addi %parallel_loop3A_855, %parallel_loop3A_857 : vector<16xi32>
      %parallel_loop3A_859 = tpu.vector_load_idx %arg15[%parallel_loop3A_858] : memref<128xf32, #tpu.memory_space<vmem>>[vector<16xi32>], vector<16xf32>,
      %parallel_loop3A_860 = arith.index_cast %parallel_loop3A_850 : i32 to index
      %parallel_loop3A_861 = tpu.vector_load %arg12[%parallel_loop3A_860] {strides = array<i32>} : memref<10240xf32, #tpu.memory_space<vmem>>, vector<16xf32>,
      tpu.vector_store %arg12[%parallel_loop3A_860], %parallel_loop3A_859 {strides = array<i32>} : memref<10240xf32, #tpu.memory_space<vmem>>, vector<16xf32>,
      %parallel_loop3A_862 = arith.constant 1 : i32
      %parallel_loop3A_863 = vector.broadcast %parallel_loop3A_862 : i32 to vector<16xi32>
      %parallel_loop3A_864 = arith.addi %parallel_loop3A_855, %parallel_loop3A_863 : vector<16xi32>
      %parallel_loop3A_865 = tpu.vector_load_idx %arg15[%parallel_loop3A_864] : memref<128xf32, #tpu.memory_space<vmem>>[vector<16xi32>], vector<16xf32>,
      %parallel_loop3A_866 = arith.index_cast %parallel_loop3A_850 : i32 to index
      %parallel_loop3A_867 = tpu.vector_load %arg13[%parallel_loop3A_866] {strides = array<i32>} : memref<10240xf32, #tpu.memory_space<vmem>>, vector<16xf32>,
      tpu.vector_store %arg13[%parallel_loop3A_866], %parallel_loop3A_865 {strides = array<i32>} : memref<10240xf32, #tpu.memory_space<vmem>>, vector<16xf32>,
      %parallel_loop3A_868 = arith.constant 2 : i32
      %parallel_loop3A_869 = vector.broadcast %parallel_loop3A_868 : i32 to vector<16xi32>
      %parallel_loop3A_870 = arith.addi %parallel_loop3A_855, %parallel_loop3A_869 : vector<16xi32>
      %parallel_loop3A_871 = tpu.vector_load_idx %arg15[%parallel_loop3A_870] : memref<128xf32, #tpu.memory_space<vmem>>[vector<16xi32>], vector<16xf32>,
      %parallel_loop3A_872 = arith.index_cast %parallel_loop3A_850 : i32 to index
      %parallel_loop3A_873 = tpu.vector_load %arg14[%parallel_loop3A_872] {strides = array<i32>} : memref<10240xf32, #tpu.memory_space<vmem>>, vector<16xf32>,
      tpu.vector_store %arg14[%parallel_loop3A_872], %parallel_loop3A_871 {strides = array<i32>} : memref<10240xf32, #tpu.memory_space<vmem>>, vector<16xf32>,
    } {sc.loop_unroll_factor = 8 : i64, sc.parallel_access}
    %add3A_826 = arith.constant 0 : i32
    %add3A_827 = arith.addi %add3A_826, %add3A_814 : i32
    %dma_start3A_828 = tpu.memref_slice %arg6[%add3A_827] : memref<9830400xf32, #tpu.memory_space<hbm>> -> memref<10240xf32, #tpu.memory_space<hbm>>
    %dma_start3A_829 = tpu.memref_slice %arg6[%add3A_827] : memref<9830400xf32, #tpu.memory_space<hbm>> -> memref<10240xf32, #tpu.memory_space<hbm>>
    tpu.enqueue_dma source(%arg12 : memref<10240xf32, #tpu.memory_space<vmem>>) target(%dma_start3A_829 : memref<10240xf32, #tpu.memory_space<hbm>>) target_semaphore(%arg22 : memref<!tpu.dma_semaphore, #tpu.memory_space<semaphore_mem>>)
    %add3A_830 = arith.constant 3276800 : i32
    %add3A_831 = arith.addi %add3A_830, %add3A_814 : i32
    %dma_start3A_832 = tpu.memref_slice %arg6[%add3A_831] : memref<9830400xf32, #tpu.memory_space<hbm>> -> memref<10240xf32, #tpu.memory_space<hbm>>
    %dma_start3A_833 = tpu.memref_slice %arg6[%add3A_831] : memref<9830400xf32, #tpu.memory_space<hbm>> -> memref<10240xf32, #tpu.memory_space<hbm>>
    tpu.enqueue_dma source(%arg13 : memref<10240xf32, #tpu.memory_space<vmem>>) target(%dma_start3A_833 : memref<10240xf32, #tpu.memory_space<hbm>>) target_semaphore(%arg22 : memref<!tpu.dma_semaphore, #tpu.memory_space<semaphore_mem>>)
    %add3A_834 = arith.constant 6553600 : i32
    %add3A_835 = arith.addi %add3A_834, %add3A_814 : i32
    %dma_start3A_836 = tpu.memref_slice %arg6[%add3A_835] : memref<9830400xf32, #tpu.memory_space<hbm>> -> memref<10240xf32, #tpu.memory_space<hbm>>
    %dma_start3A_837 = tpu.memref_slice %arg6[%add3A_835] : memref<9830400xf32, #tpu.memory_space<hbm>> -> memref<10240xf32, #tpu.memory_space<hbm>>
    tpu.enqueue_dma source(%arg14 : memref<10240xf32, #tpu.memory_space<vmem>>) target(%dma_start3A_837 : memref<10240xf32, #tpu.memory_space<hbm>>) target_semaphore(%arg22 : memref<!tpu.dma_semaphore, #tpu.memory_space<semaphore_mem>>)
    %dma_wait3A_838 = tpu.memref_slice %arg6[%add3A_802] : memref<9830400xf32, #tpu.memory_space<hbm>> -> memref<10240xf32, #tpu.memory_space<hbm>>
    %dma_wait3A_839 = tpu.memref_slice %arg6[%add3A_802] : memref<9830400xf32, #tpu.memory_space<hbm>> -> memref<10240xf32, #tpu.memory_space<hbm>>
    tpu.wait_dma2 semaphore(%arg21 : memref<!tpu.dma_semaphore, #tpu.memory_space<semaphore_mem>>) src(%arg9 : memref<10240xf32, #tpu.memory_space<vmem>>) dst(%dma_wait3A_839 : memref<10240xf32, #tpu.memory_space<hbm>>)
    %dma_wait3A_840 = tpu.memref_slice %arg6[%add3A_806] : memref<9830400xf32, #tpu.memory_space<hbm>> -> memref<10240xf32, #tpu.memory_space<hbm>>
    %dma_wait3A_841 = tpu.memref_slice %arg6[%add3A_806] : memref<9830400xf32, #tpu.memory_space<hbm>> -> memref<10240xf32, #tpu.memory_space<hbm>>
    tpu.wait_dma2 semaphore(%arg21 : memref<!tpu.dma_semaphore, #tpu.memory_space<semaphore_mem>>) src(%arg10 : memref<10240xf32, #tpu.memory_space<vmem>>) dst(%dma_wait3A_841 : memref<10240xf32, #tpu.memory_space<hbm>>)
    %dma_wait3A_842 = tpu.memref_slice %arg6[%add3A_810] : memref<9830400xf32, #tpu.memory_space<hbm>> -> memref<10240xf32, #tpu.memory_space<hbm>>
    %dma_wait3A_843 = tpu.memref_slice %arg6[%add3A_810] : memref<9830400xf32, #tpu.memory_space<hbm>> -> memref<10240xf32, #tpu.memory_space<hbm>>
    tpu.wait_dma2 semaphore(%arg21 : memref<!tpu.dma_semaphore, #tpu.memory_space<semaphore_mem>>) src(%arg11 : memref<10240xf32, #tpu.memory_space<vmem>>) dst(%dma_wait3A_843 : memref<10240xf32, #tpu.memory_space<hbm>>)
    %dma_wait3A_844 = tpu.memref_slice %arg6[%add3A_827] : memref<9830400xf32, #tpu.memory_space<hbm>> -> memref<10240xf32, #tpu.memory_space<hbm>>
    %dma_wait3A_845 = tpu.memref_slice %arg6[%add3A_827] : memref<9830400xf32, #tpu.memory_space<hbm>> -> memref<10240xf32, #tpu.memory_space<hbm>>
    tpu.wait_dma2 semaphore(%arg22 : memref<!tpu.dma_semaphore, #tpu.memory_space<semaphore_mem>>) src(%arg12 : memref<10240xf32, #tpu.memory_space<vmem>>) dst(%dma_wait3A_845 : memref<10240xf32, #tpu.memory_space<hbm>>)
    %dma_wait3A_846 = tpu.memref_slice %arg6[%add3A_831] : memref<9830400xf32, #tpu.memory_space<hbm>> -> memref<10240xf32, #tpu.memory_space<hbm>>
    %dma_wait3A_847 = tpu.memref_slice %arg6[%add3A_831] : memref<9830400xf32, #tpu.memory_space<hbm>> -> memref<10240xf32, #tpu.memory_space<hbm>>
    tpu.wait_dma2 semaphore(%arg22 : memref<!tpu.dma_semaphore, #tpu.memory_space<semaphore_mem>>) src(%arg13 : memref<10240xf32, #tpu.memory_space<vmem>>) dst(%dma_wait3A_847 : memref<10240xf32, #tpu.memory_space<hbm>>)
    %dma_wait3A_848 = tpu.memref_slice %arg6[%add3A_835] : memref<9830400xf32, #tpu.memory_space<hbm>> -> memref<10240xf32, #tpu.memory_space<hbm>>
    %dma_wait3A_849 = tpu.memref_slice %arg6[%add3A_835] : memref<9830400xf32, #tpu.memory_space<hbm>> -> memref<10240xf32, #tpu.memory_space<hbm>>
    tpu.wait_dma2 semaphore(%arg22 : memref<!tpu.dma_semaphore, #tpu.memory_space<semaphore_mem>>) src(%arg14 : memref<10240xf32, #tpu.memory_space<vmem>>) dst(%dma_wait3A_849 : memref<10240xf32, #tpu.memory_space<hbm>>)
    return
  }
}

</mosaic_0001>

<sc_bundles>
// kernel: kernel.3.cloned.1.call-start
scs
__scs_entry_jumppad:
0x0: {  	(pc) =	sbr.rel $0x88, $3  }
0x1: {  	(tag) =	ssettag $0x0;
	lr =	simm.s32 $0x1  }
0x2: {  	[smem:$0x3F9D] =	sst lr;
	_ =	strace $0xD0000000  }
0x3: {  	_ = 	snop  }
0x4: {  	_ = 	snop  }
0x5: {  	_ = 	snop  }
0x6: {  	_ = 	snop  }
0x7: {  	_ = 	snop  }
__scs_overlays_trampoline_lowered:
0x8: {  	[smem:$0x3FAC] =	sst s0  }
0x9: {  	[smem:$0x3FAD] =	sst s1  }
0xa: {  	[smem:$0x3FAE] =	sst s2  }
0xb: {  	[smem:$0x3FAF] =	sst s3  }
0xc: {  	[smem:$0x3FB0] =	sst s4  }
0xd: {  	[smem:$0x3FB1] =	sst s5  }
0xe: {  	[smem:$0x3FB2] =	sst s6  }
0xf: {  	[smem:$0x3FB3] =	sst s7  }
0x10: {  	[smem:$0x3FB4] =	sst s8  }
0x11: {  	[smem:$0x3FB5] =	sst s9;
	s0 =	simm.s32 @!p0 $0x0  }
0x12: {  	s1 =	sld [smem:$0x3F9B];
	s0 =	simm.s32 @p0 $0x1  }
0x13: {  	[smem:$0x3FB6] =	sst s0;
	s0 =	simm.s32 @!p1 $0x0  }
0x14: {  	s2 =	sld [smem:$0x3F9A];
	s0 =	simm.s32 @p1 $0x1  }
0x15: {  	[smem:$0x3FB7] =	sst s0;
	s0 =	simm.s32 @!p2 $0x0  }
0x16: {  	s3 =	sld [smem:$0x3FDB];
	s0 =	simm.s32 @p2 $0x1  }
0x17: {  	s4 =	simm.s32 $0x1BF5;
	[smem:$0x3FB9] =	sst s0  }
0x18: {  	s0 =	sld [smem:$0x3F9C];
	_ =	swait.ge [sflag:s4], $0x0  }
0x19: {  	s7 =	sld [smem:$0x3F9D]  }
0x1a: {  	s8 =	sadd.s32 $0xFFFFE003, lr  }
0x1b: {  	s9 =	sadd.s32 $0xFFFFFEF7, lr;
	s5 =	simm.s32 $0xFFFFFFFF;
	p2 =	slt.u32 s8, $0xFFFFF086  }
0x1c: {  	p1 =	slt.u32 s9, $0xF7A;
	s5 =	simm.s32 @!p2 $0x0  }
0x1d: {  	s5 =	simm.s32 @p1 $0x1;
	p0 =	seq.s32 s7, s2  }
0x1e: {  	s7 =	smul.u32 @!p0 $0xF7A, s2;
	p2 =	seq.s32 @!p0 s5, $0x0  }
0x1f: {  	s9 =	smul.u32 $0xF7A, s1;
	s8 =	simm.s32 @!p0 $0x1BF5;
	p2 =	por !p2, p0  }
0x20: {  	[sflag:s8] =	ssyncset.s32 @!p0 $0xFFFFF086;
	s6 =	sadd.s32 @!p0 s3, s7;
	s7 =	simm.s32 @!p0 $0x108  }
0x21: {  	s3 =	sadd.s32 s3, s9;
	s6 =	sadd.s32 @!p0 $0x88, s6;
	s7 =	simm.s32 @p2 $0x1082  }
0x22: {  	[simem:s7], [sflag:s8] =	dma.local @!p0 [hbm:s6], $0xF7A  }
0x23: {  	s9 =	sor.u32 $0xD0000000, s2;
	s6 =	simm.s32 $0x108;
	_ =	swait.ge @!p0 [sflag:s8], $0x0  }
0x24: {  	s3 =	sadd.s32 $0x88, s3;
	s6 =	simm.s32 @!p1 $0x1082;
	[sflag:s4] =	ssyncset.s32 $0xFFFFF086  }
0x25: {  	[simem:s6], [sflag:s4] =	dma.local [hbm:s3], $0xF7A  }
0x26: {  	[smem:$0x3F9D] =	sst s1;
	(tag) =	ssettag s2;
	_ =	strace s9  }
0x27: {  	s1 =	sld [smem:$0x3FAD]  }
0x28: {  	s2 =	sld [smem:$0x3FAE]  }
0x29: {  	s4 =	sld [smem:$0x3FB0]  }
0x2a: {  	p0 =	seq.s32 s5, $0x0;
	s5 =	sld [smem:$0x3FB1]  }
0x2b: {  	s6 =	sld [smem:$0x3FB2]  }
0x2c: {  	s7 =	sld [smem:$0x3FB3]  }
0x2d: {  	s3 =	simm.s32 $0x108;
	s8 =	sld [smem:$0x3FB4]  }
0x2e: {  	s3 =	simm.s32 @!p0 $0x1082;
	s9 =	sld [smem:$0x3FB5]  }
0x2f: {  	lr =	sadd.s32 s0, s3;
	s0 =	sld [smem:$0x3FAC]  }
0x30: {  	s3 =	sld [smem:$0x3FAF]  }
0x31: {  	[smem:$0x3FB8] =	sst s10  }
0x32: {  	s10 =	sld [smem:$0x3FB6];
	_ =	sdelay $0x3  }
0x33: {  	p0 =	seq.s32 s10, $0x1;
	s10 =	sld [smem:$0x3FB8];
	_ =	sdelay $0x3  }
0x34: {  	[smem:$0x3FB8] =	sst s10  }
0x35: {  	s10 =	sld [smem:$0x3FB7];
	_ =	sdelay $0x3  }
0x36: {  	p1 =	seq.s32 s10, $0x1;
	s10 =	sld [smem:$0x3FB8];
	_ =	sdelay $0x3  }
0x37: {  	[smem:$0x3FB8] =	sst s10  }
0x38: {  	s10 =	sld [smem:$0x3FB9]  }
0x39: {  	_ = 	snop;
	(pc) =	sbr.ind lr, $3  }
0x3a: {  	_ = 	snop  }
0x3b: {  	_ = 	snop  }
0x3c: {  	p2 =	seq.s32 s10, $0x1;
	s10 =	sld [smem:$0x3FB8]  }
0x3d: {  	_ =	shalt  }
0x3e: {  	_ =	shalt  }
0x3f: {  	_ =	shalt  }
0x40: {  	_ =	shalt  }
0x41: {  	_ =	shalt  }
0x42: {  	_ =	shalt  }
0x43: {  	_ =	shalt  }
0x44: {  	_ =	shalt  }
0x45: {  	_ =	shalt  }
0x46: {  	_ =	shalt  }
0x47: {  	_ =	shalt  }
0x48: {  	_ =	shalt  }
0x49: {  	_ =	shalt  }
0x4a: {  	_ =	shalt  }
0x4b: {  	_ =	shalt  }
0x4c: {  	_ =	shalt  }
0x4d: {  	_ =	shalt  }
0x4e: {  	_ =	shalt  }
0x4f: {  	_ =	shalt  }
0x50: {  	_ =	shalt  }
0x51: {  	_ =	shalt  }
0x52: {  	_ =	shalt  }
0x53: {  	_ =	shalt  }
0x54: {  	_ =	shalt  }
0x55: {  	_ =	shalt  }
0x56: {  	_ =	shalt  }
0x57: {  	_ =	shalt  }
0x58: {  	_ =	shalt  }
0x59: {  	_ =	shalt  }
0x5a: {  	_ =	shalt  }
0x5b: {  	_ =	shalt  }
0x5c: {  	_ =	shalt  }
0x5d: {  	_ =	shalt  }
0x5e: {  	_ =	shalt  }
0x5f: {  	_ =	shalt  }
0x60: {  	_ =	shalt  }
0x61: {  	_ =	shalt  }
0x62: {  	_ =	shalt  }
0x63: {  	_ =	shalt  }
0x64: {  	_ =	shalt  }
0x65: {  	_ =	shalt  }
0x66: {  	_ =	shalt  }
0x67: {  	_ =	shalt  }
0x68: {  	_ =	shalt  }
0x69: {  	_ =	shalt  }
0x6a: {  	_ =	shalt  }
0x6b: {  	_ =	shalt  }
0x6c: {  	_ =	shalt  }
0x6d: {  	_ =	shalt  }
0x6e: {  	_ =	shalt  }
0x6f: {  	_ =	shalt  }
0x70: {  	_ =	shalt  }
0x71: {  	_ =	shalt  }
0x72: {  	_ =	shalt  }
0x73: {  	_ =	shalt  }
0x74: {  	_ =	shalt  }
0x75: {  	_ =	shalt  }
0x76: {  	_ =	shalt  }
0x77: {  	_ =	shalt  }
0x78: {  	_ =	shalt  }
0x79: {  	_ =	shalt  }
0x7a: {  	_ =	shalt  }
0x7b: {  	_ =	shalt  }
0x7c: {  	_ =	shalt  }
0x7d: {  	_ =	shalt  }
0x7e: {  	_ =	shalt  }
0x7f: {  	_ =	shalt  }
0x80: {  	_ =	shalt  }
0x81: {  	_ =	shalt  }
0x82: {  	_ =	shalt  }
0x83: {  	_ =	shalt  }
0x84: {  	_ =	shalt  }
0x85: {  	_ =	shalt  }
0x86: {  	_ =	shalt  }
0x87: {  	_ =	shalt  }
.Lfunc_end0:
.L_simem_size_0:
called_computation_lowered:
.L_overlay_start_0:
0x88: {  	s2 =	sld [smem:$0x3FD9]  }
0x89: {  	s3 =	sld [smem:$0x3FFE];
	_ =	sdelay $0x1  }
0x8a: {  	s1 =	srdreg.scid  }
0x8b: {  	s0 =	sand.u32 $0x1, s1  }
0x8c: {  	s17 =	sshll.u32 s0, $0xA;
	s2 =	sadd.s32 s3, s2  }
0x8d: {  	s2 =	sadd.s32 s2, s17  }
0x8e: {  	[smem:$0x3FC4] =	sst s2  }
0x8f: {  	_ = 	snop  }
0x90: {  	s2 =	sld [smem:$0x3FC9]  }
0x91: {  	s18 =	sld [smem:$0x3FD0];
	(tm) =	ssettm $0x1  }
0x92: {  	s4 =	sld [smem:$0x3FFB];
	_ =	sdelay $0x3  }
0x93: {  	_ =	strace s4  }
0x94: {  	s4 =	sld [smem:$0x3FFC];
	_ =	sdelay $0x3  }
0x95: {  	_ =	strace s4  }
0x96: {  	s4 =	sld [smem:$0x3FFD];
	_ =	sdelay $0x3  }
0x97: {  	_ =	strace s4  }
0x98: {  	_ =	strace $0x8FFFFFFF  }
0x99: {  	s19 =	sld [smem:$0x3FDB];
	_ =	sdelay $0x1  }
0x9a: {  	s5 =	simm.s32 $_scs_section_size  }
0x9b: {  	s6 =	simm.s32 $_size__tile_overlayer_lowered;
	s7 =	simm.s32 $_tile_overlayer_lowered  }
0x9c: {  	s22 =	simm.s32 $0x1BFF;
	s21 =	sshll.u32 s7, $0x1;
	s4 =	sadd.s32 s5, s19  }
0x9d: {  	s8 =	simm.s32 $0x0;
	s20 =	sshll.u32 s6, $0x1;
	s6 =	sadd.s32 s21, s4  }
0x9e: {  	[timem:s8], [sflag:s22] =	dma.local [hbm:s6], s20  }
0x9f: {  	_ =	swait.ge [sflag:s22], s20  }
0xa0: {  	s5 =	ssub.s32 $0x0, s20;
	[sflag:s22] =	ssyncset.done $0x0  }
0xa1: {  	[sflag:s22] =	ssyncadd.s32 s5;
	_ =	sdelay $0x1  }
0xa2: {  	s23 =	simm.s32 $0x1B8B  }
0xa3: {  	_ =	swait.ge [sflag:s23], $0x1  }
0xa4: {  	[sflag:s23] =	ssyncset.done $0x0  }
0xa5: {  	s25 =	simm.s32 $0x1B8E;
	s24 =	sld [smem:$0x3FFE];
	[sflag:s23] =	ssyncadd.s32 $0xFFFFFFFF  }
0xa6: {  	s26 =	simm.s32 $execute0_lowered;
	[smem:$0x3FD2] =	sst s25  }
0xa7: {  	s6 =	sshll.u32 s26, $0x1;
	_ =	strace $0x80000046;
	[dreg:$0x1] =	wrdreg $0xFFFFFFFF  }
0xa8: {  	s28 =	simm.s32 $_size_execute0_lowered;
	s4 =	sadd.s32 s4, s6;
	[dreg:$0x0] =	wrdreg $0x0  }
0xa9: {  	s6 =	sshll.u32 s28, $0x1;
	[dreg:$0x2] =	wrdreg s4  }
0xaa: {  	[dreg:$0x3] =	wrdreg s6  }
0xab: {  	[dreg:$0x4] =	wrdreg $0xC0  }
0xac: {  	_ =	task [dreg:s8], $0x5FFFF  }
0xad: {  	[dreg:$0x1] =	wrdreg $0xFFFFFFFF  }
0xae: {  	[dreg:$0x0] =	wrdreg $0x60  }
0xaf: {  	[dreg:$0x2] =	wrdreg s2  }
0xb0: {  	[dreg:$0x3] =	wrdreg s24  }
0xb1: {  	[dreg:$0x4] =	wrdreg s18  }
0xb2: {  	[dreg:$0x5] =	wrdreg $0x9  }
0xb3: {  	_ =	task.clear_ibuf [dreg:s8], $0x6FFFF;
	_ =	strace $0x90000046  }
0xb4: {  	s29 =	simm.s32 $0x9;
	_ =	strace $0x80000048  }
0xb5: {  	_ =	swait.ge [sflag:s29], $0x1  }
0xb6: {  	[sflag:s29] =	ssyncadd.s32 $0xFFFFFFFF  }
0xb7: {  	_ =	strace $0x90000048  }
0xb8: {  	_ =	sfence  }
0xb9: {  	s30 =	sld [smem:$0x0];
	_ =	sdelay $0x2  }
0xba: {  	s31 =	sshll.u32 s1, $0xD;
	s1 =	sshrl.u32 s1, $0x2  }
0xbb: {  	s3 =	sand.u32 $0x4000, s31;
	s1 =	sadd.s32 s1, s30  }
0xbc: {  	s0 =	sor.u32 s3, s0;
	s1 =	sshll.u32 s1, $0x11  }
0xbd: {  	s0 =	sor.u32 s1, s0  }
0xbe: {  	s0 =	sadd.s32 $0x8F2B, s0  }
0xbf: {  	[sflag:s0] =	ssyncadd.remote.s32 $0x1  }
0xc0: {  	_ =	sfence.sel $0xFFFF  }
0xc1: {  	[dreg:$0x0] =	wrdreg $0xFFFFFFFF;
	(pc) =	sbr.abs _section_cstart, $3  }
0xc2: {  	[dreg:$0x1] =	wrdreg $0xFFFFFFFF  }
0xc3: {  	_ =	task.clear_ibuf [dreg:s8], $0x2FFFF;
	_ =	strace $0x9FFFFFFF  }
0xc4: {  	(tm) =	ssettm $0x7FFFFFFF  }
0xc5: {  	_ =	shalt  }
tec
execute0_lowered:
.L_overlay_start_1:
0x0: {  	(tag) =	ssettag $0x1  }
0x1: {  	v5 =	vlaneseq.u32  }
0x2: {  	v0 =	vmul.u32 $0xA, v5  }
0x3: {  	s0 =	srdreg.scid;
	s2 =	stileid.u32  }
0x4: {  	s4 =	sand.u32 $0x1, s0;
	s2 =	sshll.u32 s2, $0x1;
	v4 =	vor.u32 $0x1, v0  }
0x5: {  	s1 =	rddreg [dreg:$0x0];
	s2 =	sor.u32 s4, s2;
	[tilespmem:$0x1FF00] =	vst v4;
	v4 =	vadd.s32 $0x2, v0  }
0x6: {  	s3 =	rddreg [dreg:$0x2];
	s5 =	smul.u32 $0x19000, s2;
	[tilespmem:$0x1FF10] =	vst v4;
	v4 =	vadd.s32 $0x3, v0  }
0x7: {  	s0 =	rddreg [dreg:$0x1];
	s4 =	ssub.s32 $0x2, s4;
	s2 =	simm.s32 $0x0;
	[tilespmem:$0x1FF20] =	vst v4;
	v4 =	vadd.s32 $0x4, v0  }
0x8: {  	s6 =	sshrl.u32 s4, $0x1;
	[smem:$0x7FF] =	sst s2;
	s7 =	sshrl.u32 s5, $0x3;
	[tilespmem:$0x1FF30] =	vst v4;
	v4 =	vadd.s32 $0x5, v0  }
0x9: {  	s13 =	sadd.s32 $0x500, s7;
	s5 =	sadd.s32 s1, s7;
	s8 =	sadd.s32 $0xA00, s7;
	[tilespmem:$0x1FF40] =	vst v4  }
0xa: {  	s14 =	sadd.s32 s1, s13;
	_ =	strace $0x80000047;
	[dreg:$0x4] =	wrdreg s5  }
0xb: {  	s4 =	ssub.s32 s4, s6;
	s9 =	sadd.s32 s1, s8;
	[dreg:$0x5] =	wrdreg s14  }
0xc: {  	s15 =	sadd.s32 $0xF00, s7;
	s6 =	sadd.s32 s3, s13;
	[dreg:$0x6] =	wrdreg s9  }
0xd: {  	s16 =	sadd.s32 s1, s15;
	[dreg:$0x7] =	wrdreg s6  }
0xe: {  	s17 =	sadd.s32 $0x1400, s7;
	s8 =	sadd.s32 s3, s8;
	[dreg:$0x8] =	wrdreg s16  }
0xf: {  	s19 =	sadd.s32 $0x1900, s7;
	s18 =	sadd.s32 s1, s17;
	[dreg:$0x9] =	wrdreg s8  }
0x10: {  	s21 =	sadd.s32 $0x1E00, s7;
	s20 =	sadd.s32 s1, s19;
	[dreg:$0xa] =	wrdreg s18  }
0x11: {  	s23 =	sadd.s32 $0x2300, s7;
	s22 =	sadd.s32 s1, s21;
	[dreg:$0xc] =	wrdreg s20  }
0x12: {  	s25 =	sadd.s32 $0x2800, s7;
	s24 =	sadd.s32 s1, s23;
	[dreg:$0xe] =	wrdreg s22  }
0x13: {  	s26 =	sadd.s32 s1, s25;
	[dreg:$0x10] =	wrdreg s24  }
0x14: {  	s11 =	sadd.s32 $0x800, s0;
	[dreg:$0x12] =	wrdreg s26  }
0x15: {  	s12 =	sadd.s32 $0x600, s0;
	[dreg:$0x17] =	wrdreg s11  }
0x16: {  	v1 =	vimm.s32 $0x10;
	s0 =	sadd.s32 $0x400, s0;
	[dreg:$0x18] =	wrdreg s12  }
0x17: {  	v2 =	vimm.s32 $0x11;
	v3 =	vimm.s32 $0x12;
	v37 =	vimm.s32 $0xBEB4AAA0;
	s13 =	smax.u32 s4, $0x1;
	[dreg:$0x19] =	wrdreg s0  }
0x18: {  	v59 =	vimm.s32 $0xBFB5ABA1;
	v42 =	vimm.s32 $0xC0B6ACA2;
	vm0 =	vcmask $0xF00;
	s9 =	sadd.s32 s3, s15;
	[dreg:$0x1a] =	wrdreg s13  }
0x19: {  	v60 =	vimm.s32 $0xC2B8AEA4;
	v47 =	vimm.s32 $0xC3B9AFA5;
	v48 =	vimm.s32 $0xC5BBB1A7;
	s6 =	sadd.s32 s3, s17;
	[dreg:$0xb] =	wrdreg s9  }
0x1a: {  	v49 =	vimm.s32 $0xC6BCB2A8;
	v61 =	vimm.s32 $0xC7BDB3A9;
	v62 =	vimm.s32 $0x39363330;
	s8 =	sadd.s32 s3, s19;
	[dreg:$0xd] =	wrdreg s6  }
0x1b: {  	v63 =	vimm.s32 $0x3A373431;
	v54 =	vimm.s32 $0x3B383532;
	v29 =	vimm.s32 $0x16;
	s5 =	sadd.s32 s3, s7;
	[dreg:$0xf] =	wrdreg s8;
	s9 =	sadd.s32 s3, s21  }
0x1c: {  	v30 =	vimm.s32 $0x18;
	v31 =	vimm.s32 $0x19;
	v33 =	vimm.s32 $0x1B;
	s7 =	sadd.s32 $0x2D00, s7;
	s6 =	sadd.s32 s3, s23;
	[dreg:$0x11] =	wrdreg s9  }
0x1d: {  	v34 =	vimm.s32 $0x1C;
	v35 =	vimm.s32 $0x1E;
	v38 =	vimm.s32 $0x21;
	s1 =	sadd.s32 s1, s7;
	[dreg:$0x13] =	wrdreg s6  }
0x1e: {  	v39 =	vimm.s32 $0x22;
	v28 =	vimm.s32 $0x24;
	v32 =	vimm.s32 $0x25;
	s10 =	sadd.s32 s3, s7;
	[dreg:$0x14] =	wrdreg s1  }
0x1f: {  	v36 =	vimm.s32 $0x26;
	v45 =	vimm.s32 $0x2B;
	v40 =	vunpack.c.0.s8.s32 v37;
	s14 =	sadd.s32 $0x64000, s5;
	[dreg:$0x16] =	wrdreg s10  }
0x20: {  	s28 =	simm.s32 $0xA000;
	v43 =	vunpack.c.0.s8.s32 v59;
	v42 =	vunpack.c.0.s8.s32 v42;
	v46 =	vunpack.c.0.s8.s32 v60;
	s15 =	sadd.s32 $0xC8000, s5;
	[dreg:$0x1b] =	wrdreg s14  }
0x21: {  	s29 =	simm.s32 $0x2;
	v47 =	vunpack.c.0.s8.s32 v47;
	v49 =	vunpack.c.0.s8.s32 v49;
	v51 =	vunpack.c.0.s8.s32 v61;
	s16 =	sadd.s32 $0x64500, s5;
	[dreg:$0x1c] =	wrdreg s15  }
0x22: {  	s30 =	simm.s32 $0xC800;
	v56 =	vunpack.c.0.s8.s32 v63;
	v37 =	vimm.s32 $0x1F;
	v41 =	vand.u32 $0xFF, v40;
	s17 =	sadd.s32 $0xC8500, s5;
	[dreg:$0x1d] =	wrdreg s16  }
0x23: {  	s31 =	simm.s32 $0xF000;
	v40 =	vmul.u32 $0x3, v5;
	v5 =	vimm.s32 $0xC1B7ADA3;
	v4 =	vadd.s32 $0x6, v0;
	s19 =	sadd.s32 $0xC8A00, s5;
	[dreg:$0x1e] =	wrdreg s17  }
0x24: {  	v43 =	vand.u32 $0xFF, v43;
	v44 =	vand.u32 $0xFF, v42;
	s4 =	simm.s32 $0x0;
	[tilespmem:$0x1FF50] =	vst v4;
	v4 =	vadd.s32 $0x7, v0;
	s20 =	sadd.s32 $0x64F00, s5;
	[smem:$0x7F6] =	sst s19  }
0x25: {  	v46 =	vand.u32 $0xFF, v46;
	v47 =	vand.u32 $0xFF, v47;
	s0 =	simm.s32 $0x3;
	[tilespmem:$0x1FF60] =	vst v4;
	v4 =	vadd.s32 $0x8, v0;
	s21 =	sadd.s32 $0xC8F00, s5;
	[smem:$0x7F7] =	sst s20  }
0x26: {  	v52 =	vand.u32 $0xFF, v49;
	v53 =	vand.u32 $0xFF, v51;
	s18 =	sadd.s32 $0x64A00, s5;
	s22 =	sadd.s32 $0x65400, s5;
	[tilespmem:$0x1FF70] =	vst v4;
	v4 =	vadd.s32 $0x9, v0;
	[smem:$0x7F8] =	sst s21  }
0x27: {  	v57 =	vunpack.c.0.s8.s32 v54;
	v54 =	vnsel vm0, $0x3A, v56;
	s23 =	sadd.s32 $0xC9400, s5;
	s24 =	sadd.s32 $0x65900, s5;
	[smem:$0x7F9] =	sst s22;
	[tilespmem:$0x1FF80] =	vst v4;
	v4 =	vnsel vm0, $0xBE, v41  }
0x28: {  	v42 =	vimm.s32 $0x28;
	v5 =	vunpack.c.0.s8.s32 v5;
	s26 =	sadd.s32 $0x65E00, s5;
	s11 =	sadd.s32 $0xC9E00, s5;
	[smem:$0x7FA] =	sst s23;
	[tilespmem:$0x1FF90] =	vst v4;
	v4 =	vnsel vm0, $0xBF, v43  }
0x29: {  	v55 =	vunpack.c.0.s8.s32 v62;
	v51 =	vnsel vm0, $0xC6, v52;
	s12 =	sadd.s32 $0x66300, s5;
	s13 =	sadd.s32 $0xCA300, s5;
	[smem:$0x7FB] =	sst s24;
	[tilespmem:$0x1FFA0] =	vst v4;
	v4 =	vnsel vm0, $0xC0, v44  }
0x2a: {  	v52 =	vnsel vm0, $0xC7, v53;
	v5 =	vand.u32 $0xFF, v5;
	s9 =	sadd.s32 s3, s25;
	s25 =	sadd.s32 $0xC9900, s5;
	[smem:$0x7FD] =	sst s26;
	[tilespmem:$0x1FFB0] =	vst v4;
	v4 =	vadd.s32 $0x1, v40  }
0x2b: {  	v50 =	vunpack.c.0.s8.s32 v48;
	[dreg:$0x1f] =	wrdreg s18;
	s14 =	sadd.s32 $0x66800, s5;
	s15 =	sadd.s32 $0xCA800, s5;
	[tilespmem:$0x1FFC0] =	vst v4;
	v4 =	vnsel vm0, $0xC1, v5;
	v5 =	vimm.s32 $0xC4BAB0A6  }
0x2c: {  	v53 =	vnsel vm0, $0x39, v55;
	v55 =	vnsel vm0, $0x3B, v57;
	s16 =	sadd.s32 $0x66D00, s5;
	s17 =	sadd.s32 $0xCAD00, s5;
	s18 =	simm.s32 $0x14080;
	v5 =	vunpack.c.0.s8.s32 v5  }
0x2d: {  	v49 =	vadd.s32 $0x2, v40;
	s19 =	simm.s32 $0x14180;
	s20 =	simm.s32 $0x14200;
	s21 =	simm.s32 $0x5;
	v41 =	vimm.s32 $0x27;
	v43 =	vimm.s32 $0x29  }
0x2e: {  	s22 =	simm.s32 $0x14000;
	s23 =	simm.s32 $0x2800;
	s24 =	simm.s32 $0x1;
	v44 =	vimm.s32 $0x2A;
	[tilespmem:$0x1FFD0] =	vst v4;
	v4 =	vnsel vm0, $0xC2, v46;
	v5 =	vand.u32 $0xFF, v5  }
0x2f: {  	s26 =	simm.s32 $0x7800;
	s1 =	simm.s32 $0x11800;
	[dreg:$0x15] =	wrdreg s9;
	[tilespmem:$0x1FFE0] =	vst v4;
	v4 =	vnsel vm0, $0xC3, v47;
	v48 =	vnsel vm0, $0xC4, v5;
	v5 =	vand.u32 $0xFF, v50  }
0x30: {  	s3 =	simm.s32 $0x4;
	[smem:$0x7FC] =	sst s25;
	s25 =	simm.s32 $0x5000;
	v46 =	vimm.s32 $0x2C;
	v47 =	vimm.s32 $0x2D;
	[tilespmem:$0x1FFF0] =	vst v4;
	v50 =	vnsel vm0, $0xC5, v5  }
.LBB2_1:
0x31: {  	s6 =	rddreg [dreg:$0x4]  }
0x32: {  	[tilespmem:s2], [sflag:$0x1] =	stream.linear.gather [hbm4b:s6+s2], $0x2800, $0x38;
	[tilespmem:$0x14280] =	vst v63  }
0x33: {  	s10 =	rddreg [dreg:$0x17]  }
0x34: {  	[tilespmem:s18], [sflag:$0x5] =	stream.linear.gather [hbm4b:s10+s2], $0x100, $0x38;
	[tilespmem:$0x14280] =	vst v63  }
0x35: {  	s7 =	rddreg [dreg:$0x18]  }
0x36: {  	[tilespmem:s19], [sflag:$0x5] =	stream.linear.gather [hbm4b:s7+s2], $0x80, $0x38;
	[tilespmem:$0x14280] =	vst v63  }
0x37: {  	s8 =	rddreg [dreg:$0x19]  }
0x38: {  	[tilespmem:s20], [sflag:$0x5] =	stream.linear.gather [hbm4b:s8+s2], $0x80, $0x38;
	[tilespmem:$0x14280] =	vst v63  }
0x39: {  	_ =	swait.ge [sflag:s21], $0x100  }
0x3a: {  	[sflag:s21] =	ssyncset.done $0x0  }
0x3b: {  	[sflag:s21] =	ssyncadd.s32 $0xFFFFFF00  }
0x3c: {  	_ =	swait.ge [sflag:s21], $0x80  }
0x3d: {  	[sflag:s21] =	ssyncset.done $0x0  }
0x3e: {  	[sflag:s21] =	ssyncadd.s32 $0xFFFFFF80  }
0x3f: {  	_ =	swait.ge [sflag:s21], $0x80  }
0x40: {  	v4 =	vld [tilespmem:$0x1FF00]  }
0x41: {  	v8 =	vld [tilespmem:$0x1FF10]  }
0x42: {  	v12 =	vld [tilespmem:$0x1FF20]  }
0x43: {  	[sflag:s21] =	ssyncset.done $0x0;
	v16 =	vld [tilespmem:$0x1FF30]  }
0x44: {  	v20 =	vld [tilespmem:$0x1FF40];
	[sflag:s21] =	ssyncadd.s32 $0xFFFFFF80  }
0x45: {  	v5 =	vld.idx.msk [tilespmem:v1+s20+$0x0], $0xffff  }
0x46: {  	v56 =	vld.idx.msk [tilespmem:v2+s20+$0x0], $0xffff  }
0x47: {  	v26 =	vimm.s32 $0x14;
	v57 =	vld.idx.msk [tilespmem:v3+s20+$0x0], $0xffff  }
0x48: {  	v27 =	vimm.s32 $0x15;
	v58 =	vld.idx.msk [tilespmem:v0+s18+$0x0], $0xffff  }
0x49: {  	v59 =	vld.idx.msk [tilespmem:v1+s19+$0x0], $0xffff  }
0x4a: {  	v60 =	vld.idx.msk [tilespmem:v2+s19+$0x0], $0xffff  }
0x4b: {  	v61 =	vld.idx.msk [tilespmem:v3+s19+$0x0], $0xffff  }
0x4c: {  	v6 =	vld.idx.msk [tilespmem:v26+s19+$0x0], $0xffff  }
0x4d: {  	v7 =	vld.idx.msk [tilespmem:v27+s19+$0x0], $0xffff  }
0x4e: {  	v62 =	vld.idx.msk [tilespmem:v4+s18+$0x0], $0xffff;
	v4 =	vimm.s32 $0x13  }
0x4f: {  	v10 =	vld.idx.msk [tilespmem:v29+s19+$0x0], $0xffff  }
0x50: {  	v13 =	vld.idx.msk [tilespmem:v30+s19+$0x0], $0xffff  }
0x51: {  	v15 =	vld.idx.msk [tilespmem:v31+s19+$0x0], $0xffff  }
0x52: {  	v9 =	vld.idx.msk [tilespmem:v8+s18+$0x0], $0xffff;
	v8 =	vimm.s32 $0x17  }
0x53: {  	v63 =	vld.idx.msk [tilespmem:v4+s19+$0x0], $0xffff  }
0x54: {  	v18 =	vld.idx.msk [tilespmem:v33+s19+$0x0], $0xffff;
	v58 =	vmax.f32 v58, $0.0e+00  }
0x55: {  	v21 =	vld.idx.msk [tilespmem:v34+s19+$0x0], $0xffff;
	v59 =	vmul.f32 v59, v58  }
0x56: {  	v14 =	vld.idx.msk [tilespmem:v12+s18+$0x0], $0xffff;
	v12 =	vimm.s32 $0x1A;
	v60 =	vmul.f32 v60, v58;
	v58 =	vmul.f32 v61, v58  }
0x57: {  	v11 =	vld.idx.msk [tilespmem:v8+s19+$0x0], $0xffff;
	v24 =	vmax.f32 v62, $0.0e+00  }
0x58: {  	v57 =	vadd.f32 v58, v57;
	v58 =	vmul.f32 v63, v24;
	v63 =	vld [tilespmem:$0x1FF60]  }
0x59: {  	v19 =	vld.idx.msk [tilespmem:v16+s18+$0x0], $0xffff  }
0x5a: {  	v16 =	vimm.s32 $0x1D;
	v25 =	vld.idx.msk [tilespmem:v20+s18+$0x0], $0xffff;
	v5 =	vadd.f32 v59, v5  }
0x5b: {  	v56 =	vadd.f32 v60, v56;
	v17 =	vld.idx.msk [tilespmem:v12+s19+$0x0], $0xffff;
	v9 =	vmax.f32 v9, $0.0e+00;
	v6 =	vmul.f32 v6, v24  }
0x5c: {  	v20 =	vimm.s32 $0x20;
	v7 =	vmul.f32 v7, v24;
	v10 =	vmul.f32 v10, v9;
	v24 =	vld [tilespmem:$0x1FF50]  }
0x5d: {  	v6 =	vadd.f32 v6, v56;
	v11 =	vmul.f32 v11, v9;
	v5 =	vadd.f32 v58, v5  }
0x5e: {  	v61 =	vld.idx.msk [tilespmem:v37+s19+$0x0], $0xffff;
	v7 =	vadd.f32 v7, v57;
	v57 =	vmax.f32 v14, $0.0e+00;
	v9 =	vmul.f32 v13, v9  }
0x5f: {  	v23 =	vld.idx.msk [tilespmem:v35+s19+$0x0], $0xffff;
	v6 =	vadd.f32 v11, v6;
	v11 =	vmul.f32 v15, v57;
	v5 =	vadd.f32 v10, v5  }
0x60: {  	v14 =	vmul.f32 v17, v57;
	v7 =	vadd.f32 v9, v7;
	v15 =	vld.idx.msk [tilespmem:v63+s18+$0x0], $0xffff;
	v63 =	vmax.f32 v19, $0.0e+00  }
0x61: {  	v60 =	vld.idx.msk [tilespmem:v38+s19+$0x0], $0xffff;
	v57 =	vmul.f32 v18, v57;
	v5 =	vadd.f32 v11, v5;
	v21 =	vmul.f32 v21, v63  }
0x62: {  	v22 =	vld.idx.msk [tilespmem:v16+s19+$0x0], $0xffff;
	v25 =	vmax.f32 v25, $0.0e+00  }
0x63: {  	v61 =	vmul.f32 v61, v25;
	v7 =	vadd.f32 v57, v7;
	v57 =	vld [tilespmem:$0x1FF70];
	v5 =	vadd.f32 v21, v5  }
0x64: {  	v59 =	vld.idx.msk [tilespmem:v24+s18+$0x0], $0xffff  }
0x65: {  	v24 =	vimm.s32 $0x23;
	v5 =	vadd.f32 v61, v5;
	v61 =	vld [tilespmem:$0x1FF80]  }
0x66: {  	v62 =	vld.idx.msk [tilespmem:v20+s19+$0x0], $0xffff  }
0x67: {  	v13 =	vld.idx.msk [tilespmem:v28+s19+$0x0], $0xffff  }
0x68: {  	v58 =	vld.idx.msk [tilespmem:v39+s19+$0x0], $0xffff  }
0x69: {  	v17 =	vld.idx.msk [tilespmem:v32+s19+$0x0], $0xffff  }
0x6a: {  	v6 =	vadd.f32 v14, v6;
	v22 =	vmul.f32 v22, v63;
	v10 =	vmul.f32 v23, v63;
	v56 =	vld.idx.msk [tilespmem:v24+s19+$0x0], $0xffff  }
0x6b: {  	v63 =	vmul.f32 v62, v25;
	v19 =	vld.idx.msk [tilespmem:v57+s18+$0x0], $0xffff  }
0x6c: {  	v6 =	vadd.f32 v22, v6;
	v7 =	vadd.f32 v10, v7;
	v10 =	vld.idx.msk [tilespmem:v42+s19+$0x0], $0xffff;
	v57 =	vmax.f32 v59, $0.0e+00  }
0x6d: {  	v59 =	vmul.f32 v58, v57;
	v21 =	vld.idx.msk [tilespmem:v61+s18+$0x0], $0xffff  }
0x6e: {  	v11 =	vmul.f32 v60, v25;
	v22 =	vld.idx.msk [tilespmem:v45+s19+$0x0], $0xffff;
	v6 =	vadd.f32 v63, v6;
	v63 =	vmax.f32 v15, $0.0e+00  }
0x6f: {  	v5 =	vadd.f32 v59, v5;
	v60 =	vmul.f32 v56, v57;
	v56 =	vmul.f32 v17, v63  }
0x70: {  	v7 =	vadd.f32 v11, v7;
	v62 =	vmul.f32 v13, v57;
	v59 =	vmax.f32 v19, $0.0e+00  }
0x71: {  	v18 =	vld.idx.msk [tilespmem:v41+s19+$0x0], $0xffff;
	v10 =	vmul.f32 v10, v59;
	v5 =	vadd.f32 v56, v5  }
0x72: {  	v14 =	vld.idx.msk [tilespmem:v36+s19+$0x0], $0xffff;
	v7 =	vadd.f32 v62, v7;
	v62 =	vmax.f32 v21, $0.0e+00  }
0x73: {  	v23 =	vld.idx.msk [tilespmem:v43+s19+$0x0], $0xffff;
	v5 =	vadd.f32 v10, v5;
	v19 =	vmul.f32 v22, v62  }
0x74: {  	v25 =	vld.idx.msk [tilespmem:v44+s19+$0x0], $0xffff  }
0x75: {  	v57 =	vld.idx.msk [tilespmem:v46+s19+$0x0], $0xffff;
	v5 =	vadd.f32 v19, v5  }
0x76: {  	v6 =	vadd.f32 v60, v6;
	v60 =	vld.idx.msk [tilespmem:v47+s19+$0x0], $0xffff  }
0x77: {  	v14 =	vmul.f32 v14, v63;
	[tilespmem:v40+s22+$0x0] =	vst.idx.msk $0xffff, v5;
	v5 =	vld [tilespmem:$0x1FFC0]  }
0x78: {  	v58 =	vmul.f32 v18, v63  }
0x79: {  	v61 =	vmul.f32 v23, v59;
	v6 =	vadd.f32 v14, v6  }
0x7a: {  	v7 =	vadd.f32 v58, v7;
	v63 =	vmul.f32 v25, v59  }
0x7b: {  	v6 =	vadd.f32 v61, v6;
	v21 =	vmul.f32 v57, v62  }
0x7c: {  	v7 =	vadd.f32 v63, v7;
	v22 =	vmul.f32 v60, v62  }
0x7d: {  	v6 =	vadd.f32 v21, v6  }
0x7e: {  	v7 =	vadd.f32 v22, v7  }
0x7f: {  	v23 =	vld [tilespmem:$0x1FF90];
	[tilespmem:v5+s22+$0x0] =	vst.idx.msk $0xffff, v6  }
0x80: {  	[tilespmem:v49+s22+$0x0] =	vst.idx.msk $0xffff, v7  }
0x81: {  	v15 =	vld.idx.msk [tilespmem:v4+s19+$0x0], $0xffff  }
0x82: {  	v4 =	vld [tilespmem:$0x1FFB0]  }
0x83: {  	v25 =	vld [tilespmem:$0x1FFA0]  }
0x84: {  	v5 =	vld.idx.msk [tilespmem:v1+s20+$0x0], $0xffff  }
0x85: {  	v6 =	vld.idx.msk [tilespmem:v2+s20+$0x0], $0xffff  }
0x86: {  	v7 =	vld.idx.msk [tilespmem:v3+s20+$0x0], $0xffff  }
0x87: {  	v9 =	vld.idx.msk [tilespmem:v23+s18+$0x0], $0xffff  }
0x88: {  	v10 =	vld.idx.msk [tilespmem:v1+s19+$0x0], $0xffff  }
0x89: {  	v11 =	vld.idx.msk [tilespmem:v2+s19+$0x0], $0xffff  }
0x8a: {  	v19 =	vld.idx.msk [tilespmem:v4+s18+$0x0], $0xffff  }
0x8b: {  	v4 =	vld [tilespmem:$0x1FFD0]  }
0x8c: {  	v13 =	vld.idx.msk [tilespmem:v3+s19+$0x0], $0xffff  }
0x8d: {  	v14 =	vld.idx.msk [tilespmem:v25+s18+$0x0], $0xffff  }
0x8e: {  	v17 =	vld.idx.msk [tilespmem:v26+s19+$0x0], $0xffff  }
0x8f: {  	v18 =	vld.idx.msk [tilespmem:v27+s19+$0x0], $0xffff  }
0x90: {  	v21 =	vld.idx.msk [tilespmem:v29+s19+$0x0], $0xffff  }
0x91: {  	v22 =	vld.idx.msk [tilespmem:v8+s19+$0x0], $0xffff  }
0x92: {  	v23 =	vld.idx.msk [tilespmem:v30+s19+$0x0], $0xffff  }
0x93: {  	v25 =	vld.idx.msk [tilespmem:v4+s18+$0x0], $0xffff  }
0x94: {  	v4 =	vld [tilespmem:$0x1FFE0]  }
0x95: {  	v56 =	vld.idx.msk [tilespmem:v31+s19+$0x0], $0xffff  }
0x96: {  	v57 =	vld.idx.msk [tilespmem:v12+s19+$0x0], $0xffff  }
0x97: {  	v58 =	vld.idx.msk [tilespmem:v33+s19+$0x0], $0xffff  }
0x98: {  	v60 =	vld.idx.msk [tilespmem:v34+s19+$0x0], $0xffff  }
0x99: {  	v61 =	vld.idx.msk [tilespmem:v16+s19+$0x0], $0xffff  }
0x9a: {  	v62 =	vld.idx.msk [tilespmem:v35+s19+$0x0], $0xffff  }
0x9b: {  	v9 =	vmax.f32 v9, $0.0e+00;
	v26 =	vmax.f32 v14, $0.0e+00;
	v14 =	vld.idx.msk [tilespmem:v20+s19+$0x0], $0xffff  }
0x9c: {  	v11 =	vmul.f32 v11, v9;
	v59 =	vld.idx.msk [tilespmem:v4+s18+$0x0], $0xffff  }
0x9d: {  	v10 =	vmul.f32 v10, v9;
	v9 =	vmul.f32 v13, v9;
	v4 =	vld [tilespmem:$0x1FFF0]  }
0x9e: {  	v13 =	vld.idx.msk [tilespmem:v37+s19+$0x0], $0xffff;
	v6 =	vadd.f32 v11, v6  }
0x9f: {  	v7 =	vadd.f32 v9, v7;
	v9 =	vmul.f32 v15, v26;
	v11 =	vld.idx.msk [tilespmem:v38+s19+$0x0], $0xffff;
	v15 =	vmul.f32 v17, v26  }
0xa0: {  	v5 =	vadd.f32 v10, v5;
	v10 =	vmul.f32 v18, v26;
	v18 =	vld.idx.msk [tilespmem:v48+s18+$0x0], $0xffff  }
0xa1: {  	v6 =	vadd.f32 v15, v6;
	v15 =	vld.idx.msk [tilespmem:v24+s19+$0x0], $0xffff;
	v26 =	vmax.f32 v19, $0.0e+00  }
0xa2: {  	v5 =	vadd.f32 v9, v5;
	v19 =	vld.idx.msk [tilespmem:v39+s19+$0x0], $0xffff;
	v21 =	vmul.f32 v21, v26  }
0xa3: {  	v7 =	vadd.f32 v10, v7;
	v10 =	vmul.f32 v22, v26;
	v24 =	vmul.f32 v23, v26;
	v23 =	vld.idx.msk [tilespmem:v50+s18+$0x0], $0xffff  }
0xa4: {  	v22 =	vld.idx.msk [tilespmem:v36+s19+$0x0], $0xffff;
	v5 =	vadd.f32 v21, v5;
	v26 =	vmax.f32 v25, $0.0e+00  }
0xa5: {  	v6 =	vadd.f32 v10, v6;
	v56 =	vmul.f32 v56, v26;
	v57 =	vmul.f32 v57, v26;
	v63 =	vld.idx.msk [tilespmem:v4+s18+$0x0], $0xffff  }
0xa6: {  	v21 =	vld.idx.msk [tilespmem:v28+s19+$0x0], $0xffff;
	v7 =	vadd.f32 v24, v7;
	v58 =	vmul.f32 v58, v26  }
0xa7: {  	v25 =	vld.idx.msk [tilespmem:v32+s19+$0x0], $0xffff;
	v5 =	vadd.f32 v56, v5;
	v6 =	vadd.f32 v57, v6;
	v59 =	vmax.f32 v59, $0.0e+00  }
0xa8: {  	v56 =	vld.idx.msk [tilespmem:v41+s19+$0x0], $0xffff;
	v12 =	vmul.f32 v60, v59;
	v24 =	vmul.f32 v61, v59;
	v60 =	vmax.f32 v18, $0.0e+00  }
0xa9: {  	v7 =	vadd.f32 v58, v7;
	v57 =	vld.idx.msk [tilespmem:v51+s18+$0x0], $0xffff;
	v17 =	vmul.f32 v62, v59;
	v61 =	vmul.f32 v19, v60  }
0xaa: {  	v18 =	vld.idx.msk [tilespmem:v44+s19+$0x0], $0xffff;
	v5 =	vadd.f32 v12, v5;
	v6 =	vadd.f32 v24, v6;
	v26 =	vmax.f32 v63, $0.0e+00  }
0xab: {  	v7 =	vadd.f32 v17, v7;
	v17 =	vld.idx.msk [tilespmem:v43+s19+$0x0], $0xffff;
	v59 =	vmul.f32 v13, v26;
	v14 =	vmul.f32 v14, v26  }
0xac: {  	v62 =	vmul.f32 v15, v60;
	v13 =	vld.idx.msk [tilespmem:v42+s19+$0x0], $0xffff;
	v10 =	vmul.f32 v11, v26  }
0xad: {  	v24 =	vmax.f32 v23, $0.0e+00;
	v5 =	vadd.f32 v59, v5;
	v6 =	vadd.f32 v14, v6;
	v14 =	vld.idx.msk [tilespmem:v52+s18+$0x0], $0xffff  }
0xae: {  	v58 =	vmul.f32 v25, v24;
	v63 =	vmul.f32 v21, v60;
	v26 =	vld.idx.msk [tilespmem:v45+s19+$0x0], $0xffff;
	v7 =	vadd.f32 v10, v7  }
0xaf: {  	v60 =	vld.idx.msk [tilespmem:v46+s19+$0x0], $0xffff;
	v59 =	vmul.f32 v22, v24;
	v5 =	vadd.f32 v61, v5;
	v6 =	vadd.f32 v62, v6  }
0xb0: {  	v7 =	vadd.f32 v63, v7;
	v61 =	vmul.f32 v56, v24;
	v62 =	vmax.f32 v57, $0.0e+00;
	v63 =	vld.idx.msk [tilespmem:v47+s19+$0x0], $0xffff  }
0xb1: {  	v16 =	vmul.f32 v13, v62;
	v17 =	vmul.f32 v17, v62;
	v5 =	vadd.f32 v58, v5  }
0xb2: {  	v20 =	vmul.f32 v18, v62;
	v6 =	vadd.f32 v59, v6;
	v19 =	vmax.f32 v14, $0.0e+00  }
0xb3: {  	v7 =	vadd.f32 v61, v7;
	v5 =	vadd.f32 v16, v5;
	v23 =	vmul.f32 v26, v19  }
0xb4: {  	v6 =	vadd.f32 v17, v6;
	v24 =	vmul.f32 v60, v19  }
0xb5: {  	v7 =	vadd.f32 v20, v7;
	v25 =	vmul.f32 v63, v19;
	v5 =	vadd.f32 v23, v5  }
0xb6: {  	v6 =	vadd.f32 v24, v6  }
0xb7: {  	v7 =	vadd.f32 v25, v7;
	[tilespmem:v53+s22+$0x0] =	vst.idx.msk $0xffff, v5  }
0xb8: {  	[tilespmem:v54+s22+$0x0] =	vst.idx.msk $0xffff, v6  }
0xb9: {  	s9 =	rddreg [dreg:$0x5];
	[tilespmem:v55+s22+$0x0] =	vst.idx.msk $0xffff, v7  }
0xba: {  	[tilespmem:s23], [sflag:$0x2] =	stream.linear.gather [hbm4b:s9+s2], $0x2800, $0x38;
	[tilespmem:$0x14280] =	vst v63  }
0xbb: {  	_ =	swait.ge [sflag:s24], $0x2800  }
0xbc: {  	[sflag:s24] =	ssyncset.done $0x0  }
0xbd: {  	s10 =	simm.s32 $0x40;
	[sflag:s24] =	ssyncadd.s32 $0xFFFFD800  }
0xbe: {  	v5 =	vld [tilespmem:s10+$0x30]  }
0xbf: {  	v6 =	vld [tilespmem:s10+$0xFFFFFFD0]  }
0xc0: {  	v7 =	vld [tilespmem:s10+$0xFFFFFFE0]  }
0xc1: {  	v26 =	vld [tilespmem:s10+$0xFFFFFFF0]  }
0xc2: {  	v56 =	vld [tilespmem:s10+$0x0]  }
0xc3: {  	v57 =	vld [tilespmem:s10+$0x10];
	v5 =	vmul.u32 $0x3, v5  }
0xc4: {  	v58 =	vld [tilespmem:s10+$0x20];
	v6 =	vmul.u32 $0x3, v6  }
0xc5: {  	v7 =	vmul.u32 $0x3, v7  }
0xc6: {  	v59 =	vld [tilespmem:s10+$0xFFFFFFC0];
	v9 =	vmul.u32 $0x3, v26  }
0xc7: {  	v10 =	vmul.u32 $0x3, v56  }
0xc8: {  	v11 =	vmul.u32 $0x3, v57  }
0xc9: {  	v13 =	vmul.u32 $0x3, v58;
	v15 =	vld.idx.msk [tilespmem:v5+s22+$0x0], $0xffff  }
0xca: {  	v17 =	vld.idx.msk [tilespmem:v6+s22+$0x0], $0xffff  }
0xcb: {  	v14 =	vmul.u32 $0x3, v59;
	v60 =	vadd.s32 $0x1, v5;
	v18 =	vld.idx.msk [tilespmem:v7+s22+$0x0], $0xffff  }
0xcc: {  	v21 =	vld.idx.msk [tilespmem:v9+s22+$0x0], $0xffff  }
0xcd: {  	v61 =	vadd.s32 $0x1, v6;
	v62 =	vld.idx.msk [tilespmem:v10+s22+$0x0], $0xffff  }
0xce: {  	s6 =	simm.s32 $0x5040;
	v63 =	vadd.s32 $0x1, v7;
	v26 =	vld.idx.msk [tilespmem:v11+s22+$0x0], $0xffff  }
0xcf: {  	v57 =	vadd.s32 $0x1, v9;
	v8 =	vld.idx.msk [tilespmem:v13+s22+$0x0], $0xffff;
	[tilespmem:s6+$0x30] =	vst v15  }
0xd0: {  	v19 =	vadd.s32 $0x1, v11;
	[tilespmem:s6+$0xFFFFFFD0] =	vst v17;
	v17 =	vld.idx.msk [tilespmem:v60+s22+$0x0], $0xffff  }
0xd1: {  	v15 =	vadd.s32 $0x1, v10;
	[tilespmem:s6+$0xFFFFFFE0] =	vst v18;
	v60 =	vld.idx.msk [tilespmem:v14+s22+$0x0], $0xffff  }
0xd2: {  	v5 =	vadd.s32 $0x2, v5;
	[tilespmem:s6+$0xFFFFFFF0] =	vst v21;
	v61 =	vld.idx.msk [tilespmem:v61+s22+$0x0], $0xffff  }
0xd3: {  	[tilespmem:s6+$0x0] =	vst v62;
	v62 =	vadd.s32 $0x1, v14;
	v63 =	vld.idx.msk [tilespmem:v63+s22+$0x0], $0xffff  }
0xd4: {  	v20 =	vadd.s32 $0x1, v13;
	[tilespmem:s6+$0x10] =	vst v26;
	v24 =	vld.idx.msk [tilespmem:v57+s22+$0x0], $0xffff  }
0xd5: {  	s7 =	simm.s32 $0x7840;
	v6 =	vadd.s32 $0x2, v6;
	[tilespmem:s6+$0x20] =	vst v8;
	v26 =	vld.idx.msk [tilespmem:v19+s22+$0x0], $0xffff  }
0xd6: {  	v7 =	vadd.s32 $0x2, v7;
	v15 =	vld.idx.msk [tilespmem:v15+s22+$0x0], $0xffff;
	[tilespmem:s7+$0x30] =	vst v17  }
0xd7: {  	v9 =	vadd.s32 $0x2, v9;
	[tilespmem:s6+$0xFFFFFFC0] =	vst v60;
	v5 =	vld.idx.msk [tilespmem:v5+s22+$0x0], $0xffff  }
0xd8: {  	v10 =	vadd.s32 $0x2, v10;
	[tilespmem:s7+$0xFFFFFFD0] =	vst v61;
	v59 =	vld.idx.msk [tilespmem:v62+s22+$0x0], $0xffff  }
0xd9: {  	[tilespmem:s7+$0xFFFFFFE0] =	vst v63;
	v62 =	vld.idx.msk [tilespmem:v20+s22+$0x0], $0xffff  }
0xda: {  	[tilespmem:s7+$0xFFFFFFF0] =	vst v24;
	v60 =	vld.idx.msk [tilespmem:v6+s22+$0x0], $0xffff  }
0xdb: {  	[tilespmem:s7+$0x10] =	vst v26;
	v61 =	vld.idx.msk [tilespmem:v7+s22+$0x0], $0xffff  }
0xdc: {  	s8 =	simm.s32 $0xA040;
	v63 =	vld.idx.msk [tilespmem:v9+s22+$0x0], $0xffff;
	[tilespmem:s7+$0x0] =	vst v15  }
0xdd: {  	s9 =	simm.s32 $0x0;
	s10 =	simm.s32 $0xC0;
	v56 =	vadd.s32 $0x2, v13;
	v58 =	vadd.s32 $0x2, v14;
	v57 =	vadd.s32 $0x2, v11;
	[tilespmem:s8+$0x30] =	vst v5;
	v5 =	vld.idx.msk [tilespmem:v10+s22+$0x0], $0xffff  }
.LBB2_2:
0xde: {  	v6 =	vld [tilespmem:s10+$0x30];
	s9 =	sadd.s32 $0x80, s9;
	[tilespmem:s7+$0xFFFFFFC0] =	vst v59  }
0xdf: {  	v7 =	vld [tilespmem:s10+$0xFFFFFFD0];
	p0 =	slt.u32 s9, $0x2780;
	[tilespmem:s7+$0x20] =	vst v62  }
0xe0: {  	v9 =	vld [tilespmem:s10+$0xFFFFFFE0];
	[tilespmem:s8+$0xFFFFFFD0] =	vst v60  }
0xe1: {  	v10 =	vld [tilespmem:s10+$0xFFFFFFF0];
	[tilespmem:s8+$0xFFFFFFE0] =	vst v61  }
0xe2: {  	v11 =	vld [tilespmem:s10+$0x0];
	[tilespmem:s8+$0xFFFFFFF0] =	vst v63  }
0xe3: {  	v13 =	vld [tilespmem:s10+$0x10];
	v6 =	vmul.u32 $0x3, v6;
	[tilespmem:s8+$0x0] =	vst v5  }
0xe4: {  	v5 =	vmul.u32 $0x3, v7;
	v7 =	vld [tilespmem:s10+$0x20]  }
0xe5: {  	v14 =	vld [tilespmem:s10+$0xFFFFFFC0];
	v9 =	vmul.u32 $0x3, v9  }
0xe6: {  	v15 =	vadd.s32 $0x1, v5;
	v17 =	vadd.s32 $0x2, v5;
	v10 =	vmul.u32 $0x3, v10;
	v18 =	vld.idx.msk [tilespmem:v58+s22+$0x0], $0xffff  }
0xe7: {  	v19 =	vadd.s32 $0x1, v9;
	v21 =	vadd.s32 $0x2, v9;
	v11 =	vmul.u32 $0x3, v11;
	v22 =	vld.idx.msk [tilespmem:v57+s22+$0x0], $0xffff  }
0xe8: {  	v23 =	vadd.s32 $0x1, v10;
	v25 =	vadd.s32 $0x2, v10;
	v13 =	vmul.u32 $0x3, v13;
	v59 =	vld.idx.msk [tilespmem:v56+s22+$0x0], $0xffff  }
0xe9: {  	v60 =	vadd.s32 $0x1, v11;
	v4 =	vadd.s32 $0x2, v11;
	v7 =	vmul.u32 $0x3, v7;
	v61 =	vld.idx.msk [tilespmem:v6+s22+$0x0], $0xffff  }
0xea: {  	v14 =	vmul.u32 $0x3, v14;
	v5 =	vld.idx.msk [tilespmem:v5+s22+$0x0], $0xffff;
	v62 =	vadd.s32 $0x1, v13;
	v57 =	vadd.s32 $0x2, v13  }
0xeb: {  	v26 =	vadd.s32 $0x1, v6;
	v9 =	vld.idx.msk [tilespmem:v9+s22+$0x0], $0xffff;
	v63 =	vadd.s32 $0x1, v7;
	v56 =	vadd.s32 $0x2, v7  }
0xec: {  	v27 =	vadd.s32 $0x1, v14;
	v58 =	vadd.s32 $0x2, v14;
	v10 =	vld.idx.msk [tilespmem:v10+s22+$0x0], $0xffff;
	[tilespmem:s8+$0xFFFFFFC0] =	vst v18  }
0xed: {  	v11 =	vld.idx.msk [tilespmem:v11+s22+$0x0], $0xffff;
	[tilespmem:s8+$0x10] =	vst v22  }
0xee: {  	s6 =	sadd.s32 $0x80, s6;
	v13 =	vld.idx.msk [tilespmem:v13+s22+$0x0], $0xffff;
	[tilespmem:s8+$0x20] =	vst v59  }
0xef: {  	v7 =	vld.idx.msk [tilespmem:v7+s22+$0x0], $0xffff;
	[tilespmem:s6+$0x30] =	vst v61  }
0xf0: {  	[tilespmem:s6+$0xFFFFFFD0] =	vst v5;
	v5 =	vld.idx.msk [tilespmem:v26+s22+$0x0], $0xffff  }
0xf1: {  	v14 =	vld.idx.msk [tilespmem:v14+s22+$0x0], $0xffff;
	[tilespmem:s6+$0xFFFFFFE0] =	vst v9  }
0xf2: {  	v6 =	vadd.s32 $0x2, v6;
	v9 =	vld.idx.msk [tilespmem:v15+s22+$0x0], $0xffff;
	[tilespmem:s6+$0xFFFFFFF0] =	vst v10  }
0xf3: {  	v10 =	vld.idx.msk [tilespmem:v19+s22+$0x0], $0xffff;
	[tilespmem:s6+$0x0] =	vst v11  }
0xf4: {  	v11 =	vld.idx.msk [tilespmem:v23+s22+$0x0], $0xffff;
	[tilespmem:s6+$0x10] =	vst v13  }
0xf5: {  	s7 =	sadd.s32 $0x80, s7;
	v13 =	vld.idx.msk [tilespmem:v60+s22+$0x0], $0xffff;
	[tilespmem:s6+$0x20] =	vst v7  }
0xf6: {  	v7 =	vld.idx.msk [tilespmem:v62+s22+$0x0], $0xffff;
	[tilespmem:s7+$0x30] =	vst v5  }
0xf7: {  	[tilespmem:s6+$0xFFFFFFC0] =	vst v14;
	v6 =	vld.idx.msk [tilespmem:v6+s22+$0x0], $0xffff  }
0xf8: {  	v59 =	vld.idx.msk [tilespmem:v27+s22+$0x0], $0xffff;
	[tilespmem:s7+$0xFFFFFFD0] =	vst v9  }
.Ltmp0:
0xf9: {  	[tilespmem:s7+$0xFFFFFFE0] =	vst v10;
	v62 =	vld.idx.msk [tilespmem:v63+s22+$0x0], $0xffff;
	(pc) =	sbr.rel @p0 .LBB2_2-.Ltmp0, $4  }
0xfa: {  	v60 =	vld.idx.msk [tilespmem:v17+s22+$0x0], $0xffff;
	[tilespmem:s7+$0xFFFFFFF0] =	vst v11  }
0xfb: {  	v61 =	vld.idx.msk [tilespmem:v21+s22+$0x0], $0xffff;
	[tilespmem:s7+$0x0] =	vst v13  }
0xfc: {  	s8 =	sadd.s32 $0x80, s8;
	v63 =	vld.idx.msk [tilespmem:v25+s22+$0x0], $0xffff;
	[tilespmem:s7+$0x10] =	vst v7  }
0xfd: {  	s10 =	sadd.s32 $0x80, s10;
	v5 =	vld.idx.msk [tilespmem:v4+s22+$0x0], $0xffff;
	[tilespmem:s8+$0x30] =	vst v6  }
0xfe: {  	_ =	sdelay $0x2  }
0xff: {  	[tilespmem:s7+$0xFFFFFFC0] =	vst v59  }
0x100: {  	[tilespmem:s7+$0x20] =	vst v62;
	v6 =	vld.idx.msk [tilespmem:v57+s22+$0x0], $0xffff  }
0x101: {  	v4 =	vld.idx.msk [tilespmem:v58+s22+$0x0], $0xffff;
	[tilespmem:s8+$0xFFFFFFD0] =	vst v60  }
0x102: {  	v7 =	vld.idx.msk [tilespmem:v56+s22+$0x0], $0xffff;
	[tilespmem:s8+$0xFFFFFFE0] =	vst v61  }
0x103: {  	[tilespmem:s8+$0xFFFFFFF0] =	vst v63  }
0x104: {  	[tilespmem:s8+$0x0] =	vst v5  }
0x105: {  	[tilespmem:s8+$0x10] =	vst v6  }
0x106: {  	[tilespmem:s8+$0xFFFFFFC0] =	vst v4  }
0x107: {  	[tilespmem:s8+$0x20] =	vst v7  }
0x108: {  	[hbm4b:s5+s2] =	stream.linear.scatter [tilespmem:s25], [sflag:$0x3], $0x2800, $0x38;
	[tilespmem:$0x14280] =	vst v63  }
0x109: {  	s6 =	rddreg [dreg:$0x1b]  }
0x10a: {  	[hbm4b:s6+s2] =	stream.linear.scatter [tilespmem:s26], [sflag:$0x3], $0x2800, $0x38;
	[tilespmem:$0x14280] =	vst v63  }
0x10b: {  	s8 =	rddreg [dreg:$0x1c]  }
0x10c: {  	[hbm4b:s8+s2] =	stream.linear.scatter [tilespmem:s28], [sflag:$0x3], $0x2800, $0x38;
	[tilespmem:$0x14280] =	vst v63  }
0x10d: {  	s9 =	rddreg [dreg:$0x6]  }
0x10e: {  	[tilespmem:s2], [sflag:$0x1] =	stream.linear.gather [hbm4b:s9+s2], $0x2800, $0x38;
	[tilespmem:$0x14280] =	vst v63  }
0x10f: {  	_ =	swait.ge [sflag:s29], $0x2800  }
0x110: {  	[sflag:s29] =	ssyncset.done $0x0  }
0x111: {  	s10 =	simm.s32 $0x2840;
	[sflag:s29] =	ssyncadd.s32 $0xFFFFD800  }
0x112: {  	v4 =	vld [tilespmem:s10+$0x30]  }
0x113: {  	v5 =	vld [tilespmem:s10+$0xFFFFFFD0]  }
0x114: {  	v6 =	vld [tilespmem:s10+$0xFFFFFFE0]  }
0x115: {  	v7 =	vld [tilespmem:s10+$0xFFFFFFF0]  }
0x116: {  	v9 =	vld [tilespmem:s10+$0x0]  }
0x117: {  	v10 =	vld [tilespmem:s10+$0x10];
	v4 =	vmul.u32 $0x3, v4  }
0x118: {  	v11 =	vld [tilespmem:s10+$0x20];
	v5 =	vmul.u32 $0x3, v5  }
0x119: {  	v13 =	vld [tilespmem:s10+$0xFFFFFFC0];
	v6 =	vmul.u32 $0x3, v6  }
0x11a: {  	v7 =	vmul.u32 $0x3, v7  }
0x11b: {  	v9 =	vmul.u32 $0x3, v9  }
0x11c: {  	v10 =	vmul.u32 $0x3, v10  }
0x11d: {  	v11 =	vmul.u32 $0x3, v11;
	v14 =	vld.idx.msk [tilespmem:v4+s22+$0x0], $0xffff  }
0x11e: {  	v13 =	vmul.u32 $0x3, v13;
	v15 =	vld.idx.msk [tilespmem:v5+s22+$0x0], $0xffff  }
0x11f: {  	v17 =	vld.idx.msk [tilespmem:v6+s22+$0x0], $0xffff  }
0x120: {  	v18 =	vadd.s32 $0x1, v4;
	v19 =	vld.idx.msk [tilespmem:v7+s22+$0x0], $0xffff  }
0x121: {  	v21 =	vadd.s32 $0x1, v5;
	v22 =	vld.idx.msk [tilespmem:v9+s22+$0x0], $0xffff  }
0x122: {  	s6 =	simm.s32 $0xC840;
	v23 =	vadd.s32 $0x1, v6;
	v25 =	vld.idx.msk [tilespmem:v10+s22+$0x0], $0xffff  }
0x123: {  	v26 =	vadd.s32 $0x1, v7;
	v27 =	vld.idx.msk [tilespmem:v11+s22+$0x0], $0xffff;
	[tilespmem:s6+$0x30] =	vst v14  }
0x124: {  	v8 =	vadd.s32 $0x1, v9;
	v60 =	vld.idx.msk [tilespmem:v13+s22+$0x0], $0xffff;
	[tilespmem:s6+$0xFFFFFFD0] =	vst v15  }
0x125: {  	v62 =	vadd.s32 $0x1, v13;
	[tilespmem:s6+$0xFFFFFFE0] =	vst v17;
	v15 =	vld.idx.msk [tilespmem:v18+s22+$0x0], $0xffff  }
0x126: {  	[tilespmem:s6+$0xFFFFFFF0] =	vst v19;
	v18 =	vadd.s32 $0x1, v10;
	v61 =	vld.idx.msk [tilespmem:v21+s22+$0x0], $0xffff  }
0x127: {  	v4 =	vadd.s32 $0x2, v4;
	[tilespmem:s6+$0x0] =	vst v22;
	v63 =	vld.idx.msk [tilespmem:v23+s22+$0x0], $0xffff  }
0x128: {  	v24 =	vadd.s32 $0x1, v11;
	[tilespmem:s6+$0x10] =	vst v25;
	v26 =	vld.idx.msk [tilespmem:v26+s22+$0x0], $0xffff  }
0x129: {  	v5 =	vadd.s32 $0x2, v5;
	[tilespmem:s6+$0xFFFFFFC0] =	vst v60;
	v14 =	vld.idx.msk [tilespmem:v8+s22+$0x0], $0xffff  }
0x12a: {  	s7 =	simm.s32 $0xF040;
	v6 =	vadd.s32 $0x2, v6;
	[tilespmem:s6+$0x20] =	vst v27;
	v59 =	vld.idx.msk [tilespmem:v62+s22+$0x0], $0xffff  }
0x12b: {  	v7 =	vadd.s32 $0x2, v7;
	v18 =	vld.idx.msk [tilespmem:v18+s22+$0x0], $0xffff;
	[tilespmem:s7+$0x30] =	vst v15  }
0x12c: {  	v9 =	vadd.s32 $0x2, v9;
	[tilespmem:s7+$0xFFFFFFD0] =	vst v61;
	v4 =	vld.idx.msk [tilespmem:v4+s22+$0x0], $0xffff  }
0x12d: {  	[tilespmem:s7+$0xFFFFFFE0] =	vst v63;
	v63 =	vld.idx.msk [tilespmem:v24+s22+$0x0], $0xffff  }
0x12e: {  	[tilespmem:s7+$0xFFFFFFF0] =	vst v26;
	v60 =	vld.idx.msk [tilespmem:v5+s22+$0x0], $0xffff  }
0x12f: {  	[tilespmem:s7+$0x0] =	vst v14;
	v61 =	vld.idx.msk [tilespmem:v6+s22+$0x0], $0xffff  }
0x130: {  	s8 =	simm.s32 $0x11840;
	v62 =	vld.idx.msk [tilespmem:v7+s22+$0x0], $0xffff;
	[tilespmem:s7+$0x10] =	vst v18  }
0x131: {  	s9 =	simm.s32 $0x0;
	s10 =	simm.s32 $0x28C0;
	v57 =	vadd.s32 $0x2, v10;
	v56 =	vadd.s32 $0x2, v11;
	v58 =	vadd.s32 $0x2, v13;
	v5 =	vld.idx.msk [tilespmem:v9+s22+$0x0], $0xffff;
	[tilespmem:s8+$0x30] =	vst v4  }
.LBB2_4:
0x132: {  	v4 =	vld [tilespmem:s10+$0x30];
	s9 =	sadd.s32 $0x80, s9;
	[tilespmem:s7+$0xFFFFFFC0] =	vst v59  }
0x133: {  	v6 =	vld [tilespmem:s10+$0xFFFFFFD0];
	p0 =	slt.u32 s9, $0x2780;
	[tilespmem:s7+$0x20] =	vst v63  }
0x134: {  	v7 =	vld [tilespmem:s10+$0xFFFFFFE0];
	[tilespmem:s8+$0xFFFFFFD0] =	vst v60  }
0x135: {  	v9 =	vld [tilespmem:s10+$0xFFFFFFF0];
	[tilespmem:s8+$0xFFFFFFE0] =	vst v61  }
0x136: {  	v10 =	vld [tilespmem:s10+$0x0];
	[tilespmem:s8+$0xFFFFFFF0] =	vst v62  }
0x137: {  	v11 =	vld [tilespmem:s10+$0x10];
	v4 =	vmul.u32 $0x3, v4;
	[tilespmem:s8+$0x0] =	vst v5  }
0x138: {  	v5 =	vmul.u32 $0x3, v6;
	v6 =	vld [tilespmem:s10+$0x20]  }
0x139: {  	v13 =	vld [tilespmem:s10+$0xFFFFFFC0];
	v7 =	vmul.u32 $0x3, v7  }
0x13a: {  	v14 =	vadd.s32 $0x1, v5;
	v15 =	vadd.s32 $0x2, v5;
	v9 =	vmul.u32 $0x3, v9;
	v17 =	vld.idx.msk [tilespmem:v58+s22+$0x0], $0xffff  }
0x13b: {  	v18 =	vadd.s32 $0x1, v7;
	v19 =	vadd.s32 $0x2, v7;
	v10 =	vmul.u32 $0x3, v10;
	v21 =	vld.idx.msk [tilespmem:v57+s22+$0x0], $0xffff  }
0x13c: {  	v22 =	vadd.s32 $0x1, v9;
	v23 =	vadd.s32 $0x2, v9;
	v11 =	vmul.u32 $0x3, v11;
	v25 =	vld.idx.msk [tilespmem:v56+s22+$0x0], $0xffff  }
0x13d: {  	v26 =	vadd.s32 $0x1, v10;
	v27 =	vadd.s32 $0x2, v10;
	v6 =	vmul.u32 $0x3, v6;
	v59 =	vld.idx.msk [tilespmem:v4+s22+$0x0], $0xffff  }
0x13e: {  	v13 =	vmul.u32 $0x3, v13;
	v5 =	vld.idx.msk [tilespmem:v5+s22+$0x0], $0xffff;
	v60 =	vadd.s32 $0x1, v11;
	v57 =	vadd.s32 $0x2, v11  }
0x13f: {  	v62 =	vadd.s32 $0x1, v4;
	v7 =	vld.idx.msk [tilespmem:v7+s22+$0x0], $0xffff;
	v61 =	vadd.s32 $0x1, v6;
	v56 =	vadd.s32 $0x2, v6  }
0x140: {  	v63 =	vadd.s32 $0x1, v13;
	v58 =	vadd.s32 $0x2, v13;
	v9 =	vld.idx.msk [tilespmem:v9+s22+$0x0], $0xffff;
	[tilespmem:s8+$0xFFFFFFC0] =	vst v17  }
0x141: {  	v10 =	vld.idx.msk [tilespmem:v10+s22+$0x0], $0xffff;
	[tilespmem:s8+$0x10] =	vst v21  }
0x142: {  	s6 =	sadd.s32 $0x80, s6;
	v11 =	vld.idx.msk [tilespmem:v11+s22+$0x0], $0xffff;
	[tilespmem:s8+$0x20] =	vst v25  }
0x143: {  	v6 =	vld.idx.msk [tilespmem:v6+s22+$0x0], $0xffff;
	[tilespmem:s6+$0x30] =	vst v59  }
0x144: {  	[tilespmem:s6+$0xFFFFFFD0] =	vst v5;
	v5 =	vld.idx.msk [tilespmem:v62+s22+$0x0], $0xffff  }
0x145: {  	v13 =	vld.idx.msk [tilespmem:v13+s22+$0x0], $0xffff;
	[tilespmem:s6+$0xFFFFFFE0] =	vst v7  }
0x146: {  	v4 =	vadd.s32 $0x2, v4;
	v7 =	vld.idx.msk [tilespmem:v14+s22+$0x0], $0xffff;
	[tilespmem:s6+$0xFFFFFFF0] =	vst v9  }
0x147: {  	v9 =	vld.idx.msk [tilespmem:v18+s22+$0x0], $0xffff;
	[tilespmem:s6+$0x0] =	vst v10  }
0x148: {  	v10 =	vld.idx.msk [tilespmem:v22+s22+$0x0], $0xffff;
	[tilespmem:s6+$0x10] =	vst v11  }
0x149: {  	s7 =	sadd.s32 $0x80, s7;
	v11 =	vld.idx.msk [tilespmem:v26+s22+$0x0], $0xffff;
	[tilespmem:s6+$0x20] =	vst v6  }
0x14a: {  	v6 =	vld.idx.msk [tilespmem:v60+s22+$0x0], $0xffff;
	[tilespmem:s7+$0x30] =	vst v5  }
0x14b: {  	[tilespmem:s6+$0xFFFFFFC0] =	vst v13;
	v4 =	vld.idx.msk [tilespmem:v4+s22+$0x0], $0xffff  }
0x14c: {  	v59 =	vld.idx.msk [tilespmem:v63+s22+$0x0], $0xffff;
	[tilespmem:s7+$0xFFFFFFD0] =	vst v7  }
.Ltmp1:
0x14d: {  	[tilespmem:s7+$0xFFFFFFE0] =	vst v9;
	v63 =	vld.idx.msk [tilespmem:v61+s22+$0x0], $0xffff;
	(pc) =	sbr.rel @p0 .LBB2_4-.Ltmp1, $4  }
0x14e: {  	v60 =	vld.idx.msk [tilespmem:v15+s22+$0x0], $0xffff;
	[tilespmem:s7+$0xFFFFFFF0] =	vst v10  }
0x14f: {  	v61 =	vld.idx.msk [tilespmem:v19+s22+$0x0], $0xffff;
	[tilespmem:s7+$0x0] =	vst v11  }
0x150: {  	s8 =	sadd.s32 $0x80, s8;
	v62 =	vld.idx.msk [tilespmem:v23+s22+$0x0], $0xffff;
	[tilespmem:s7+$0x10] =	vst v6  }
0x151: {  	s10 =	sadd.s32 $0x80, s10;
	v5 =	vld.idx.msk [tilespmem:v27+s22+$0x0], $0xffff;
	[tilespmem:s8+$0x30] =	vst v4  }
0x152: {  	_ =	sdelay $0x2  }
0x153: {  	[tilespmem:s7+$0xFFFFFFC0] =	vst v59  }
0x154: {  	[tilespmem:s7+$0x20] =	vst v63;
	v6 =	vld.idx.msk [tilespmem:v57+s22+$0x0], $0xffff  }
0x155: {  	v4 =	vld.idx.msk [tilespmem:v58+s22+$0x0], $0xffff;
	[tilespmem:s8+$0xFFFFFFD0] =	vst v60  }
0x156: {  	v7 =	vld.idx.msk [tilespmem:v56+s22+$0x0], $0xffff;
	[tilespmem:s8+$0xFFFFFFE0] =	vst v61  }
0x157: {  	[tilespmem:s8+$0xFFFFFFF0] =	vst v62  }
0x158: {  	[tilespmem:s8+$0x0] =	vst v5  }
0x159: {  	[tilespmem:s8+$0x10] =	vst v6  }
0x15a: {  	[tilespmem:s8+$0xFFFFFFC0] =	vst v4  }
0x15b: {  	[tilespmem:s8+$0x20] =	vst v7  }
0x15c: {  	s6 =	rddreg [dreg:$0x7]  }
0x15d: {  	[hbm4b:s6+s2] =	stream.linear.scatter [tilespmem:s30], [sflag:$0x4], $0x2800, $0x38;
	[tilespmem:$0x14280] =	vst v63  }
0x15e: {  	s7 =	rddreg [dreg:$0x1d]  }
0x15f: {  	[hbm4b:s7+s2] =	stream.linear.scatter [tilespmem:s31], [sflag:$0x4], $0x2800, $0x38;
	[tilespmem:$0x14280] =	vst v63  }
0x160: {  	s8 =	rddreg [dreg:$0x1e]  }
0x161: {  	[hbm4b:s8+s2] =	stream.linear.scatter [tilespmem:s1], [sflag:$0x4], $0x2800, $0x38;
	[tilespmem:$0x14280] =	vst v63  }
0x162: {  	s9 =	rddreg [dreg:$0x8]  }
0x163: {  	[tilespmem:s23], [sflag:$0x2] =	stream.linear.gather [hbm4b:s9+s2], $0x2800, $0x38;
	[tilespmem:$0x14280] =	vst v63  }
0x164: {  	_ =	swait.ge [sflag:s24], $0x2800  }
0x165: {  	[sflag:s24] =	ssyncset.done $0x0  }
0x166: {  	[sflag:s24] =	ssyncadd.s32 $0xFFFFD800  }
0x167: {  	_ =	swait.ge [sflag:s0], $0x2800  }
0x168: {  	[sflag:s0] =	ssyncset.done $0x0  }
0x169: {  	[sflag:s0] =	ssyncadd.s32 $0xFFFFD800  }
0x16a: {  	_ =	swait.ge [sflag:s0], $0x2800  }
0x16b: {  	[sflag:s0] =	ssyncset.done $0x0  }
0x16c: {  	[sflag:s0] =	ssyncadd.s32 $0xFFFFD800  }
0x16d: {  	_ =	swait.ge [sflag:s0], $0x2800  }
0x16e: {  	[sflag:s0] =	ssyncset.done $0x0  }
0x16f: {  	s10 =	simm.s32 $0x40;
	[sflag:s0] =	ssyncadd.s32 $0xFFFFD800  }
0x170: {  	v4 =	vld [tilespmem:s10+$0x30]  }
0x171: {  	v5 =	vld [tilespmem:s10+$0xFFFFFFD0]  }
0x172: {  	v6 =	vld [tilespmem:s10+$0xFFFFFFE0]  }
0x173: {  	v7 =	vld [tilespmem:s10+$0xFFFFFFF0]  }
0x174: {  	v9 =	vld [tilespmem:s10+$0x0]  }
0x175: {  	v10 =	vld [tilespmem:s10+$0x10];
	v4 =	vmul.u32 $0x3, v4  }
0x176: {  	v11 =	vld [tilespmem:s10+$0x20];
	v5 =	vmul.u32 $0x3, v5  }
0x177: {  	v13 =	vld [tilespmem:s10+$0xFFFFFFC0];
	v6 =	vmul.u32 $0x3, v6  }
0x178: {  	v7 =	vmul.u32 $0x3, v7  }
0x179: {  	v9 =	vmul.u32 $0x3, v9  }
0x17a: {  	v10 =	vmul.u32 $0x3, v10  }
0x17b: {  	v11 =	vmul.u32 $0x3, v11;
	v14 =	vld.idx.msk [tilespmem:v4+s22+$0x0], $0xffff  }
0x17c: {  	v13 =	vmul.u32 $0x3, v13;
	v15 =	vld.idx.msk [tilespmem:v5+s22+$0x0], $0xffff  }
0x17d: {  	v17 =	vld.idx.msk [tilespmem:v6+s22+$0x0], $0xffff  }
0x17e: {  	v18 =	vadd.s32 $0x1, v4;
	v19 =	vld.idx.msk [tilespmem:v7+s22+$0x0], $0xffff  }
0x17f: {  	v21 =	vadd.s32 $0x1, v5;
	v22 =	vld.idx.msk [tilespmem:v9+s22+$0x0], $0xffff  }
0x180: {  	s6 =	simm.s32 $0x5040;
	v23 =	vadd.s32 $0x1, v6;
	v25 =	vld.idx.msk [tilespmem:v10+s22+$0x0], $0xffff  }
0x181: {  	v26 =	vadd.s32 $0x1, v7;
	v27 =	vld.idx.msk [tilespmem:v11+s22+$0x0], $0xffff;
	[tilespmem:s6+$0x30] =	vst v14  }
0x182: {  	v8 =	vadd.s32 $0x1, v9;
	v60 =	vld.idx.msk [tilespmem:v13+s22+$0x0], $0xffff;
	[tilespmem:s6+$0xFFFFFFD0] =	vst v15  }
0x183: {  	v62 =	vadd.s32 $0x1, v13;
	[tilespmem:s6+$0xFFFFFFE0] =	vst v17;
	v15 =	vld.idx.msk [tilespmem:v18+s22+$0x0], $0xffff  }
0x184: {  	[tilespmem:s6+$0xFFFFFFF0] =	vst v19;
	v18 =	vadd.s32 $0x1, v10;
	v61 =	vld.idx.msk [tilespmem:v21+s22+$0x0], $0xffff  }
0x185: {  	v4 =	vadd.s32 $0x2, v4;
	[tilespmem:s6+$0x0] =	vst v22;
	v63 =	vld.idx.msk [tilespmem:v23+s22+$0x0], $0xffff  }
0x186: {  	v24 =	vadd.s32 $0x1, v11;
	[tilespmem:s6+$0x10] =	vst v25;
	v26 =	vld.idx.msk [tilespmem:v26+s22+$0x0], $0xffff  }
0x187: {  	v5 =	vadd.s32 $0x2, v5;
	[tilespmem:s6+$0xFFFFFFC0] =	vst v60;
	v14 =	vld.idx.msk [tilespmem:v8+s22+$0x0], $0xffff  }
0x188: {  	s7 =	simm.s32 $0x7840;
	v6 =	vadd.s32 $0x2, v6;
	[tilespmem:s6+$0x20] =	vst v27;
	v59 =	vld.idx.msk [tilespmem:v62+s22+$0x0], $0xffff  }
0x189: {  	v7 =	vadd.s32 $0x2, v7;
	v18 =	vld.idx.msk [tilespmem:v18+s22+$0x0], $0xffff;
	[tilespmem:s7+$0x30] =	vst v15  }
0x18a: {  	v9 =	vadd.s32 $0x2, v9;
	[tilespmem:s7+$0xFFFFFFD0] =	vst v61;
	v4 =	vld.idx.msk [tilespmem:v4+s22+$0x0], $0xffff  }
0x18b: {  	[tilespmem:s7+$0xFFFFFFE0] =	vst v63;
	v63 =	vld.idx.msk [tilespmem:v24+s22+$0x0], $0xffff  }
0x18c: {  	[tilespmem:s7+$0xFFFFFFF0] =	vst v26;
	v60 =	vld.idx.msk [tilespmem:v5+s22+$0x0], $0xffff  }
0x18d: {  	[tilespmem:s7+$0x0] =	vst v14;
	v61 =	vld.idx.msk [tilespmem:v6+s22+$0x0], $0xffff  }
0x18e: {  	s8 =	simm.s32 $0xA040;
	v62 =	vld.idx.msk [tilespmem:v7+s22+$0x0], $0xffff;
	[tilespmem:s7+$0x10] =	vst v18  }
0x18f: {  	s9 =	simm.s32 $0x0;
	s10 =	simm.s32 $0xC0;
	v57 =	vadd.s32 $0x2, v10;
	v56 =	vadd.s32 $0x2, v11;
	v58 =	vadd.s32 $0x2, v13;
	v5 =	vld.idx.msk [tilespmem:v9+s22+$0x0], $0xffff;
	[tilespmem:s8+$0x30] =	vst v4  }
.LBB2_6:
0x190: {  	v4 =	vld [tilespmem:s10+$0x30];
	s9 =	sadd.s32 $0x80, s9;
	[tilespmem:s7+$0xFFFFFFC0] =	vst v59  }
0x191: {  	v6 =	vld [tilespmem:s10+$0xFFFFFFD0];
	p0 =	slt.u32 s9, $0x2780;
	[tilespmem:s7+$0x20] =	vst v63  }
0x192: {  	v7 =	vld [tilespmem:s10+$0xFFFFFFE0];
	[tilespmem:s8+$0xFFFFFFD0] =	vst v60  }
0x193: {  	v9 =	vld [tilespmem:s10+$0xFFFFFFF0];
	[tilespmem:s8+$0xFFFFFFE0] =	vst v61  }
0x194: {  	v10 =	vld [tilespmem:s10+$0x0];
	[tilespmem:s8+$0xFFFFFFF0] =	vst v62  }
0x195: {  	v11 =	vld [tilespmem:s10+$0x10];
	v4 =	vmul.u32 $0x3, v4;
	[tilespmem:s8+$0x0] =	vst v5  }
0x196: {  	v5 =	vmul.u32 $0x3, v6;
	v6 =	vld [tilespmem:s10+$0x20]  }
0x197: {  	v13 =	vld [tilespmem:s10+$0xFFFFFFC0];
	v7 =	vmul.u32 $0x3, v7  }
0x198: {  	v14 =	vadd.s32 $0x1, v5;
	v15 =	vadd.s32 $0x2, v5;
	v9 =	vmul.u32 $0x3, v9;
	v17 =	vld.idx.msk [tilespmem:v58+s22+$0x0], $0xffff  }
0x199: {  	v18 =	vadd.s32 $0x1, v7;
	v19 =	vadd.s32 $0x2, v7;
	v10 =	vmul.u32 $0x3, v10;
	v21 =	vld.idx.msk [tilespmem:v57+s22+$0x0], $0xffff  }
0x19a: {  	v22 =	vadd.s32 $0x1, v9;
	v23 =	vadd.s32 $0x2, v9;
	v11 =	vmul.u32 $0x3, v11;
	v25 =	vld.idx.msk [tilespmem:v56+s22+$0x0], $0xffff  }
0x19b: {  	v26 =	vadd.s32 $0x1, v10;
	v27 =	vadd.s32 $0x2, v10;
	v6 =	vmul.u32 $0x3, v6;
	v59 =	vld.idx.msk [tilespmem:v4+s22+$0x0], $0xffff  }
0x19c: {  	v13 =	vmul.u32 $0x3, v13;
	v5 =	vld.idx.msk [tilespmem:v5+s22+$0x0], $0xffff;
	v60 =	vadd.s32 $0x1, v11;
	v57 =	vadd.s32 $0x2, v11  }
0x19d: {  	v62 =	vadd.s32 $0x1, v4;
	v7 =	vld.idx.msk [tilespmem:v7+s22+$0x0], $0xffff;
	v61 =	vadd.s32 $0x1, v6;
	v56 =	vadd.s32 $0x2, v6  }
0x19e: {  	v63 =	vadd.s32 $0x1, v13;
	v58 =	vadd.s32 $0x2, v13;
	v9 =	vld.idx.msk [tilespmem:v9+s22+$0x0], $0xffff;
	[tilespmem:s8+$0xFFFFFFC0] =	vst v17  }
0x19f: {  	v10 =	vld.idx.msk [tilespmem:v10+s22+$0x0], $0xffff;
	[tilespmem:s8+$0x10] =	vst v21  }
0x1a0: {  	s6 =	sadd.s32 $0x80, s6;
	v11 =	vld.idx.msk [tilespmem:v11+s22+$0x0], $0xffff;
	[tilespmem:s8+$0x20] =	vst v25  }
0x1a1: {  	v6 =	vld.idx.msk [tilespmem:v6+s22+$0x0], $0xffff;
	[tilespmem:s6+$0x30] =	vst v59  }
0x1a2: {  	[tilespmem:s6+$0xFFFFFFD0] =	vst v5;
	v5 =	vld.idx.msk [tilespmem:v62+s22+$0x0], $0xffff  }
0x1a3: {  	v13 =	vld.idx.msk [tilespmem:v13+s22+$0x0], $0xffff;
	[tilespmem:s6+$0xFFFFFFE0] =	vst v7  }
0x1a4: {  	v4 =	vadd.s32 $0x2, v4;
	v7 =	vld.idx.msk [tilespmem:v14+s22+$0x0], $0xffff;
	[tilespmem:s6+$0xFFFFFFF0] =	vst v9  }
0x1a5: {  	v9 =	vld.idx.msk [tilespmem:v18+s22+$0x0], $0xffff;
	[tilespmem:s6+$0x0] =	vst v10  }
0x1a6: {  	v10 =	vld.idx.msk [tilespmem:v22+s22+$0x0], $0xffff;
	[tilespmem:s6+$0x10] =	vst v11  }
0x1a7: {  	s7 =	sadd.s32 $0x80, s7;
	v11 =	vld.idx.msk [tilespmem:v26+s22+$0x0], $0xffff;
	[tilespmem:s6+$0x20] =	vst v6  }
0x1a8: {  	v6 =	vld.idx.msk [tilespmem:v60+s22+$0x0], $0xffff;
	[tilespmem:s7+$0x30] =	vst v5  }
0x1a9: {  	[tilespmem:s6+$0xFFFFFFC0] =	vst v13;
	v4 =	vld.idx.msk [tilespmem:v4+s22+$0x0], $0xffff  }
0x1aa: {  	v59 =	vld.idx.msk [tilespmem:v63+s22+$0x0], $0xffff;
	[tilespmem:s7+$0xFFFFFFD0] =	vst v7  }
.Ltmp2:
0x1ab: {  	[tilespmem:s7+$0xFFFFFFE0] =	vst v9;
	v63 =	vld.idx.msk [tilespmem:v61+s22+$0x0], $0xffff;
	(pc) =	sbr.rel @p0 .LBB2_6-.Ltmp2, $4  }
0x1ac: {  	v60 =	vld.idx.msk [tilespmem:v15+s22+$0x0], $0xffff;
	[tilespmem:s7+$0xFFFFFFF0] =	vst v10  }
0x1ad: {  	v61 =	vld.idx.msk [tilespmem:v19+s22+$0x0], $0xffff;
	[tilespmem:s7+$0x0] =	vst v11  }
0x1ae: {  	s8 =	sadd.s32 $0x80, s8;
	v62 =	vld.idx.msk [tilespmem:v23+s22+$0x0], $0xffff;
	[tilespmem:s7+$0x10] =	vst v6  }
0x1af: {  	s10 =	sadd.s32 $0x80, s10;
	v5 =	vld.idx.msk [tilespmem:v27+s22+$0x0], $0xffff;
	[tilespmem:s8+$0x30] =	vst v4  }
0x1b0: {  	_ =	sdelay $0x2  }
0x1b1: {  	[tilespmem:s7+$0xFFFFFFC0] =	vst v59  }
0x1b2: {  	[tilespmem:s7+$0x20] =	vst v63;
	v6 =	vld.idx.msk [tilespmem:v57+s22+$0x0], $0xffff  }
0x1b3: {  	v4 =	vld.idx.msk [tilespmem:v58+s22+$0x0], $0xffff;
	[tilespmem:s8+$0xFFFFFFD0] =	vst v60  }
0x1b4: {  	v7 =	vld.idx.msk [tilespmem:v56+s22+$0x0], $0xffff;
	[tilespmem:s8+$0xFFFFFFE0] =	vst v61  }
0x1b5: {  	[tilespmem:s8+$0xFFFFFFF0] =	vst v62  }
0x1b6: {  	[tilespmem:s8+$0x0] =	vst v5  }
0x1b7: {  	[tilespmem:s8+$0x10] =	vst v6  }
0x1b8: {  	[tilespmem:s8+$0xFFFFFFC0] =	vst v4  }
0x1b9: {  	[tilespmem:s8+$0x20] =	vst v7  }
0x1ba: {  	s6 =	rddreg [dreg:$0x9]  }
0x1bb: {  	s7 =	rddreg [dreg:$0x1f]  }
0x1bc: {  	[hbm4b:s6+s2] =	stream.linear.scatter [tilespmem:s25], [sflag:$0x3], $0x2800, $0x38;
	[tilespmem:$0x14280] =	vst v63  }
0x1bd: {  	s8 =	sld [smem:$0x7F6]  }
0x1be: {  	[hbm4b:s7+s2] =	stream.linear.scatter [tilespmem:s26], [sflag:$0x3], $0x2800, $0x38;
	[tilespmem:$0x14280] =	vst v63  }
0x1bf: {  	_ = 	snop  }
0x1c0: {  	[hbm4b:s8+s2] =	stream.linear.scatter [tilespmem:s28], [sflag:$0x3], $0x2800, $0x38;
	[tilespmem:$0x14280] =	vst v63  }
0x1c1: {  	s9 =	rddreg [dreg:$0xa]  }
0x1c2: {  	[tilespmem:s2], [sflag:$0x1] =	stream.linear.gather [hbm4b:s9+s2], $0x2800, $0x38;
	[tilespmem:$0x14280] =	vst v63  }
0x1c3: {  	_ =	swait.ge [sflag:s29], $0x2800  }
0x1c4: {  	[sflag:s29] =	ssyncset.done $0x0  }
0x1c5: {  	[sflag:s29] =	ssyncadd.s32 $0xFFFFD800  }
0x1c6: {  	_ =	swait.ge [sflag:s3], $0x2800  }
0x1c7: {  	[sflag:s3] =	ssyncset.done $0x0  }
0x1c8: {  	[sflag:s3] =	ssyncadd.s32 $0xFFFFD800  }
0x1c9: {  	_ =	swait.ge [sflag:s3], $0x2800  }
0x1ca: {  	[sflag:s3] =	ssyncset.done $0x0  }
0x1cb: {  	[sflag:s3] =	ssyncadd.s32 $0xFFFFD800  }
0x1cc: {  	_ =	swait.ge [sflag:s3], $0x2800  }
0x1cd: {  	[sflag:s3] =	ssyncset.done $0x0  }
0x1ce: {  	s10 =	simm.s32 $0x2840;
	[sflag:s3] =	ssyncadd.s32 $0xFFFFD800  }
0x1cf: {  	v4 =	vld [tilespmem:s10+$0x30]  }
0x1d0: {  	v5 =	vld [tilespmem:s10+$0xFFFFFFD0]  }
0x1d1: {  	v6 =	vld [tilespmem:s10+$0xFFFFFFE0]  }
0x1d2: {  	v7 =	vld [tilespmem:s10+$0xFFFFFFF0]  }
0x1d3: {  	v9 =	vld [tilespmem:s10+$0x0]  }
0x1d4: {  	v10 =	vld [tilespmem:s10+$0x10];
	v4 =	vmul.u32 $0x3, v4  }
0x1d5: {  	v11 =	vld [tilespmem:s10+$0x20];
	v5 =	vmul.u32 $0x3, v5  }
0x1d6: {  	v13 =	vld [tilespmem:s10+$0xFFFFFFC0];
	v6 =	vmul.u32 $0x3, v6  }
0x1d7: {  	v7 =	vmul.u32 $0x3, v7  }
0x1d8: {  	v9 =	vmul.u32 $0x3, v9  }
0x1d9: {  	v10 =	vmul.u32 $0x3, v10  }
0x1da: {  	v11 =	vmul.u32 $0x3, v11;
	v14 =	vld.idx.msk [tilespmem:v4+s22+$0x0], $0xffff  }
0x1db: {  	v13 =	vmul.u32 $0x3, v13;
	v15 =	vld.idx.msk [tilespmem:v5+s22+$0x0], $0xffff  }
0x1dc: {  	v17 =	vld.idx.msk [tilespmem:v6+s22+$0x0], $0xffff  }
0x1dd: {  	v18 =	vadd.s32 $0x1, v4;
	v19 =	vld.idx.msk [tilespmem:v7+s22+$0x0], $0xffff  }
0x1de: {  	v21 =	vadd.s32 $0x1, v5;
	v22 =	vld.idx.msk [tilespmem:v9+s22+$0x0], $0xffff  }
0x1df: {  	s6 =	simm.s32 $0xC840;
	v23 =	vadd.s32 $0x1, v6;
	v25 =	vld.idx.msk [tilespmem:v10+s22+$0x0], $0xffff  }
0x1e0: {  	v26 =	vadd.s32 $0x1, v7;
	v27 =	vld.idx.msk [tilespmem:v11+s22+$0x0], $0xffff;
	[tilespmem:s6+$0x30] =	vst v14  }
0x1e1: {  	v8 =	vadd.s32 $0x1, v9;
	v60 =	vld.idx.msk [tilespmem:v13+s22+$0x0], $0xffff;
	[tilespmem:s6+$0xFFFFFFD0] =	vst v15  }
0x1e2: {  	v62 =	vadd.s32 $0x1, v13;
	[tilespmem:s6+$0xFFFFFFE0] =	vst v17;
	v15 =	vld.idx.msk [tilespmem:v18+s22+$0x0], $0xffff  }
0x1e3: {  	[tilespmem:s6+$0xFFFFFFF0] =	vst v19;
	v18 =	vadd.s32 $0x1, v10;
	v61 =	vld.idx.msk [tilespmem:v21+s22+$0x0], $0xffff  }
0x1e4: {  	v4 =	vadd.s32 $0x2, v4;
	[tilespmem:s6+$0x0] =	vst v22;
	v63 =	vld.idx.msk [tilespmem:v23+s22+$0x0], $0xffff  }
0x1e5: {  	v24 =	vadd.s32 $0x1, v11;
	[tilespmem:s6+$0x10] =	vst v25;
	v26 =	vld.idx.msk [tilespmem:v26+s22+$0x0], $0xffff  }
0x1e6: {  	v5 =	vadd.s32 $0x2, v5;
	[tilespmem:s6+$0xFFFFFFC0] =	vst v60;
	v14 =	vld.idx.msk [tilespmem:v8+s22+$0x0], $0xffff  }
0x1e7: {  	s7 =	simm.s32 $0xF040;
	v6 =	vadd.s32 $0x2, v6;
	[tilespmem:s6+$0x20] =	vst v27;
	v59 =	vld.idx.msk [tilespmem:v62+s22+$0x0], $0xffff  }
0x1e8: {  	v7 =	vadd.s32 $0x2, v7;
	v18 =	vld.idx.msk [tilespmem:v18+s22+$0x0], $0xffff;
	[tilespmem:s7+$0x30] =	vst v15  }
0x1e9: {  	v9 =	vadd.s32 $0x2, v9;
	[tilespmem:s7+$0xFFFFFFD0] =	vst v61;
	v4 =	vld.idx.msk [tilespmem:v4+s22+$0x0], $0xffff  }
0x1ea: {  	[tilespmem:s7+$0xFFFFFFE0] =	vst v63;
	v63 =	vld.idx.msk [tilespmem:v24+s22+$0x0], $0xffff  }
0x1eb: {  	[tilespmem:s7+$0xFFFFFFF0] =	vst v26;
	v60 =	vld.idx.msk [tilespmem:v5+s22+$0x0], $0xffff  }
0x1ec: {  	[tilespmem:s7+$0x0] =	vst v14;
	v61 =	vld.idx.msk [tilespmem:v6+s22+$0x0], $0xffff  }
0x1ed: {  	s8 =	simm.s32 $0x11840;
	v62 =	vld.idx.msk [tilespmem:v7+s22+$0x0], $0xffff;
	[tilespmem:s7+$0x10] =	vst v18  }
0x1ee: {  	s9 =	simm.s32 $0x0;
	s10 =	simm.s32 $0x28C0;
	v57 =	vadd.s32 $0x2, v10;
	v56 =	vadd.s32 $0x2, v11;
	v58 =	vadd.s32 $0x2, v13;
	v5 =	vld.idx.msk [tilespmem:v9+s22+$0x0], $0xffff;
	[tilespmem:s8+$0x30] =	vst v4  }
.LBB2_8:
0x1ef: {  	v4 =	vld [tilespmem:s10+$0x30];
	s9 =	sadd.s32 $0x80, s9;
	[tilespmem:s7+$0xFFFFFFC0] =	vst v59  }
0x1f0: {  	v6 =	vld [tilespmem:s10+$0xFFFFFFD0];
	p0 =	slt.u32 s9, $0x2780;
	[tilespmem:s7+$0x20] =	vst v63  }
0x1f1: {  	v7 =	vld [tilespmem:s10+$0xFFFFFFE0];
	[tilespmem:s8+$0xFFFFFFD0] =	vst v60  }
0x1f2: {  	v9 =	vld [tilespmem:s10+$0xFFFFFFF0];
	[tilespmem:s8+$0xFFFFFFE0] =	vst v61  }
0x1f3: {  	v10 =	vld [tilespmem:s10+$0x0];
	[tilespmem:s8+$0xFFFFFFF0] =	vst v62  }
0x1f4: {  	v11 =	vld [tilespmem:s10+$0x10];
	v4 =	vmul.u32 $0x3, v4;
	[tilespmem:s8+$0x0] =	vst v5  }
0x1f5: {  	v5 =	vmul.u32 $0x3, v6;
	v6 =	vld [tilespmem:s10+$0x20]  }
0x1f6: {  	v13 =	vld [tilespmem:s10+$0xFFFFFFC0];
	v7 =	vmul.u32 $0x3, v7  }
0x1f7: {  	v14 =	vadd.s32 $0x1, v5;
	v15 =	vadd.s32 $0x2, v5;
	v9 =	vmul.u32 $0x3, v9;
	v17 =	vld.idx.msk [tilespmem:v58+s22+$0x0], $0xffff  }
0x1f8: {  	v18 =	vadd.s32 $0x1, v7;
	v19 =	vadd.s32 $0x2, v7;
	v10 =	vmul.u32 $0x3, v10;
	v21 =	vld.idx.msk [tilespmem:v57+s22+$0x0], $0xffff  }
0x1f9: {  	v22 =	vadd.s32 $0x1, v9;
	v23 =	vadd.s32 $0x2, v9;
	v11 =	vmul.u32 $0x3, v11;
	v25 =	vld.idx.msk [tilespmem:v56+s22+$0x0], $0xffff  }
0x1fa: {  	v26 =	vadd.s32 $0x1, v10;
	v27 =	vadd.s32 $0x2, v10;
	v6 =	vmul.u32 $0x3, v6;
	v59 =	vld.idx.msk [tilespmem:v4+s22+$0x0], $0xffff  }
0x1fb: {  	v13 =	vmul.u32 $0x3, v13;
	v5 =	vld.idx.msk [tilespmem:v5+s22+$0x0], $0xffff;
	v60 =	vadd.s32 $0x1, v11;
	v57 =	vadd.s32 $0x2, v11  }
0x1fc: {  	v62 =	vadd.s32 $0x1, v4;
	v7 =	vld.idx.msk [tilespmem:v7+s22+$0x0], $0xffff;
	v61 =	vadd.s32 $0x1, v6;
	v56 =	vadd.s32 $0x2, v6  }
0x1fd: {  	v63 =	vadd.s32 $0x1, v13;
	v58 =	vadd.s32 $0x2, v13;
	v9 =	vld.idx.msk [tilespmem:v9+s22+$0x0], $0xffff;
	[tilespmem:s8+$0xFFFFFFC0] =	vst v17  }
0x1fe: {  	v10 =	vld.idx.msk [tilespmem:v10+s22+$0x0], $0xffff;
	[tilespmem:s8+$0x10] =	vst v21  }
0x1ff: {  	s6 =	sadd.s32 $0x80, s6;
	v11 =	vld.idx.msk [tilespmem:v11+s22+$0x0], $0xffff;
	[tilespmem:s8+$0x20] =	vst v25  }
0x200: {  	v6 =	vld.idx.msk [tilespmem:v6+s22+$0x0], $0xffff;
	[tilespmem:s6+$0x30] =	vst v59  }
0x201: {  	[tilespmem:s6+$0xFFFFFFD0] =	vst v5;
	v5 =	vld.idx.msk [tilespmem:v62+s22+$0x0], $0xffff  }
0x202: {  	v13 =	vld.idx.msk [tilespmem:v13+s22+$0x0], $0xffff;
	[tilespmem:s6+$0xFFFFFFE0] =	vst v7  }
0x203: {  	v4 =	vadd.s32 $0x2, v4;
	v7 =	vld.idx.msk [tilespmem:v14+s22+$0x0], $0xffff;
	[tilespmem:s6+$0xFFFFFFF0] =	vst v9  }
0x204: {  	v9 =	vld.idx.msk [tilespmem:v18+s22+$0x0], $0xffff;
	[tilespmem:s6+$0x0] =	vst v10  }
0x205: {  	v10 =	vld.idx.msk [tilespmem:v22+s22+$0x0], $0xffff;
	[tilespmem:s6+$0x10] =	vst v11  }
0x206: {  	s7 =	sadd.s32 $0x80, s7;
	v11 =	vld.idx.msk [tilespmem:v26+s22+$0x0], $0xffff;
	[tilespmem:s6+$0x20] =	vst v6  }
0x207: {  	v6 =	vld.idx.msk [tilespmem:v60+s22+$0x0], $0xffff;
	[tilespmem:s7+$0x30] =	vst v5  }
0x208: {  	[tilespmem:s6+$0xFFFFFFC0] =	vst v13;
	v4 =	vld.idx.msk [tilespmem:v4+s22+$0x0], $0xffff  }
0x209: {  	v59 =	vld.idx.msk [tilespmem:v63+s22+$0x0], $0xffff;
	[tilespmem:s7+$0xFFFFFFD0] =	vst v7  }
.Ltmp3:
0x20a: {  	[tilespmem:s7+$0xFFFFFFE0] =	vst v9;
	v63 =	vld.idx.msk [tilespmem:v61+s22+$0x0], $0xffff;
	(pc) =	sbr.rel @p0 .LBB2_8-.Ltmp3, $4  }
0x20b: {  	v60 =	vld.idx.msk [tilespmem:v15+s22+$0x0], $0xffff;
	[tilespmem:s7+$0xFFFFFFF0] =	vst v10  }
0x20c: {  	v61 =	vld.idx.msk [tilespmem:v19+s22+$0x0], $0xffff;
	[tilespmem:s7+$0x0] =	vst v11  }
0x20d: {  	s8 =	sadd.s32 $0x80, s8;
	v62 =	vld.idx.msk [tilespmem:v23+s22+$0x0], $0xffff;
	[tilespmem:s7+$0x10] =	vst v6  }
0x20e: {  	s10 =	sadd.s32 $0x80, s10;
	v5 =	vld.idx.msk [tilespmem:v27+s22+$0x0], $0xffff;
	[tilespmem:s8+$0x30] =	vst v4  }
0x20f: {  	_ =	sdelay $0x2  }
0x210: {  	[tilespmem:s7+$0xFFFFFFC0] =	vst v59  }
0x211: {  	[tilespmem:s7+$0x20] =	vst v63;
	v6 =	vld.idx.msk [tilespmem:v57+s22+$0x0], $0xffff  }
0x212: {  	v4 =	vld.idx.msk [tilespmem:v58+s22+$0x0], $0xffff;
	[tilespmem:s8+$0xFFFFFFD0] =	vst v60  }
0x213: {  	v7 =	vld.idx.msk [tilespmem:v56+s22+$0x0], $0xffff;
	[tilespmem:s8+$0xFFFFFFE0] =	vst v61  }
0x214: {  	[tilespmem:s8+$0xFFFFFFF0] =	vst v62  }
0x215: {  	[tilespmem:s8+$0x0] =	vst v5  }
0x216: {  	[tilespmem:s8+$0x10] =	vst v6  }
0x217: {  	[tilespmem:s8+$0xFFFFFFC0] =	vst v4  }
0x218: {  	[tilespmem:s8+$0x20] =	vst v7  }
0x219: {  	s6 =	rddreg [dreg:$0xb]  }
0x21a: {  	s7 =	sld [smem:$0x7F7]  }
0x21b: {  	[hbm4b:s6+s2] =	stream.linear.scatter [tilespmem:s30], [sflag:$0x4], $0x2800, $0x38;
	[tilespmem:$0x14280] =	vst v63  }
0x21c: {  	s8 =	sld [smem:$0x7F8]  }
0x21d: {  	[hbm4b:s7+s2] =	stream.linear.scatter [tilespmem:s31], [sflag:$0x4], $0x2800, $0x38;
	[tilespmem:$0x14280] =	vst v63  }
0x21e: {  	_ = 	snop  }
0x21f: {  	[hbm4b:s8+s2] =	stream.linear.scatter [tilespmem:s1], [sflag:$0x4], $0x2800, $0x38;
	[tilespmem:$0x14280] =	vst v63  }
0x220: {  	s9 =	rddreg [dreg:$0xc]  }
0x221: {  	[tilespmem:s23], [sflag:$0x2] =	stream.linear.gather [hbm4b:s9+s2], $0x2800, $0x38;
	[tilespmem:$0x14280] =	vst v63  }
0x222: {  	_ =	swait.ge [sflag:s24], $0x2800  }
0x223: {  	[sflag:s24] =	ssyncset.done $0x0  }
0x224: {  	[sflag:s24] =	ssyncadd.s32 $0xFFFFD800  }
0x225: {  	_ =	swait.ge [sflag:s0], $0x2800  }
0x226: {  	[sflag:s0] =	ssyncset.done $0x0  }
0x227: {  	[sflag:s0] =	ssyncadd.s32 $0xFFFFD800  }
0x228: {  	_ =	swait.ge [sflag:s0], $0x2800  }
0x229: {  	[sflag:s0] =	ssyncset.done $0x0  }
0x22a: {  	[sflag:s0] =	ssyncadd.s32 $0xFFFFD800  }
0x22b: {  	_ =	swait.ge [sflag:s0], $0x2800  }
0x22c: {  	[sflag:s0] =	ssyncset.done $0x0  }
0x22d: {  	s10 =	simm.s32 $0x40;
	[sflag:s0] =	ssyncadd.s32 $0xFFFFD800  }
0x22e: {  	v4 =	vld [tilespmem:s10+$0x30]  }
0x22f: {  	v5 =	vld [tilespmem:s10+$0xFFFFFFD0]  }
0x230: {  	v6 =	vld [tilespmem:s10+$0xFFFFFFE0]  }
0x231: {  	v7 =	vld [tilespmem:s10+$0xFFFFFFF0]  }
0x232: {  	v9 =	vld [tilespmem:s10+$0x0]  }
0x233: {  	v10 =	vld [tilespmem:s10+$0x10];
	v4 =	vmul.u32 $0x3, v4  }
0x234: {  	v11 =	vld [tilespmem:s10+$0x20];
	v5 =	vmul.u32 $0x3, v5  }
0x235: {  	v13 =	vld [tilespmem:s10+$0xFFFFFFC0];
	v6 =	vmul.u32 $0x3, v6  }
0x236: {  	v7 =	vmul.u32 $0x3, v7  }
0x237: {  	v9 =	vmul.u32 $0x3, v9  }
0x238: {  	v10 =	vmul.u32 $0x3, v10  }
0x239: {  	v11 =	vmul.u32 $0x3, v11;
	v14 =	vld.idx.msk [tilespmem:v4+s22+$0x0], $0xffff  }
0x23a: {  	v13 =	vmul.u32 $0x3, v13;
	v15 =	vld.idx.msk [tilespmem:v5+s22+$0x0], $0xffff  }
0x23b: {  	v17 =	vld.idx.msk [tilespmem:v6+s22+$0x0], $0xffff  }
0x23c: {  	v18 =	vadd.s32 $0x1, v4;
	v19 =	vld.idx.msk [tilespmem:v7+s22+$0x0], $0xffff  }
0x23d: {  	v21 =	vadd.s32 $0x1, v5;
	v22 =	vld.idx.msk [tilespmem:v9+s22+$0x0], $0xffff  }
0x23e: {  	s6 =	simm.s32 $0x5040;
	v23 =	vadd.s32 $0x1, v6;
	v25 =	vld.idx.msk [tilespmem:v10+s22+$0x0], $0xffff  }
0x23f: {  	v26 =	vadd.s32 $0x1, v7;
	v27 =	vld.idx.msk [tilespmem:v11+s22+$0x0], $0xffff;
	[tilespmem:s6+$0x30] =	vst v14  }
0x240: {  	v8 =	vadd.s32 $0x1, v9;
	v60 =	vld.idx.msk [tilespmem:v13+s22+$0x0], $0xffff;
	[tilespmem:s6+$0xFFFFFFD0] =	vst v15  }
0x241: {  	v62 =	vadd.s32 $0x1, v13;
	[tilespmem:s6+$0xFFFFFFE0] =	vst v17;
	v15 =	vld.idx.msk [tilespmem:v18+s22+$0x0], $0xffff  }
0x242: {  	[tilespmem:s6+$0xFFFFFFF0] =	vst v19;
	v18 =	vadd.s32 $0x1, v10;
	v61 =	vld.idx.msk [tilespmem:v21+s22+$0x0], $0xffff  }
0x243: {  	v4 =	vadd.s32 $0x2, v4;
	[tilespmem:s6+$0x0] =	vst v22;
	v63 =	vld.idx.msk [tilespmem:v23+s22+$0x0], $0xffff  }
0x244: {  	v24 =	vadd.s32 $0x1, v11;
	[tilespmem:s6+$0x10] =	vst v25;
	v26 =	vld.idx.msk [tilespmem:v26+s22+$0x0], $0xffff  }
0x245: {  	v5 =	vadd.s32 $0x2, v5;
	[tilespmem:s6+$0xFFFFFFC0] =	vst v60;
	v14 =	vld.idx.msk [tilespmem:v8+s22+$0x0], $0xffff  }
0x246: {  	s7 =	simm.s32 $0x7840;
	v6 =	vadd.s32 $0x2, v6;
	[tilespmem:s6+$0x20] =	vst v27;
	v59 =	vld.idx.msk [tilespmem:v62+s22+$0x0], $0xffff  }
0x247: {  	v7 =	vadd.s32 $0x2, v7;
	v18 =	vld.idx.msk [tilespmem:v18+s22+$0x0], $0xffff;
	[tilespmem:s7+$0x30] =	vst v15  }
0x248: {  	v9 =	vadd.s32 $0x2, v9;
	[tilespmem:s7+$0xFFFFFFD0] =	vst v61;
	v4 =	vld.idx.msk [tilespmem:v4+s22+$0x0], $0xffff  }
0x249: {  	[tilespmem:s7+$0xFFFFFFE0] =	vst v63;
	v63 =	vld.idx.msk [tilespmem:v24+s22+$0x0], $0xffff  }
0x24a: {  	[tilespmem:s7+$0xFFFFFFF0] =	vst v26;
	v60 =	vld.idx.msk [tilespmem:v5+s22+$0x0], $0xffff  }
0x24b: {  	[tilespmem:s7+$0x0] =	vst v14;
	v61 =	vld.idx.msk [tilespmem:v6+s22+$0x0], $0xffff  }
0x24c: {  	s8 =	simm.s32 $0xA040;
	v62 =	vld.idx.msk [tilespmem:v7+s22+$0x0], $0xffff;
	[tilespmem:s7+$0x10] =	vst v18  }
0x24d: {  	s9 =	simm.s32 $0x0;
	s10 =	simm.s32 $0xC0;
	v57 =	vadd.s32 $0x2, v10;
	v56 =	vadd.s32 $0x2, v11;
	v58 =	vadd.s32 $0x2, v13;
	v5 =	vld.idx.msk [tilespmem:v9+s22+$0x0], $0xffff;
	[tilespmem:s8+$0x30] =	vst v4  }
.LBB2_10:
0x24e: {  	v4 =	vld [tilespmem:s10+$0x30];
	s9 =	sadd.s32 $0x80, s9;
	[tilespmem:s7+$0xFFFFFFC0] =	vst v59  }
0x24f: {  	v6 =	vld [tilespmem:s10+$0xFFFFFFD0];
	p0 =	slt.u32 s9, $0x2780;
	[tilespmem:s7+$0x20] =	vst v63  }
0x250: {  	v7 =	vld [tilespmem:s10+$0xFFFFFFE0];
	[tilespmem:s8+$0xFFFFFFD0] =	vst v60  }
0x251: {  	v9 =	vld [tilespmem:s10+$0xFFFFFFF0];
	[tilespmem:s8+$0xFFFFFFE0] =	vst v61  }
0x252: {  	v10 =	vld [tilespmem:s10+$0x0];
	[tilespmem:s8+$0xFFFFFFF0] =	vst v62  }
0x253: {  	v11 =	vld [tilespmem:s10+$0x10];
	v4 =	vmul.u32 $0x3, v4;
	[tilespmem:s8+$0x0] =	vst v5  }
0x254: {  	v5 =	vmul.u32 $0x3, v6;
	v6 =	vld [tilespmem:s10+$0x20]  }
0x255: {  	v13 =	vld [tilespmem:s10+$0xFFFFFFC0];
	v7 =	vmul.u32 $0x3, v7  }
0x256: {  	v14 =	vadd.s32 $0x1, v5;
	v15 =	vadd.s32 $0x2, v5;
	v9 =	vmul.u32 $0x3, v9;
	v17 =	vld.idx.msk [tilespmem:v58+s22+$0x0], $0xffff  }
0x257: {  	v18 =	vadd.s32 $0x1, v7;
	v19 =	vadd.s32 $0x2, v7;
	v10 =	vmul.u32 $0x3, v10;
	v21 =	vld.idx.msk [tilespmem:v57+s22+$0x0], $0xffff  }
0x258: {  	v22 =	vadd.s32 $0x1, v9;
	v23 =	vadd.s32 $0x2, v9;
	v11 =	vmul.u32 $0x3, v11;
	v25 =	vld.idx.msk [tilespmem:v56+s22+$0x0], $0xffff  }
0x259: {  	v26 =	vadd.s32 $0x1, v10;
	v27 =	vadd.s32 $0x2, v10;
	v6 =	vmul.u32 $0x3, v6;
	v59 =	vld.idx.msk [tilespmem:v4+s22+$0x0], $0xffff  }
0x25a: {  	v13 =	vmul.u32 $0x3, v13;
	v5 =	vld.idx.msk [tilespmem:v5+s22+$0x0], $0xffff;
	v60 =	vadd.s32 $0x1, v11;
	v57 =	vadd.s32 $0x2, v11  }
0x25b: {  	v62 =	vadd.s32 $0x1, v4;
	v7 =	vld.idx.msk [tilespmem:v7+s22+$0x0], $0xffff;
	v61 =	vadd.s32 $0x1, v6;
	v56 =	vadd.s32 $0x2, v6  }
0x25c: {  	v63 =	vadd.s32 $0x1, v13;
	v58 =	vadd.s32 $0x2, v13;
	v9 =	vld.idx.msk [tilespmem:v9+s22+$0x0], $0xffff;
	[tilespmem:s8+$0xFFFFFFC0] =	vst v17  }
0x25d: {  	v10 =	vld.idx.msk [tilespmem:v10+s22+$0x0], $0xffff;
	[tilespmem:s8+$0x10] =	vst v21  }
0x25e: {  	s6 =	sadd.s32 $0x80, s6;
	v11 =	vld.idx.msk [tilespmem:v11+s22+$0x0], $0xffff;
	[tilespmem:s8+$0x20] =	vst v25  }
0x25f: {  	v6 =	vld.idx.msk [tilespmem:v6+s22+$0x0], $0xffff;
	[tilespmem:s6+$0x30] =	vst v59  }
0x260: {  	[tilespmem:s6+$0xFFFFFFD0] =	vst v5;
	v5 =	vld.idx.msk [tilespmem:v62+s22+$0x0], $0xffff  }
0x261: {  	v13 =	vld.idx.msk [tilespmem:v13+s22+$0x0], $0xffff;
	[tilespmem:s6+$0xFFFFFFE0] =	vst v7  }
0x262: {  	v4 =	vadd.s32 $0x2, v4;
	v7 =	vld.idx.msk [tilespmem:v14+s22+$0x0], $0xffff;
	[tilespmem:s6+$0xFFFFFFF0] =	vst v9  }
0x263: {  	v9 =	vld.idx.msk [tilespmem:v18+s22+$0x0], $0xffff;
	[tilespmem:s6+$0x0] =	vst v10  }
0x264: {  	v10 =	vld.idx.msk [tilespmem:v22+s22+$0x0], $0xffff;
	[tilespmem:s6+$0x10] =	vst v11  }
0x265: {  	s7 =	sadd.s32 $0x80, s7;
	v11 =	vld.idx.msk [tilespmem:v26+s22+$0x0], $0xffff;
	[tilespmem:s6+$0x20] =	vst v6  }
0x266: {  	v6 =	vld.idx.msk [tilespmem:v60+s22+$0x0], $0xffff;
	[tilespmem:s7+$0x30] =	vst v5  }
0x267: {  	[tilespmem:s6+$0xFFFFFFC0] =	vst v13;
	v4 =	vld.idx.msk [tilespmem:v4+s22+$0x0], $0xffff  }
0x268: {  	v59 =	vld.idx.msk [tilespmem:v63+s22+$0x0], $0xffff;
	[tilespmem:s7+$0xFFFFFFD0] =	vst v7  }
.Ltmp4:
0x269: {  	[tilespmem:s7+$0xFFFFFFE0] =	vst v9;
	v63 =	vld.idx.msk [tilespmem:v61+s22+$0x0], $0xffff;
	(pc) =	sbr.rel @p0 .LBB2_10-.Ltmp4, $4  }
0x26a: {  	v60 =	vld.idx.msk [tilespmem:v15+s22+$0x0], $0xffff;
	[tilespmem:s7+$0xFFFFFFF0] =	vst v10  }
0x26b: {  	v61 =	vld.idx.msk [tilespmem:v19+s22+$0x0], $0xffff;
	[tilespmem:s7+$0x0] =	vst v11  }
0x26c: {  	s8 =	sadd.s32 $0x80, s8;
	v62 =	vld.idx.msk [tilespmem:v23+s22+$0x0], $0xffff;
	[tilespmem:s7+$0x10] =	vst v6  }
0x26d: {  	s10 =	sadd.s32 $0x80, s10;
	v5 =	vld.idx.msk [tilespmem:v27+s22+$0x0], $0xffff;
	[tilespmem:s8+$0x30] =	vst v4  }
0x26e: {  	_ =	sdelay $0x2  }
0x26f: {  	[tilespmem:s7+$0xFFFFFFC0] =	vst v59  }
0x270: {  	[tilespmem:s7+$0x20] =	vst v63;
	v6 =	vld.idx.msk [tilespmem:v57+s22+$0x0], $0xffff  }
0x271: {  	v4 =	vld.idx.msk [tilespmem:v58+s22+$0x0], $0xffff;
	[tilespmem:s8+$0xFFFFFFD0] =	vst v60  }
0x272: {  	v7 =	vld.idx.msk [tilespmem:v56+s22+$0x0], $0xffff;
	[tilespmem:s8+$0xFFFFFFE0] =	vst v61  }
0x273: {  	[tilespmem:s8+$0xFFFFFFF0] =	vst v62  }
0x274: {  	[tilespmem:s8+$0x0] =	vst v5  }
0x275: {  	[tilespmem:s8+$0x10] =	vst v6  }
0x276: {  	[tilespmem:s8+$0xFFFFFFC0] =	vst v4  }
0x277: {  	[tilespmem:s8+$0x20] =	vst v7  }
0x278: {  	s6 =	rddreg [dreg:$0xd]  }
0x279: {  	s7 =	sld [smem:$0x7F9]  }
0x27a: {  	[hbm4b:s6+s2] =	stream.linear.scatter [tilespmem:s25], [sflag:$0x3], $0x2800, $0x38;
	[tilespmem:$0x14280] =	vst v63  }
0x27b: {  	s8 =	sld [smem:$0x7FA]  }
0x27c: {  	[hbm4b:s7+s2] =	stream.linear.scatter [tilespmem:s26], [sflag:$0x3], $0x2800, $0x38;
	[tilespmem:$0x14280] =	vst v63  }
0x27d: {  	_ = 	snop  }
0x27e: {  	[hbm4b:s8+s2] =	stream.linear.scatter [tilespmem:s28], [sflag:$0x3], $0x2800, $0x38;
	[tilespmem:$0x14280] =	vst v63  }
0x27f: {  	s9 =	rddreg [dreg:$0xe]  }
0x280: {  	[tilespmem:s2], [sflag:$0x1] =	stream.linear.gather [hbm4b:s9+s2], $0x2800, $0x38;
	[tilespmem:$0x14280] =	vst v63  }
0x281: {  	_ =	swait.ge [sflag:s29], $0x2800  }
0x282: {  	[sflag:s29] =	ssyncset.done $0x0  }
0x283: {  	[sflag:s29] =	ssyncadd.s32 $0xFFFFD800  }
0x284: {  	_ =	swait.ge [sflag:s3], $0x2800  }
0x285: {  	[sflag:s3] =	ssyncset.done $0x0  }
0x286: {  	[sflag:s3] =	ssyncadd.s32 $0xFFFFD800  }
0x287: {  	_ =	swait.ge [sflag:s3], $0x2800  }
0x288: {  	[sflag:s3] =	ssyncset.done $0x0  }
0x289: {  	[sflag:s3] =	ssyncadd.s32 $0xFFFFD800  }
0x28a: {  	_ =	swait.ge [sflag:s3], $0x2800  }
0x28b: {  	[sflag:s3] =	ssyncset.done $0x0  }
0x28c: {  	s10 =	simm.s32 $0x2840;
	[sflag:s3] =	ssyncadd.s32 $0xFFFFD800  }
0x28d: {  	v4 =	vld [tilespmem:s10+$0x30]  }
0x28e: {  	v5 =	vld [tilespmem:s10+$0xFFFFFFD0]  }
0x28f: {  	v6 =	vld [tilespmem:s10+$0xFFFFFFE0]  }
0x290: {  	v7 =	vld [tilespmem:s10+$0xFFFFFFF0]  }
0x291: {  	v9 =	vld [tilespmem:s10+$0x0]  }
0x292: {  	v10 =	vld [tilespmem:s10+$0x10];
	v4 =	vmul.u32 $0x3, v4  }
0x293: {  	v11 =	vld [tilespmem:s10+$0x20];
	v5 =	vmul.u32 $0x3, v5  }
0x294: {  	v13 =	vld [tilespmem:s10+$0xFFFFFFC0];
	v6 =	vmul.u32 $0x3, v6  }
0x295: {  	v7 =	vmul.u32 $0x3, v7  }
0x296: {  	v9 =	vmul.u32 $0x3, v9  }
0x297: {  	v10 =	vmul.u32 $0x3, v10  }
0x298: {  	v11 =	vmul.u32 $0x3, v11;
	v14 =	vld.idx.msk [tilespmem:v4+s22+$0x0], $0xffff  }
0x299: {  	v13 =	vmul.u32 $0x3, v13;
	v15 =	vld.idx.msk [tilespmem:v5+s22+$0x0], $0xffff  }
0x29a: {  	v17 =	vld.idx.msk [tilespmem:v6+s22+$0x0], $0xffff  }
0x29b: {  	v18 =	vadd.s32 $0x1, v4;
	v19 =	vld.idx.msk [tilespmem:v7+s22+$0x0], $0xffff  }
0x29c: {  	v21 =	vadd.s32 $0x1, v5;
	v22 =	vld.idx.msk [tilespmem:v9+s22+$0x0], $0xffff  }
0x29d: {  	s6 =	simm.s32 $0xC840;
	v23 =	vadd.s32 $0x1, v6;
	v25 =	vld.idx.msk [tilespmem:v10+s22+$0x0], $0xffff  }
0x29e: {  	v26 =	vadd.s32 $0x1, v7;
	v27 =	vld.idx.msk [tilespmem:v11+s22+$0x0], $0xffff;
	[tilespmem:s6+$0x30] =	vst v14  }
0x29f: {  	v8 =	vadd.s32 $0x1, v9;
	v60 =	vld.idx.msk [tilespmem:v13+s22+$0x0], $0xffff;
	[tilespmem:s6+$0xFFFFFFD0] =	vst v15  }
0x2a0: {  	v62 =	vadd.s32 $0x1, v13;
	[tilespmem:s6+$0xFFFFFFE0] =	vst v17;
	v15 =	vld.idx.msk [tilespmem:v18+s22+$0x0], $0xffff  }
0x2a1: {  	[tilespmem:s6+$0xFFFFFFF0] =	vst v19;
	v18 =	vadd.s32 $0x1, v10;
	v61 =	vld.idx.msk [tilespmem:v21+s22+$0x0], $0xffff  }
0x2a2: {  	v4 =	vadd.s32 $0x2, v4;
	[tilespmem:s6+$0x0] =	vst v22;
	v63 =	vld.idx.msk [tilespmem:v23+s22+$0x0], $0xffff  }
0x2a3: {  	v24 =	vadd.s32 $0x1, v11;
	[tilespmem:s6+$0x10] =	vst v25;
	v26 =	vld.idx.msk [tilespmem:v26+s22+$0x0], $0xffff  }
0x2a4: {  	v5 =	vadd.s32 $0x2, v5;
	[tilespmem:s6+$0xFFFFFFC0] =	vst v60;
	v14 =	vld.idx.msk [tilespmem:v8+s22+$0x0], $0xffff  }
0x2a5: {  	s7 =	simm.s32 $0xF040;
	v6 =	vadd.s32 $0x2, v6;
	[tilespmem:s6+$0x20] =	vst v27;
	v59 =	vld.idx.msk [tilespmem:v62+s22+$0x0], $0xffff  }
0x2a6: {  	v7 =	vadd.s32 $0x2, v7;
	v18 =	vld.idx.msk [tilespmem:v18+s22+$0x0], $0xffff;
	[tilespmem:s7+$0x30] =	vst v15  }
0x2a7: {  	v9 =	vadd.s32 $0x2, v9;
	[tilespmem:s7+$0xFFFFFFD0] =	vst v61;
	v4 =	vld.idx.msk [tilespmem:v4+s22+$0x0], $0xffff  }
0x2a8: {  	[tilespmem:s7+$0xFFFFFFE0] =	vst v63;
	v63 =	vld.idx.msk [tilespmem:v24+s22+$0x0], $0xffff  }
0x2a9: {  	[tilespmem:s7+$0xFFFFFFF0] =	vst v26;
	v60 =	vld.idx.msk [tilespmem:v5+s22+$0x0], $0xffff  }
0x2aa: {  	[tilespmem:s7+$0x0] =	vst v14;
	v61 =	vld.idx.msk [tilespmem:v6+s22+$0x0], $0xffff  }
0x2ab: {  	s8 =	simm.s32 $0x11840;
	v62 =	vld.idx.msk [tilespmem:v7+s22+$0x0], $0xffff;
	[tilespmem:s7+$0x10] =	vst v18  }
0x2ac: {  	s9 =	simm.s32 $0x0;
	s10 =	simm.s32 $0x28C0;
	v57 =	vadd.s32 $0x2, v10;
	v56 =	vadd.s32 $0x2, v11;
	v58 =	vadd.s32 $0x2, v13;
	v5 =	vld.idx.msk [tilespmem:v9+s22+$0x0], $0xffff;
	[tilespmem:s8+$0x30] =	vst v4  }
.LBB2_12:
0x2ad: {  	v4 =	vld [tilespmem:s10+$0x30];
	s9 =	sadd.s32 $0x80, s9;
	[tilespmem:s7+$0xFFFFFFC0] =	vst v59  }
0x2ae: {  	v6 =	vld [tilespmem:s10+$0xFFFFFFD0];
	p0 =	slt.u32 s9, $0x2780;
	[tilespmem:s7+$0x20] =	vst v63  }
0x2af: {  	v7 =	vld [tilespmem:s10+$0xFFFFFFE0];
	[tilespmem:s8+$0xFFFFFFD0] =	vst v60  }
0x2b0: {  	v9 =	vld [tilespmem:s10+$0xFFFFFFF0];
	[tilespmem:s8+$0xFFFFFFE0] =	vst v61  }
0x2b1: {  	v10 =	vld [tilespmem:s10+$0x0];
	[tilespmem:s8+$0xFFFFFFF0] =	vst v62  }
0x2b2: {  	v11 =	vld [tilespmem:s10+$0x10];
	v4 =	vmul.u32 $0x3, v4;
	[tilespmem:s8+$0x0] =	vst v5  }
0x2b3: {  	v5 =	vmul.u32 $0x3, v6;
	v6 =	vld [tilespmem:s10+$0x20]  }
0x2b4: {  	v13 =	vld [tilespmem:s10+$0xFFFFFFC0];
	v7 =	vmul.u32 $0x3, v7  }
0x2b5: {  	v14 =	vadd.s32 $0x1, v5;
	v15 =	vadd.s32 $0x2, v5;
	v9 =	vmul.u32 $0x3, v9;
	v17 =	vld.idx.msk [tilespmem:v58+s22+$0x0], $0xffff  }
0x2b6: {  	v18 =	vadd.s32 $0x1, v7;
	v19 =	vadd.s32 $0x2, v7;
	v10 =	vmul.u32 $0x3, v10;
	v21 =	vld.idx.msk [tilespmem:v57+s22+$0x0], $0xffff  }
0x2b7: {  	v22 =	vadd.s32 $0x1, v9;
	v23 =	vadd.s32 $0x2, v9;
	v11 =	vmul.u32 $0x3, v11;
	v25 =	vld.idx.msk [tilespmem:v56+s22+$0x0], $0xffff  }
0x2b8: {  	v26 =	vadd.s32 $0x1, v10;
	v27 =	vadd.s32 $0x2, v10;
	v6 =	vmul.u32 $0x3, v6;
	v59 =	vld.idx.msk [tilespmem:v4+s22+$0x0], $0xffff  }
0x2b9: {  	v13 =	vmul.u32 $0x3, v13;
	v5 =	vld.idx.msk [tilespmem:v5+s22+$0x0], $0xffff;
	v60 =	vadd.s32 $0x1, v11;
	v57 =	vadd.s32 $0x2, v11  }
0x2ba: {  	v62 =	vadd.s32 $0x1, v4;
	v7 =	vld.idx.msk [tilespmem:v7+s22+$0x0], $0xffff;
	v61 =	vadd.s32 $0x1, v6;
	v56 =	vadd.s32 $0x2, v6  }
0x2bb: {  	v63 =	vadd.s32 $0x1, v13;
	v58 =	vadd.s32 $0x2, v13;
	v9 =	vld.idx.msk [tilespmem:v9+s22+$0x0], $0xffff;
	[tilespmem:s8+$0xFFFFFFC0] =	vst v17  }
0x2bc: {  	v10 =	vld.idx.msk [tilespmem:v10+s22+$0x0], $0xffff;
	[tilespmem:s8+$0x10] =	vst v21  }
0x2bd: {  	s6 =	sadd.s32 $0x80, s6;
	v11 =	vld.idx.msk [tilespmem:v11+s22+$0x0], $0xffff;
	[tilespmem:s8+$0x20] =	vst v25  }
0x2be: {  	v6 =	vld.idx.msk [tilespmem:v6+s22+$0x0], $0xffff;
	[tilespmem:s6+$0x30] =	vst v59  }
0x2bf: {  	[tilespmem:s6+$0xFFFFFFD0] =	vst v5;
	v5 =	vld.idx.msk [tilespmem:v62+s22+$0x0], $0xffff  }
0x2c0: {  	v13 =	vld.idx.msk [tilespmem:v13+s22+$0x0], $0xffff;
	[tilespmem:s6+$0xFFFFFFE0] =	vst v7  }
0x2c1: {  	v4 =	vadd.s32 $0x2, v4;
	v7 =	vld.idx.msk [tilespmem:v14+s22+$0x0], $0xffff;
	[tilespmem:s6+$0xFFFFFFF0] =	vst v9  }
0x2c2: {  	v9 =	vld.idx.msk [tilespmem:v18+s22+$0x0], $0xffff;
	[tilespmem:s6+$0x0] =	vst v10  }
0x2c3: {  	v10 =	vld.idx.msk [tilespmem:v22+s22+$0x0], $0xffff;
	[tilespmem:s6+$0x10] =	vst v11  }
0x2c4: {  	s7 =	sadd.s32 $0x80, s7;
	v11 =	vld.idx.msk [tilespmem:v26+s22+$0x0], $0xffff;
	[tilespmem:s6+$0x20] =	vst v6  }
0x2c5: {  	v6 =	vld.idx.msk [tilespmem:v60+s22+$0x0], $0xffff;
	[tilespmem:s7+$0x30] =	vst v5  }
0x2c6: {  	[tilespmem:s6+$0xFFFFFFC0] =	vst v13;
	v4 =	vld.idx.msk [tilespmem:v4+s22+$0x0], $0xffff  }
0x2c7: {  	v59 =	vld.idx.msk [tilespmem:v63+s22+$0x0], $0xffff;
	[tilespmem:s7+$0xFFFFFFD0] =	vst v7  }
.Ltmp5:
0x2c8: {  	[tilespmem:s7+$0xFFFFFFE0] =	vst v9;
	v63 =	vld.idx.msk [tilespmem:v61+s22+$0x0], $0xffff;
	(pc) =	sbr.rel @p0 .LBB2_12-.Ltmp5, $4  }
0x2c9: {  	v60 =	vld.idx.msk [tilespmem:v15+s22+$0x0], $0xffff;
	[tilespmem:s7+$0xFFFFFFF0] =	vst v10  }
0x2ca: {  	v61 =	vld.idx.msk [tilespmem:v19+s22+$0x0], $0xffff;
	[tilespmem:s7+$0x0] =	vst v11  }
0x2cb: {  	s8 =	sadd.s32 $0x80, s8;
	v62 =	vld.idx.msk [tilespmem:v23+s22+$0x0], $0xffff;
	[tilespmem:s7+$0x10] =	vst v6  }
0x2cc: {  	s10 =	sadd.s32 $0x80, s10;
	v5 =	vld.idx.msk [tilespmem:v27+s22+$0x0], $0xffff;
	[tilespmem:s8+$0x30] =	vst v4  }
0x2cd: {  	_ =	sdelay $0x2  }
0x2ce: {  	[tilespmem:s7+$0xFFFFFFC0] =	vst v59  }
0x2cf: {  	[tilespmem:s7+$0x20] =	vst v63;
	v6 =	vld.idx.msk [tilespmem:v57+s22+$0x0], $0xffff  }
0x2d0: {  	v4 =	vld.idx.msk [tilespmem:v58+s22+$0x0], $0xffff;
	[tilespmem:s8+$0xFFFFFFD0] =	vst v60  }
0x2d1: {  	v7 =	vld.idx.msk [tilespmem:v56+s22+$0x0], $0xffff;
	[tilespmem:s8+$0xFFFFFFE0] =	vst v61  }
0x2d2: {  	[tilespmem:s8+$0xFFFFFFF0] =	vst v62  }
0x2d3: {  	[tilespmem:s8+$0x0] =	vst v5  }
0x2d4: {  	[tilespmem:s8+$0x10] =	vst v6  }
0x2d5: {  	[tilespmem:s8+$0xFFFFFFC0] =	vst v4  }
0x2d6: {  	[tilespmem:s8+$0x20] =	vst v7  }
0x2d7: {  	s6 =	rddreg [dreg:$0xf]  }
0x2d8: {  	s7 =	sld [smem:$0x7FB]  }
0x2d9: {  	[hbm4b:s6+s2] =	stream.linear.scatter [tilespmem:s30], [sflag:$0x4], $0x2800, $0x38;
	[tilespmem:$0x14280] =	vst v63  }
0x2da: {  	s8 =	sld [smem:$0x7FC]  }
0x2db: {  	[hbm4b:s7+s2] =	stream.linear.scatter [tilespmem:s31], [sflag:$0x4], $0x2800, $0x38;
	[tilespmem:$0x14280] =	vst v63  }
0x2dc: {  	_ = 	snop  }
0x2dd: {  	[hbm4b:s8+s2] =	stream.linear.scatter [tilespmem:s1], [sflag:$0x4], $0x2800, $0x38;
	[tilespmem:$0x14280] =	vst v63  }
0x2de: {  	s9 =	rddreg [dreg:$0x10]  }
0x2df: {  	[tilespmem:s23], [sflag:$0x2] =	stream.linear.gather [hbm4b:s9+s2], $0x2800, $0x38;
	[tilespmem:$0x14280] =	vst v63  }
0x2e0: {  	_ =	swait.ge [sflag:s24], $0x2800  }
0x2e1: {  	[sflag:s24] =	ssyncset.done $0x0  }
0x2e2: {  	[sflag:s24] =	ssyncadd.s32 $0xFFFFD800  }
0x2e3: {  	_ =	swait.ge [sflag:s0], $0x2800  }
0x2e4: {  	[sflag:s0] =	ssyncset.done $0x0  }
0x2e5: {  	[sflag:s0] =	ssyncadd.s32 $0xFFFFD800  }
0x2e6: {  	_ =	swait.ge [sflag:s0], $0x2800  }
0x2e7: {  	[sflag:s0] =	ssyncset.done $0x0  }
0x2e8: {  	[sflag:s0] =	ssyncadd.s32 $0xFFFFD800  }
0x2e9: {  	_ =	swait.ge [sflag:s0], $0x2800  }
0x2ea: {  	[sflag:s0] =	ssyncset.done $0x0  }
0x2eb: {  	s10 =	simm.s32 $0x40;
	[sflag:s0] =	ssyncadd.s32 $0xFFFFD800  }
0x2ec: {  	v4 =	vld [tilespmem:s10+$0x30]  }
0x2ed: {  	v5 =	vld [tilespmem:s10+$0xFFFFFFD0]  }
0x2ee: {  	v6 =	vld [tilespmem:s10+$0xFFFFFFE0]  }
0x2ef: {  	v7 =	vld [tilespmem:s10+$0xFFFFFFF0]  }
0x2f0: {  	v9 =	vld [tilespmem:s10+$0x0]  }
0x2f1: {  	v10 =	vld [tilespmem:s10+$0x10];
	v4 =	vmul.u32 $0x3, v4  }
0x2f2: {  	v11 =	vld [tilespmem:s10+$0x20];
	v5 =	vmul.u32 $0x3, v5  }
0x2f3: {  	v13 =	vld [tilespmem:s10+$0xFFFFFFC0];
	v6 =	vmul.u32 $0x3, v6  }
0x2f4: {  	v7 =	vmul.u32 $0x3, v7  }
0x2f5: {  	v9 =	vmul.u32 $0x3, v9  }
0x2f6: {  	v10 =	vmul.u32 $0x3, v10  }
0x2f7: {  	v11 =	vmul.u32 $0x3, v11;
	v14 =	vld.idx.msk [tilespmem:v4+s22+$0x0], $0xffff  }
0x2f8: {  	v13 =	vmul.u32 $0x3, v13;
	v15 =	vld.idx.msk [tilespmem:v5+s22+$0x0], $0xffff  }
0x2f9: {  	v17 =	vld.idx.msk [tilespmem:v6+s22+$0x0], $0xffff  }
0x2fa: {  	v18 =	vadd.s32 $0x1, v4;
	v19 =	vld.idx.msk [tilespmem:v7+s22+$0x0], $0xffff  }
0x2fb: {  	v21 =	vadd.s32 $0x1, v5;
	v22 =	vld.idx.msk [tilespmem:v9+s22+$0x0], $0xffff  }
0x2fc: {  	s6 =	simm.s32 $0x5040;
	v23 =	vadd.s32 $0x1, v6;
	v25 =	vld.idx.msk [tilespmem:v10+s22+$0x0], $0xffff  }
0x2fd: {  	v26 =	vadd.s32 $0x1, v7;
	v27 =	vld.idx.msk [tilespmem:v11+s22+$0x0], $0xffff;
	[tilespmem:s6+$0x30] =	vst v14  }
0x2fe: {  	v8 =	vadd.s32 $0x1, v9;
	v60 =	vld.idx.msk [tilespmem:v13+s22+$0x0], $0xffff;
	[tilespmem:s6+$0xFFFFFFD0] =	vst v15  }
0x2ff: {  	v62 =	vadd.s32 $0x1, v13;
	[tilespmem:s6+$0xFFFFFFE0] =	vst v17;
	v15 =	vld.idx.msk [tilespmem:v18+s22+$0x0], $0xffff  }
0x300: {  	[tilespmem:s6+$0xFFFFFFF0] =	vst v19;
	v18 =	vadd.s32 $0x1, v10;
	v61 =	vld.idx.msk [tilespmem:v21+s22+$0x0], $0xffff  }
0x301: {  	v4 =	vadd.s32 $0x2, v4;
	[tilespmem:s6+$0x0] =	vst v22;
	v63 =	vld.idx.msk [tilespmem:v23+s22+$0x0], $0xffff  }
0x302: {  	v24 =	vadd.s32 $0x1, v11;
	[tilespmem:s6+$0x10] =	vst v25;
	v26 =	vld.idx.msk [tilespmem:v26+s22+$0x0], $0xffff  }
0x303: {  	v5 =	vadd.s32 $0x2, v5;
	[tilespmem:s6+$0xFFFFFFC0] =	vst v60;
	v14 =	vld.idx.msk [tilespmem:v8+s22+$0x0], $0xffff  }
0x304: {  	s7 =	simm.s32 $0x7840;
	v6 =	vadd.s32 $0x2, v6;
	[tilespmem:s6+$0x20] =	vst v27;
	v59 =	vld.idx.msk [tilespmem:v62+s22+$0x0], $0xffff  }
0x305: {  	v7 =	vadd.s32 $0x2, v7;
	v18 =	vld.idx.msk [tilespmem:v18+s22+$0x0], $0xffff;
	[tilespmem:s7+$0x30] =	vst v15  }
0x306: {  	v9 =	vadd.s32 $0x2, v9;
	[tilespmem:s7+$0xFFFFFFD0] =	vst v61;
	v4 =	vld.idx.msk [tilespmem:v4+s22+$0x0], $0xffff  }
0x307: {  	[tilespmem:s7+$0xFFFFFFE0] =	vst v63;
	v63 =	vld.idx.msk [tilespmem:v24+s22+$0x0], $0xffff  }
0x308: {  	[tilespmem:s7+$0xFFFFFFF0] =	vst v26;
	v60 =	vld.idx.msk [tilespmem:v5+s22+$0x0], $0xffff  }
0x309: {  	[tilespmem:s7+$0x0] =	vst v14;
	v61 =	vld.idx.msk [tilespmem:v6+s22+$0x0], $0xffff  }
0x30a: {  	s8 =	simm.s32 $0xA040;
	v62 =	vld.idx.msk [tilespmem:v7+s22+$0x0], $0xffff;
	[tilespmem:s7+$0x10] =	vst v18  }
0x30b: {  	s9 =	simm.s32 $0x0;
	s10 =	simm.s32 $0xC0;
	v57 =	vadd.s32 $0x2, v10;
	v56 =	vadd.s32 $0x2, v11;
	v58 =	vadd.s32 $0x2, v13;
	v5 =	vld.idx.msk [tilespmem:v9+s22+$0x0], $0xffff;
	[tilespmem:s8+$0x30] =	vst v4  }
.LBB2_14:
0x30c: {  	v4 =	vld [tilespmem:s10+$0x30];
	s9 =	sadd.s32 $0x80, s9;
	[tilespmem:s7+$0xFFFFFFC0] =	vst v59  }
0x30d: {  	v6 =	vld [tilespmem:s10+$0xFFFFFFD0];
	p0 =	slt.u32 s9, $0x2780;
	[tilespmem:s7+$0x20] =	vst v63  }
0x30e: {  	v7 =	vld [tilespmem:s10+$0xFFFFFFE0];
	[tilespmem:s8+$0xFFFFFFD0] =	vst v60  }
0x30f: {  	v9 =	vld [tilespmem:s10+$0xFFFFFFF0];
	[tilespmem:s8+$0xFFFFFFE0] =	vst v61  }
0x310: {  	v10 =	vld [tilespmem:s10+$0x0];
	[tilespmem:s8+$0xFFFFFFF0] =	vst v62  }
0x311: {  	v11 =	vld [tilespmem:s10+$0x10];
	v4 =	vmul.u32 $0x3, v4;
	[tilespmem:s8+$0x0] =	vst v5  }
0x312: {  	v5 =	vmul.u32 $0x3, v6;
	v6 =	vld [tilespmem:s10+$0x20]  }
0x313: {  	v13 =	vld [tilespmem:s10+$0xFFFFFFC0];
	v7 =	vmul.u32 $0x3, v7  }
0x314: {  	v14 =	vadd.s32 $0x1, v5;
	v15 =	vadd.s32 $0x2, v5;
	v9 =	vmul.u32 $0x3, v9;
	v17 =	vld.idx.msk [tilespmem:v58+s22+$0x0], $0xffff  }
0x315: {  	v18 =	vadd.s32 $0x1, v7;
	v19 =	vadd.s32 $0x2, v7;
	v10 =	vmul.u32 $0x3, v10;
	v21 =	vld.idx.msk [tilespmem:v57+s22+$0x0], $0xffff  }
0x316: {  	v22 =	vadd.s32 $0x1, v9;
	v23 =	vadd.s32 $0x2, v9;
	v11 =	vmul.u32 $0x3, v11;
	v25 =	vld.idx.msk [tilespmem:v56+s22+$0x0], $0xffff  }
0x317: {  	v26 =	vadd.s32 $0x1, v10;
	v27 =	vadd.s32 $0x2, v10;
	v6 =	vmul.u32 $0x3, v6;
	v59 =	vld.idx.msk [tilespmem:v4+s22+$0x0], $0xffff  }
0x318: {  	v13 =	vmul.u32 $0x3, v13;
	v5 =	vld.idx.msk [tilespmem:v5+s22+$0x0], $0xffff;
	v60 =	vadd.s32 $0x1, v11;
	v57 =	vadd.s32 $0x2, v11  }
0x319: {  	v62 =	vadd.s32 $0x1, v4;
	v7 =	vld.idx.msk [tilespmem:v7+s22+$0x0], $0xffff;
	v61 =	vadd.s32 $0x1, v6;
	v56 =	vadd.s32 $0x2, v6  }
0x31a: {  	v63 =	vadd.s32 $0x1, v13;
	v58 =	vadd.s32 $0x2, v13;
	v9 =	vld.idx.msk [tilespmem:v9+s22+$0x0], $0xffff;
	[tilespmem:s8+$0xFFFFFFC0] =	vst v17  }
0x31b: {  	v10 =	vld.idx.msk [tilespmem:v10+s22+$0x0], $0xffff;
	[tilespmem:s8+$0x10] =	vst v21  }
0x31c: {  	s6 =	sadd.s32 $0x80, s6;
	v11 =	vld.idx.msk [tilespmem:v11+s22+$0x0], $0xffff;
	[tilespmem:s8+$0x20] =	vst v25  }
0x31d: {  	v6 =	vld.idx.msk [tilespmem:v6+s22+$0x0], $0xffff;
	[tilespmem:s6+$0x30] =	vst v59  }
0x31e: {  	[tilespmem:s6+$0xFFFFFFD0] =	vst v5;
	v5 =	vld.idx.msk [tilespmem:v62+s22+$0x0], $0xffff  }
0x31f: {  	v13 =	vld.idx.msk [tilespmem:v13+s22+$0x0], $0xffff;
	[tilespmem:s6+$0xFFFFFFE0] =	vst v7  }
0x320: {  	v4 =	vadd.s32 $0x2, v4;
	v7 =	vld.idx.msk [tilespmem:v14+s22+$0x0], $0xffff;
	[tilespmem:s6+$0xFFFFFFF0] =	vst v9  }
0x321: {  	v9 =	vld.idx.msk [tilespmem:v18+s22+$0x0], $0xffff;
	[tilespmem:s6+$0x0] =	vst v10  }
0x322: {  	v10 =	vld.idx.msk [tilespmem:v22+s22+$0x0], $0xffff;
	[tilespmem:s6+$0x10] =	vst v11  }
0x323: {  	s7 =	sadd.s32 $0x80, s7;
	v11 =	vld.idx.msk [tilespmem:v26+s22+$0x0], $0xffff;
	[tilespmem:s6+$0x20] =	vst v6  }
0x324: {  	v6 =	vld.idx.msk [tilespmem:v60+s22+$0x0], $0xffff;
	[tilespmem:s7+$0x30] =	vst v5  }
0x325: {  	[tilespmem:s6+$0xFFFFFFC0] =	vst v13;
	v4 =	vld.idx.msk [tilespmem:v4+s22+$0x0], $0xffff  }
0x326: {  	v59 =	vld.idx.msk [tilespmem:v63+s22+$0x0], $0xffff;
	[tilespmem:s7+$0xFFFFFFD0] =	vst v7  }
.Ltmp6:
0x327: {  	[tilespmem:s7+$0xFFFFFFE0] =	vst v9;
	v63 =	vld.idx.msk [tilespmem:v61+s22+$0x0], $0xffff;
	(pc) =	sbr.rel @p0 .LBB2_14-.Ltmp6, $4  }
0x328: {  	v60 =	vld.idx.msk [tilespmem:v15+s22+$0x0], $0xffff;
	[tilespmem:s7+$0xFFFFFFF0] =	vst v10  }
0x329: {  	v61 =	vld.idx.msk [tilespmem:v19+s22+$0x0], $0xffff;
	[tilespmem:s7+$0x0] =	vst v11  }
0x32a: {  	s8 =	sadd.s32 $0x80, s8;
	v62 =	vld.idx.msk [tilespmem:v23+s22+$0x0], $0xffff;
	[tilespmem:s7+$0x10] =	vst v6  }
0x32b: {  	s10 =	sadd.s32 $0x80, s10;
	v5 =	vld.idx.msk [tilespmem:v27+s22+$0x0], $0xffff;
	[tilespmem:s8+$0x30] =	vst v4  }
0x32c: {  	_ =	sdelay $0x2  }
0x32d: {  	[tilespmem:s7+$0xFFFFFFC0] =	vst v59  }
0x32e: {  	[tilespmem:s7+$0x20] =	vst v63;
	v6 =	vld.idx.msk [tilespmem:v57+s22+$0x0], $0xffff  }
0x32f: {  	v4 =	vld.idx.msk [tilespmem:v58+s22+$0x0], $0xffff;
	[tilespmem:s8+$0xFFFFFFD0] =	vst v60  }
0x330: {  	v7 =	vld.idx.msk [tilespmem:v56+s22+$0x0], $0xffff;
	[tilespmem:s8+$0xFFFFFFE0] =	vst v61  }
0x331: {  	[tilespmem:s8+$0xFFFFFFF0] =	vst v62  }
0x332: {  	[tilespmem:s8+$0x0] =	vst v5  }
0x333: {  	[tilespmem:s8+$0x10] =	vst v6  }
0x334: {  	[tilespmem:s8+$0xFFFFFFC0] =	vst v4  }
0x335: {  	[tilespmem:s8+$0x20] =	vst v7  }
0x336: {  	s6 =	rddreg [dreg:$0x11]  }
0x337: {  	s8 =	sld [smem:$0x7FD]  }
0x338: {  	[hbm4b:s6+s2] =	stream.linear.scatter [tilespmem:s25], [sflag:$0x3], $0x2800, $0x38;
	[tilespmem:$0x14280] =	vst v63  }
0x339: {  	_ = 	snop  }
0x33a: {  	[hbm4b:s8+s2] =	stream.linear.scatter [tilespmem:s26], [sflag:$0x3], $0x2800, $0x38;
	[tilespmem:$0x14280] =	vst v63  }
0x33b: {  	_ = 	snop  }
0x33c: {  	[hbm4b:s11+s2] =	stream.linear.scatter [tilespmem:s28], [sflag:$0x3], $0x2800, $0x38;
	[tilespmem:$0x14280] =	vst v63  }
0x33d: {  	s9 =	rddreg [dreg:$0x12]  }
0x33e: {  	[tilespmem:s2], [sflag:$0x1] =	stream.linear.gather [hbm4b:s9+s2], $0x2800, $0x38;
	[tilespmem:$0x14280] =	vst v63  }
0x33f: {  	_ =	swait.ge [sflag:s29], $0x2800  }
0x340: {  	[sflag:s29] =	ssyncset.done $0x0  }
0x341: {  	[sflag:s29] =	ssyncadd.s32 $0xFFFFD800  }
0x342: {  	_ =	swait.ge [sflag:s3], $0x2800  }
0x343: {  	[sflag:s3] =	ssyncset.done $0x0  }
0x344: {  	[sflag:s3] =	ssyncadd.s32 $0xFFFFD800  }
0x345: {  	_ =	swait.ge [sflag:s3], $0x2800  }
0x346: {  	[sflag:s3] =	ssyncset.done $0x0  }
0x347: {  	[sflag:s3] =	ssyncadd.s32 $0xFFFFD800  }
0x348: {  	_ =	swait.ge [sflag:s3], $0x2800  }
0x349: {  	[sflag:s3] =	ssyncset.done $0x0  }
0x34a: {  	s10 =	simm.s32 $0x2840;
	[sflag:s3] =	ssyncadd.s32 $0xFFFFD800  }
0x34b: {  	v4 =	vld [tilespmem:s10+$0x30]  }
0x34c: {  	v5 =	vld [tilespmem:s10+$0xFFFFFFD0]  }
0x34d: {  	v6 =	vld [tilespmem:s10+$0xFFFFFFE0]  }
0x34e: {  	v7 =	vld [tilespmem:s10+$0xFFFFFFF0]  }
0x34f: {  	v9 =	vld [tilespmem:s10+$0x0]  }
0x350: {  	v10 =	vld [tilespmem:s10+$0x10];
	v4 =	vmul.u32 $0x3, v4  }
0x351: {  	v11 =	vld [tilespmem:s10+$0x20];
	v5 =	vmul.u32 $0x3, v5  }
0x352: {  	v13 =	vld [tilespmem:s10+$0xFFFFFFC0];
	v6 =	vmul.u32 $0x3, v6  }
0x353: {  	v7 =	vmul.u32 $0x3, v7  }
0x354: {  	v9 =	vmul.u32 $0x3, v9  }
0x355: {  	v10 =	vmul.u32 $0x3, v10  }
0x356: {  	v11 =	vmul.u32 $0x3, v11;
	v14 =	vld.idx.msk [tilespmem:v4+s22+$0x0], $0xffff  }
0x357: {  	v13 =	vmul.u32 $0x3, v13;
	v15 =	vld.idx.msk [tilespmem:v5+s22+$0x0], $0xffff  }
0x358: {  	v17 =	vld.idx.msk [tilespmem:v6+s22+$0x0], $0xffff  }
0x359: {  	v18 =	vadd.s32 $0x1, v4;
	v19 =	vld.idx.msk [tilespmem:v7+s22+$0x0], $0xffff  }
0x35a: {  	v21 =	vadd.s32 $0x1, v5;
	v22 =	vld.idx.msk [tilespmem:v9+s22+$0x0], $0xffff  }
0x35b: {  	s6 =	simm.s32 $0xC840;
	v23 =	vadd.s32 $0x1, v6;
	v25 =	vld.idx.msk [tilespmem:v10+s22+$0x0], $0xffff  }
0x35c: {  	v26 =	vadd.s32 $0x1, v7;
	v27 =	vld.idx.msk [tilespmem:v11+s22+$0x0], $0xffff;
	[tilespmem:s6+$0x30] =	vst v14  }
0x35d: {  	v8 =	vadd.s32 $0x1, v9;
	v60 =	vld.idx.msk [tilespmem:v13+s22+$0x0], $0xffff;
	[tilespmem:s6+$0xFFFFFFD0] =	vst v15  }
0x35e: {  	v62 =	vadd.s32 $0x1, v13;
	[tilespmem:s6+$0xFFFFFFE0] =	vst v17;
	v15 =	vld.idx.msk [tilespmem:v18+s22+$0x0], $0xffff  }
0x35f: {  	[tilespmem:s6+$0xFFFFFFF0] =	vst v19;
	v18 =	vadd.s32 $0x1, v10;
	v61 =	vld.idx.msk [tilespmem:v21+s22+$0x0], $0xffff  }
0x360: {  	v4 =	vadd.s32 $0x2, v4;
	[tilespmem:s6+$0x0] =	vst v22;
	v63 =	vld.idx.msk [tilespmem:v23+s22+$0x0], $0xffff  }
0x361: {  	v24 =	vadd.s32 $0x1, v11;
	[tilespmem:s6+$0x10] =	vst v25;
	v26 =	vld.idx.msk [tilespmem:v26+s22+$0x0], $0xffff  }
0x362: {  	v5 =	vadd.s32 $0x2, v5;
	[tilespmem:s6+$0xFFFFFFC0] =	vst v60;
	v14 =	vld.idx.msk [tilespmem:v8+s22+$0x0], $0xffff  }
0x363: {  	s7 =	simm.s32 $0xF040;
	v6 =	vadd.s32 $0x2, v6;
	[tilespmem:s6+$0x20] =	vst v27;
	v59 =	vld.idx.msk [tilespmem:v62+s22+$0x0], $0xffff  }
0x364: {  	v7 =	vadd.s32 $0x2, v7;
	v18 =	vld.idx.msk [tilespmem:v18+s22+$0x0], $0xffff;
	[tilespmem:s7+$0x30] =	vst v15  }
0x365: {  	v9 =	vadd.s32 $0x2, v9;
	[tilespmem:s7+$0xFFFFFFD0] =	vst v61;
	v4 =	vld.idx.msk [tilespmem:v4+s22+$0x0], $0xffff  }
0x366: {  	[tilespmem:s7+$0xFFFFFFE0] =	vst v63;
	v63 =	vld.idx.msk [tilespmem:v24+s22+$0x0], $0xffff  }
0x367: {  	[tilespmem:s7+$0xFFFFFFF0] =	vst v26;
	v60 =	vld.idx.msk [tilespmem:v5+s22+$0x0], $0xffff  }
0x368: {  	[tilespmem:s7+$0x0] =	vst v14;
	v61 =	vld.idx.msk [tilespmem:v6+s22+$0x0], $0xffff  }
0x369: {  	s8 =	simm.s32 $0x11840;
	v62 =	vld.idx.msk [tilespmem:v7+s22+$0x0], $0xffff;
	[tilespmem:s7+$0x10] =	vst v18  }
0x36a: {  	s9 =	simm.s32 $0x0;
	s10 =	simm.s32 $0x28C0;
	v57 =	vadd.s32 $0x2, v10;
	v56 =	vadd.s32 $0x2, v11;
	v58 =	vadd.s32 $0x2, v13;
	v5 =	vld.idx.msk [tilespmem:v9+s22+$0x0], $0xffff;
	[tilespmem:s8+$0x30] =	vst v4  }
.LBB2_16:
0x36b: {  	v4 =	vld [tilespmem:s10+$0x30];
	s9 =	sadd.s32 $0x80, s9;
	[tilespmem:s7+$0xFFFFFFC0] =	vst v59  }
0x36c: {  	v6 =	vld [tilespmem:s10+$0xFFFFFFD0];
	p0 =	slt.u32 s9, $0x2780;
	[tilespmem:s7+$0x20] =	vst v63  }
0x36d: {  	v7 =	vld [tilespmem:s10+$0xFFFFFFE0];
	[tilespmem:s8+$0xFFFFFFD0] =	vst v60  }
0x36e: {  	v9 =	vld [tilespmem:s10+$0xFFFFFFF0];
	[tilespmem:s8+$0xFFFFFFE0] =	vst v61  }
0x36f: {  	v10 =	vld [tilespmem:s10+$0x0];
	[tilespmem:s8+$0xFFFFFFF0] =	vst v62  }
0x370: {  	v11 =	vld [tilespmem:s10+$0x10];
	v4 =	vmul.u32 $0x3, v4;
	[tilespmem:s8+$0x0] =	vst v5  }
0x371: {  	v5 =	vmul.u32 $0x3, v6;
	v6 =	vld [tilespmem:s10+$0x20]  }
0x372: {  	v13 =	vld [tilespmem:s10+$0xFFFFFFC0];
	v7 =	vmul.u32 $0x3, v7  }
0x373: {  	v14 =	vadd.s32 $0x1, v5;
	v15 =	vadd.s32 $0x2, v5;
	v9 =	vmul.u32 $0x3, v9;
	v17 =	vld.idx.msk [tilespmem:v58+s22+$0x0], $0xffff  }
0x374: {  	v18 =	vadd.s32 $0x1, v7;
	v19 =	vadd.s32 $0x2, v7;
	v10 =	vmul.u32 $0x3, v10;
	v21 =	vld.idx.msk [tilespmem:v57+s22+$0x0], $0xffff  }
0x375: {  	v22 =	vadd.s32 $0x1, v9;
	v23 =	vadd.s32 $0x2, v9;
	v11 =	vmul.u32 $0x3, v11;
	v25 =	vld.idx.msk [tilespmem:v56+s22+$0x0], $0xffff  }
0x376: {  	v26 =	vadd.s32 $0x1, v10;
	v27 =	vadd.s32 $0x2, v10;
	v6 =	vmul.u32 $0x3, v6;
	v59 =	vld.idx.msk [tilespmem:v4+s22+$0x0], $0xffff  }
0x377: {  	v13 =	vmul.u32 $0x3, v13;
	v5 =	vld.idx.msk [tilespmem:v5+s22+$0x0], $0xffff;
	v60 =	vadd.s32 $0x1, v11;
	v57 =	vadd.s32 $0x2, v11  }
0x378: {  	v62 =	vadd.s32 $0x1, v4;
	v7 =	vld.idx.msk [tilespmem:v7+s22+$0x0], $0xffff;
	v61 =	vadd.s32 $0x1, v6;
	v56 =	vadd.s32 $0x2, v6  }
0x379: {  	v63 =	vadd.s32 $0x1, v13;
	v58 =	vadd.s32 $0x2, v13;
	v9 =	vld.idx.msk [tilespmem:v9+s22+$0x0], $0xffff;
	[tilespmem:s8+$0xFFFFFFC0] =	vst v17  }
0x37a: {  	v10 =	vld.idx.msk [tilespmem:v10+s22+$0x0], $0xffff;
	[tilespmem:s8+$0x10] =	vst v21  }
0x37b: {  	s6 =	sadd.s32 $0x80, s6;
	v11 =	vld.idx.msk [tilespmem:v11+s22+$0x0], $0xffff;
	[tilespmem:s8+$0x20] =	vst v25  }
0x37c: {  	v6 =	vld.idx.msk [tilespmem:v6+s22+$0x0], $0xffff;
	[tilespmem:s6+$0x30] =	vst v59  }
0x37d: {  	[tilespmem:s6+$0xFFFFFFD0] =	vst v5;
	v5 =	vld.idx.msk [tilespmem:v62+s22+$0x0], $0xffff  }
0x37e: {  	v13 =	vld.idx.msk [tilespmem:v13+s22+$0x0], $0xffff;
	[tilespmem:s6+$0xFFFFFFE0] =	vst v7  }
0x37f: {  	v4 =	vadd.s32 $0x2, v4;
	v7 =	vld.idx.msk [tilespmem:v14+s22+$0x0], $0xffff;
	[tilespmem:s6+$0xFFFFFFF0] =	vst v9  }
0x380: {  	v9 =	vld.idx.msk [tilespmem:v18+s22+$0x0], $0xffff;
	[tilespmem:s6+$0x0] =	vst v10  }
0x381: {  	v10 =	vld.idx.msk [tilespmem:v22+s22+$0x0], $0xffff;
	[tilespmem:s6+$0x10] =	vst v11  }
0x382: {  	s7 =	sadd.s32 $0x80, s7;
	v11 =	vld.idx.msk [tilespmem:v26+s22+$0x0], $0xffff;
	[tilespmem:s6+$0x20] =	vst v6  }
0x383: {  	v6 =	vld.idx.msk [tilespmem:v60+s22+$0x0], $0xffff;
	[tilespmem:s7+$0x30] =	vst v5  }
0x384: {  	[tilespmem:s6+$0xFFFFFFC0] =	vst v13;
	v4 =	vld.idx.msk [tilespmem:v4+s22+$0x0], $0xffff  }
0x385: {  	v59 =	vld.idx.msk [tilespmem:v63+s22+$0x0], $0xffff;
	[tilespmem:s7+$0xFFFFFFD0] =	vst v7  }
.Ltmp7:
0x386: {  	[tilespmem:s7+$0xFFFFFFE0] =	vst v9;
	v63 =	vld.idx.msk [tilespmem:v61+s22+$0x0], $0xffff;
	(pc) =	sbr.rel @p0 .LBB2_16-.Ltmp7, $4  }
0x387: {  	v60 =	vld.idx.msk [tilespmem:v15+s22+$0x0], $0xffff;
	[tilespmem:s7+$0xFFFFFFF0] =	vst v10  }
0x388: {  	v61 =	vld.idx.msk [tilespmem:v19+s22+$0x0], $0xffff;
	[tilespmem:s7+$0x0] =	vst v11  }
0x389: {  	s8 =	sadd.s32 $0x80, s8;
	v62 =	vld.idx.msk [tilespmem:v23+s22+$0x0], $0xffff;
	[tilespmem:s7+$0x10] =	vst v6  }
0x38a: {  	s10 =	sadd.s32 $0x80, s10;
	v5 =	vld.idx.msk [tilespmem:v27+s22+$0x0], $0xffff;
	[tilespmem:s8+$0x30] =	vst v4  }
0x38b: {  	_ =	sdelay $0x2  }
0x38c: {  	[tilespmem:s7+$0xFFFFFFC0] =	vst v59  }
0x38d: {  	[tilespmem:s7+$0x20] =	vst v63;
	v6 =	vld.idx.msk [tilespmem:v57+s22+$0x0], $0xffff  }
0x38e: {  	v4 =	vld.idx.msk [tilespmem:v58+s22+$0x0], $0xffff;
	[tilespmem:s8+$0xFFFFFFD0] =	vst v60  }
0x38f: {  	v7 =	vld.idx.msk [tilespmem:v56+s22+$0x0], $0xffff;
	[tilespmem:s8+$0xFFFFFFE0] =	vst v61  }
0x390: {  	[tilespmem:s8+$0xFFFFFFF0] =	vst v62  }
0x391: {  	[tilespmem:s8+$0x0] =	vst v5  }
0x392: {  	[tilespmem:s8+$0x10] =	vst v6  }
0x393: {  	[tilespmem:s8+$0xFFFFFFC0] =	vst v4  }
0x394: {  	[tilespmem:s8+$0x20] =	vst v7  }
0x395: {  	s6 =	rddreg [dreg:$0x13]  }
0x396: {  	[hbm4b:s6+s2] =	stream.linear.scatter [tilespmem:s30], [sflag:$0x4], $0x2800, $0x38;
	[tilespmem:$0x14280] =	vst v63  }
0x397: {  	_ = 	snop  }
0x398: {  	[hbm4b:s12+s2] =	stream.linear.scatter [tilespmem:s31], [sflag:$0x4], $0x2800, $0x38;
	[tilespmem:$0x14280] =	vst v63  }
0x399: {  	_ = 	snop  }
0x39a: {  	[hbm4b:s13+s2] =	stream.linear.scatter [tilespmem:s1], [sflag:$0x4], $0x2800, $0x38;
	[tilespmem:$0x14280] =	vst v63  }
0x39b: {  	s9 =	rddreg [dreg:$0x14]  }
0x39c: {  	[tilespmem:s23], [sflag:$0x2] =	stream.linear.gather [hbm4b:s9+s2], $0x2800, $0x38;
	[tilespmem:$0x14280] =	vst v63  }
0x39d: {  	_ =	swait.ge [sflag:s24], $0x2800  }
0x39e: {  	[sflag:s24] =	ssyncset.done $0x0  }
0x39f: {  	[sflag:s24] =	ssyncadd.s32 $0xFFFFD800  }
0x3a0: {  	_ =	swait.ge [sflag:s0], $0x2800  }
0x3a1: {  	[sflag:s0] =	ssyncset.done $0x0  }
0x3a2: {  	[sflag:s0] =	ssyncadd.s32 $0xFFFFD800  }
0x3a3: {  	_ =	swait.ge [sflag:s0], $0x2800  }
0x3a4: {  	[sflag:s0] =	ssyncset.done $0x0  }
0x3a5: {  	[sflag:s0] =	ssyncadd.s32 $0xFFFFD800  }
0x3a6: {  	_ =	swait.ge [sflag:s0], $0x2800  }
0x3a7: {  	[sflag:s0] =	ssyncset.done $0x0  }
0x3a8: {  	s10 =	simm.s32 $0x40;
	[sflag:s0] =	ssyncadd.s32 $0xFFFFD800  }
0x3a9: {  	v4 =	vld [tilespmem:s10+$0x30]  }
0x3aa: {  	v5 =	vld [tilespmem:s10+$0xFFFFFFD0]  }
0x3ab: {  	v6 =	vld [tilespmem:s10+$0xFFFFFFE0]  }
0x3ac: {  	v7 =	vld [tilespmem:s10+$0xFFFFFFF0]  }
0x3ad: {  	v9 =	vld [tilespmem:s10+$0x0]  }
0x3ae: {  	v10 =	vld [tilespmem:s10+$0x10];
	v4 =	vmul.u32 $0x3, v4  }
0x3af: {  	v11 =	vld [tilespmem:s10+$0x20];
	v5 =	vmul.u32 $0x3, v5  }
0x3b0: {  	v13 =	vld [tilespmem:s10+$0xFFFFFFC0];
	v6 =	vmul.u32 $0x3, v6  }
0x3b1: {  	v7 =	vmul.u32 $0x3, v7  }
0x3b2: {  	v9 =	vmul.u32 $0x3, v9  }
0x3b3: {  	v10 =	vmul.u32 $0x3, v10  }
0x3b4: {  	v11 =	vmul.u32 $0x3, v11;
	v14 =	vld.idx.msk [tilespmem:v4+s22+$0x0], $0xffff  }
0x3b5: {  	v13 =	vmul.u32 $0x3, v13;
	v15 =	vld.idx.msk [tilespmem:v5+s22+$0x0], $0xffff  }
0x3b6: {  	v17 =	vld.idx.msk [tilespmem:v6+s22+$0x0], $0xffff  }
0x3b7: {  	v18 =	vadd.s32 $0x1, v4;
	v19 =	vld.idx.msk [tilespmem:v7+s22+$0x0], $0xffff  }
0x3b8: {  	v21 =	vadd.s32 $0x1, v5;
	v22 =	vld.idx.msk [tilespmem:v9+s22+$0x0], $0xffff  }
0x3b9: {  	s6 =	simm.s32 $0x5040;
	v23 =	vadd.s32 $0x1, v6;
	v25 =	vld.idx.msk [tilespmem:v10+s22+$0x0], $0xffff  }
0x3ba: {  	v26 =	vadd.s32 $0x1, v7;
	v27 =	vld.idx.msk [tilespmem:v11+s22+$0x0], $0xffff;
	[tilespmem:s6+$0x30] =	vst v14  }
0x3bb: {  	v8 =	vadd.s32 $0x1, v9;
	v60 =	vld.idx.msk [tilespmem:v13+s22+$0x0], $0xffff;
	[tilespmem:s6+$0xFFFFFFD0] =	vst v15  }
0x3bc: {  	v62 =	vadd.s32 $0x1, v13;
	[tilespmem:s6+$0xFFFFFFE0] =	vst v17;
	v15 =	vld.idx.msk [tilespmem:v18+s22+$0x0], $0xffff  }
0x3bd: {  	[tilespmem:s6+$0xFFFFFFF0] =	vst v19;
	v18 =	vadd.s32 $0x1, v10;
	v61 =	vld.idx.msk [tilespmem:v21+s22+$0x0], $0xffff  }
0x3be: {  	v4 =	vadd.s32 $0x2, v4;
	[tilespmem:s6+$0x0] =	vst v22;
	v63 =	vld.idx.msk [tilespmem:v23+s22+$0x0], $0xffff  }
0x3bf: {  	v24 =	vadd.s32 $0x1, v11;
	[tilespmem:s6+$0x10] =	vst v25;
	v26 =	vld.idx.msk [tilespmem:v26+s22+$0x0], $0xffff  }
0x3c0: {  	v5 =	vadd.s32 $0x2, v5;
	[tilespmem:s6+$0xFFFFFFC0] =	vst v60;
	v14 =	vld.idx.msk [tilespmem:v8+s22+$0x0], $0xffff  }
0x3c1: {  	s7 =	simm.s32 $0x7840;
	v6 =	vadd.s32 $0x2, v6;
	[tilespmem:s6+$0x20] =	vst v27;
	v59 =	vld.idx.msk [tilespmem:v62+s22+$0x0], $0xffff  }
0x3c2: {  	v7 =	vadd.s32 $0x2, v7;
	v18 =	vld.idx.msk [tilespmem:v18+s22+$0x0], $0xffff;
	[tilespmem:s7+$0x30] =	vst v15  }
0x3c3: {  	v9 =	vadd.s32 $0x2, v9;
	[tilespmem:s7+$0xFFFFFFD0] =	vst v61;
	v4 =	vld.idx.msk [tilespmem:v4+s22+$0x0], $0xffff  }
0x3c4: {  	[tilespmem:s7+$0xFFFFFFE0] =	vst v63;
	v63 =	vld.idx.msk [tilespmem:v24+s22+$0x0], $0xffff  }
0x3c5: {  	[tilespmem:s7+$0xFFFFFFF0] =	vst v26;
	v60 =	vld.idx.msk [tilespmem:v5+s22+$0x0], $0xffff  }
0x3c6: {  	[tilespmem:s7+$0x0] =	vst v14;
	v61 =	vld.idx.msk [tilespmem:v6+s22+$0x0], $0xffff  }
0x3c7: {  	s8 =	simm.s32 $0xA040;
	v62 =	vld.idx.msk [tilespmem:v7+s22+$0x0], $0xffff;
	[tilespmem:s7+$0x10] =	vst v18  }
0x3c8: {  	s9 =	simm.s32 $0x0;
	s10 =	simm.s32 $0xC0;
	v57 =	vadd.s32 $0x2, v10;
	v56 =	vadd.s32 $0x2, v11;
	v58 =	vadd.s32 $0x2, v13;
	v5 =	vld.idx.msk [tilespmem:v9+s22+$0x0], $0xffff;
	[tilespmem:s8+$0x30] =	vst v4  }
.LBB2_18:
0x3c9: {  	v4 =	vld [tilespmem:s10+$0x30];
	s9 =	sadd.s32 $0x80, s9;
	[tilespmem:s7+$0xFFFFFFC0] =	vst v59  }
0x3ca: {  	v6 =	vld [tilespmem:s10+$0xFFFFFFD0];
	p0 =	slt.u32 s9, $0x2780;
	[tilespmem:s7+$0x20] =	vst v63  }
0x3cb: {  	v7 =	vld [tilespmem:s10+$0xFFFFFFE0];
	[tilespmem:s8+$0xFFFFFFD0] =	vst v60  }
0x3cc: {  	v9 =	vld [tilespmem:s10+$0xFFFFFFF0];
	[tilespmem:s8+$0xFFFFFFE0] =	vst v61  }
0x3cd: {  	v10 =	vld [tilespmem:s10+$0x0];
	[tilespmem:s8+$0xFFFFFFF0] =	vst v62  }
0x3ce: {  	v11 =	vld [tilespmem:s10+$0x10];
	v4 =	vmul.u32 $0x3, v4;
	[tilespmem:s8+$0x0] =	vst v5  }
0x3cf: {  	v5 =	vmul.u32 $0x3, v6;
	v6 =	vld [tilespmem:s10+$0x20]  }
0x3d0: {  	v13 =	vld [tilespmem:s10+$0xFFFFFFC0];
	v7 =	vmul.u32 $0x3, v7  }
0x3d1: {  	v14 =	vadd.s32 $0x1, v5;
	v15 =	vadd.s32 $0x2, v5;
	v9 =	vmul.u32 $0x3, v9;
	v17 =	vld.idx.msk [tilespmem:v58+s22+$0x0], $0xffff  }
0x3d2: {  	v18 =	vadd.s32 $0x1, v7;
	v19 =	vadd.s32 $0x2, v7;
	v10 =	vmul.u32 $0x3, v10;
	v21 =	vld.idx.msk [tilespmem:v57+s22+$0x0], $0xffff  }
0x3d3: {  	v22 =	vadd.s32 $0x1, v9;
	v23 =	vadd.s32 $0x2, v9;
	v11 =	vmul.u32 $0x3, v11;
	v25 =	vld.idx.msk [tilespmem:v56+s22+$0x0], $0xffff  }
0x3d4: {  	v26 =	vadd.s32 $0x1, v10;
	v27 =	vadd.s32 $0x2, v10;
	v6 =	vmul.u32 $0x3, v6;
	v59 =	vld.idx.msk [tilespmem:v4+s22+$0x0], $0xffff  }
0x3d5: {  	v13 =	vmul.u32 $0x3, v13;
	v5 =	vld.idx.msk [tilespmem:v5+s22+$0x0], $0xffff;
	v60 =	vadd.s32 $0x1, v11;
	v57 =	vadd.s32 $0x2, v11  }
0x3d6: {  	v62 =	vadd.s32 $0x1, v4;
	v7 =	vld.idx.msk [tilespmem:v7+s22+$0x0], $0xffff;
	v61 =	vadd.s32 $0x1, v6;
	v56 =	vadd.s32 $0x2, v6  }
0x3d7: {  	v63 =	vadd.s32 $0x1, v13;
	v58 =	vadd.s32 $0x2, v13;
	v9 =	vld.idx.msk [tilespmem:v9+s22+$0x0], $0xffff;
	[tilespmem:s8+$0xFFFFFFC0] =	vst v17  }
0x3d8: {  	v10 =	vld.idx.msk [tilespmem:v10+s22+$0x0], $0xffff;
	[tilespmem:s8+$0x10] =	vst v21  }
0x3d9: {  	s6 =	sadd.s32 $0x80, s6;
	v11 =	vld.idx.msk [tilespmem:v11+s22+$0x0], $0xffff;
	[tilespmem:s8+$0x20] =	vst v25  }
0x3da: {  	v6 =	vld.idx.msk [tilespmem:v6+s22+$0x0], $0xffff;
	[tilespmem:s6+$0x30] =	vst v59  }
0x3db: {  	[tilespmem:s6+$0xFFFFFFD0] =	vst v5;
	v5 =	vld.idx.msk [tilespmem:v62+s22+$0x0], $0xffff  }
0x3dc: {  	v13 =	vld.idx.msk [tilespmem:v13+s22+$0x0], $0xffff;
	[tilespmem:s6+$0xFFFFFFE0] =	vst v7  }
0x3dd: {  	v4 =	vadd.s32 $0x2, v4;
	v7 =	vld.idx.msk [tilespmem:v14+s22+$0x0], $0xffff;
	[tilespmem:s6+$0xFFFFFFF0] =	vst v9  }
0x3de: {  	v9 =	vld.idx.msk [tilespmem:v18+s22+$0x0], $0xffff;
	[tilespmem:s6+$0x0] =	vst v10  }
0x3df: {  	v10 =	vld.idx.msk [tilespmem:v22+s22+$0x0], $0xffff;
	[tilespmem:s6+$0x10] =	vst v11  }
0x3e0: {  	s7 =	sadd.s32 $0x80, s7;
	v11 =	vld.idx.msk [tilespmem:v26+s22+$0x0], $0xffff;
	[tilespmem:s6+$0x20] =	vst v6  }
0x3e1: {  	v6 =	vld.idx.msk [tilespmem:v60+s22+$0x0], $0xffff;
	[tilespmem:s7+$0x30] =	vst v5  }
0x3e2: {  	[tilespmem:s6+$0xFFFFFFC0] =	vst v13;
	v4 =	vld.idx.msk [tilespmem:v4+s22+$0x0], $0xffff  }
0x3e3: {  	v59 =	vld.idx.msk [tilespmem:v63+s22+$0x0], $0xffff;
	[tilespmem:s7+$0xFFFFFFD0] =	vst v7  }
.Ltmp8:
0x3e4: {  	[tilespmem:s7+$0xFFFFFFE0] =	vst v9;
	v63 =	vld.idx.msk [tilespmem:v61+s22+$0x0], $0xffff;
	(pc) =	sbr.rel @p0 .LBB2_18-.Ltmp8, $4  }
0x3e5: {  	v60 =	vld.idx.msk [tilespmem:v15+s22+$0x0], $0xffff;
	[tilespmem:s7+$0xFFFFFFF0] =	vst v10  }
0x3e6: {  	v61 =	vld.idx.msk [tilespmem:v19+s22+$0x0], $0xffff;
	[tilespmem:s7+$0x0] =	vst v11  }
0x3e7: {  	s8 =	sadd.s32 $0x80, s8;
	v62 =	vld.idx.msk [tilespmem:v23+s22+$0x0], $0xffff;
	[tilespmem:s7+$0x10] =	vst v6  }
0x3e8: {  	s10 =	sadd.s32 $0x80, s10;
	v5 =	vld.idx.msk [tilespmem:v27+s22+$0x0], $0xffff;
	[tilespmem:s8+$0x30] =	vst v4  }
0x3e9: {  	_ =	sdelay $0x2  }
0x3ea: {  	[tilespmem:s7+$0xFFFFFFC0] =	vst v59  }
0x3eb: {  	[tilespmem:s7+$0x20] =	vst v63;
	v6 =	vld.idx.msk [tilespmem:v57+s22+$0x0], $0xffff  }
0x3ec: {  	v4 =	vld.idx.msk [tilespmem:v58+s22+$0x0], $0xffff;
	[tilespmem:s8+$0xFFFFFFD0] =	vst v60  }
0x3ed: {  	v7 =	vld.idx.msk [tilespmem:v56+s22+$0x0], $0xffff;
	[tilespmem:s8+$0xFFFFFFE0] =	vst v61  }
0x3ee: {  	[tilespmem:s8+$0xFFFFFFF0] =	vst v62  }
0x3ef: {  	[tilespmem:s8+$0x0] =	vst v5  }
0x3f0: {  	[tilespmem:s8+$0x10] =	vst v6  }
0x3f1: {  	[tilespmem:s8+$0xFFFFFFC0] =	vst v4  }
0x3f2: {  	[tilespmem:s8+$0x20] =	vst v7  }
0x3f3: {  	s6 =	rddreg [dreg:$0x15]  }
0x3f4: {  	[hbm4b:s6+s2] =	stream.linear.scatter [tilespmem:s25], [sflag:$0x3], $0x2800, $0x38;
	[tilespmem:$0x14280] =	vst v63  }
0x3f5: {  	_ = 	snop  }
0x3f6: {  	[hbm4b:s14+s2] =	stream.linear.scatter [tilespmem:s26], [sflag:$0x3], $0x2800, $0x38;
	[tilespmem:$0x14280] =	vst v63  }
0x3f7: {  	_ = 	snop  }
0x3f8: {  	[hbm4b:s15+s2] =	stream.linear.scatter [tilespmem:s28], [sflag:$0x3], $0x2800, $0x38;
	[tilespmem:$0x14280] =	vst v63  }
0x3f9: {  	_ =	swait.ge [sflag:s29], $0x2800  }
0x3fa: {  	[sflag:s29] =	ssyncset.done $0x0  }
0x3fb: {  	[sflag:s29] =	ssyncadd.s32 $0xFFFFD800  }
0x3fc: {  	_ =	swait.ge [sflag:s3], $0x2800  }
0x3fd: {  	[sflag:s3] =	ssyncset.done $0x0  }
0x3fe: {  	[sflag:s3] =	ssyncadd.s32 $0xFFFFD800  }
0x3ff: {  	_ =	swait.ge [sflag:s3], $0x2800  }
0x400: {  	[sflag:s3] =	ssyncset.done $0x0  }
0x401: {  	[sflag:s3] =	ssyncadd.s32 $0xFFFFD800  }
0x402: {  	_ =	swait.ge [sflag:s3], $0x2800  }
0x403: {  	[sflag:s3] =	ssyncset.done $0x0  }
0x404: {  	s10 =	simm.s32 $0x2840;
	[sflag:s3] =	ssyncadd.s32 $0xFFFFD800  }
0x405: {  	v4 =	vld [tilespmem:s10+$0x30]  }
0x406: {  	v5 =	vld [tilespmem:s10+$0xFFFFFFD0]  }
0x407: {  	v6 =	vld [tilespmem:s10+$0xFFFFFFE0]  }
0x408: {  	v7 =	vld [tilespmem:s10+$0xFFFFFFF0]  }
0x409: {  	v9 =	vld [tilespmem:s10+$0x0]  }
0x40a: {  	v10 =	vld [tilespmem:s10+$0x10];
	v4 =	vmul.u32 $0x3, v4  }
0x40b: {  	v11 =	vld [tilespmem:s10+$0x20];
	v5 =	vmul.u32 $0x3, v5  }
0x40c: {  	v13 =	vld [tilespmem:s10+$0xFFFFFFC0];
	v6 =	vmul.u32 $0x3, v6  }
0x40d: {  	v7 =	vmul.u32 $0x3, v7  }
0x40e: {  	v9 =	vmul.u32 $0x3, v9  }
0x40f: {  	v10 =	vmul.u32 $0x3, v10  }
0x410: {  	v11 =	vmul.u32 $0x3, v11;
	v14 =	vld.idx.msk [tilespmem:v4+s22+$0x0], $0xffff  }
0x411: {  	v13 =	vmul.u32 $0x3, v13;
	v15 =	vld.idx.msk [tilespmem:v5+s22+$0x0], $0xffff  }
0x412: {  	v17 =	vld.idx.msk [tilespmem:v6+s22+$0x0], $0xffff  }
0x413: {  	v18 =	vadd.s32 $0x1, v4;
	v19 =	vld.idx.msk [tilespmem:v7+s22+$0x0], $0xffff  }
0x414: {  	v21 =	vadd.s32 $0x1, v5;
	v22 =	vld.idx.msk [tilespmem:v9+s22+$0x0], $0xffff  }
0x415: {  	s6 =	simm.s32 $0xC840;
	v23 =	vadd.s32 $0x1, v6;
	v25 =	vld.idx.msk [tilespmem:v10+s22+$0x0], $0xffff  }
0x416: {  	v26 =	vadd.s32 $0x1, v7;
	v27 =	vld.idx.msk [tilespmem:v11+s22+$0x0], $0xffff;
	[tilespmem:s6+$0x30] =	vst v14  }
0x417: {  	v8 =	vadd.s32 $0x1, v9;
	v60 =	vld.idx.msk [tilespmem:v13+s22+$0x0], $0xffff;
	[tilespmem:s6+$0xFFFFFFD0] =	vst v15  }
0x418: {  	v62 =	vadd.s32 $0x1, v13;
	[tilespmem:s6+$0xFFFFFFE0] =	vst v17;
	v15 =	vld.idx.msk [tilespmem:v18+s22+$0x0], $0xffff  }
0x419: {  	[tilespmem:s6+$0xFFFFFFF0] =	vst v19;
	v18 =	vadd.s32 $0x1, v10;
	v61 =	vld.idx.msk [tilespmem:v21+s22+$0x0], $0xffff  }
0x41a: {  	v4 =	vadd.s32 $0x2, v4;
	[tilespmem:s6+$0x0] =	vst v22;
	v63 =	vld.idx.msk [tilespmem:v23+s22+$0x0], $0xffff  }
0x41b: {  	v24 =	vadd.s32 $0x1, v11;
	[tilespmem:s6+$0x10] =	vst v25;
	v26 =	vld.idx.msk [tilespmem:v26+s22+$0x0], $0xffff  }
0x41c: {  	v5 =	vadd.s32 $0x2, v5;
	[tilespmem:s6+$0xFFFFFFC0] =	vst v60;
	v14 =	vld.idx.msk [tilespmem:v8+s22+$0x0], $0xffff  }
0x41d: {  	s7 =	simm.s32 $0xF040;
	v6 =	vadd.s32 $0x2, v6;
	[tilespmem:s6+$0x20] =	vst v27;
	v59 =	vld.idx.msk [tilespmem:v62+s22+$0x0], $0xffff  }
0x41e: {  	v7 =	vadd.s32 $0x2, v7;
	v18 =	vld.idx.msk [tilespmem:v18+s22+$0x0], $0xffff;
	[tilespmem:s7+$0x30] =	vst v15  }
0x41f: {  	v9 =	vadd.s32 $0x2, v9;
	[tilespmem:s7+$0xFFFFFFD0] =	vst v61;
	v4 =	vld.idx.msk [tilespmem:v4+s22+$0x0], $0xffff  }
0x420: {  	[tilespmem:s7+$0xFFFFFFE0] =	vst v63;
	v63 =	vld.idx.msk [tilespmem:v24+s22+$0x0], $0xffff  }
0x421: {  	[tilespmem:s7+$0xFFFFFFF0] =	vst v26;
	v60 =	vld.idx.msk [tilespmem:v5+s22+$0x0], $0xffff  }
0x422: {  	[tilespmem:s7+$0x0] =	vst v14;
	v61 =	vld.idx.msk [tilespmem:v6+s22+$0x0], $0xffff  }
0x423: {  	s8 =	simm.s32 $0x11840;
	v62 =	vld.idx.msk [tilespmem:v7+s22+$0x0], $0xffff;
	[tilespmem:s7+$0x10] =	vst v18  }
0x424: {  	s9 =	simm.s32 $0x0;
	s10 =	simm.s32 $0x28C0;
	v57 =	vadd.s32 $0x2, v10;
	v56 =	vadd.s32 $0x2, v11;
	v58 =	vadd.s32 $0x2, v13;
	v5 =	vld.idx.msk [tilespmem:v9+s22+$0x0], $0xffff;
	[tilespmem:s8+$0x30] =	vst v4  }
.LBB2_20:
0x425: {  	v4 =	vld [tilespmem:s10+$0x30];
	s9 =	sadd.s32 $0x80, s9;
	[tilespmem:s7+$0xFFFFFFC0] =	vst v59  }
0x426: {  	v6 =	vld [tilespmem:s10+$0xFFFFFFD0];
	p0 =	slt.u32 s9, $0x2780;
	[tilespmem:s7+$0x20] =	vst v63  }
0x427: {  	v7 =	vld [tilespmem:s10+$0xFFFFFFE0];
	[tilespmem:s8+$0xFFFFFFD0] =	vst v60  }
0x428: {  	v9 =	vld [tilespmem:s10+$0xFFFFFFF0];
	[tilespmem:s8+$0xFFFFFFE0] =	vst v61  }
0x429: {  	v10 =	vld [tilespmem:s10+$0x0];
	[tilespmem:s8+$0xFFFFFFF0] =	vst v62  }
0x42a: {  	v11 =	vld [tilespmem:s10+$0x10];
	v4 =	vmul.u32 $0x3, v4;
	[tilespmem:s8+$0x0] =	vst v5  }
0x42b: {  	v5 =	vmul.u32 $0x3, v6;
	v6 =	vld [tilespmem:s10+$0x20]  }
0x42c: {  	v13 =	vld [tilespmem:s10+$0xFFFFFFC0];
	v7 =	vmul.u32 $0x3, v7  }
0x42d: {  	v14 =	vadd.s32 $0x1, v5;
	v15 =	vadd.s32 $0x2, v5;
	v9 =	vmul.u32 $0x3, v9;
	v17 =	vld.idx.msk [tilespmem:v58+s22+$0x0], $0xffff  }
0x42e: {  	v18 =	vadd.s32 $0x1, v7;
	v19 =	vadd.s32 $0x2, v7;
	v10 =	vmul.u32 $0x3, v10;
	v21 =	vld.idx.msk [tilespmem:v57+s22+$0x0], $0xffff  }
0x42f: {  	v22 =	vadd.s32 $0x1, v9;
	v23 =	vadd.s32 $0x2, v9;
	v11 =	vmul.u32 $0x3, v11;
	v25 =	vld.idx.msk [tilespmem:v56+s22+$0x0], $0xffff  }
0x430: {  	v26 =	vadd.s32 $0x1, v10;
	v27 =	vadd.s32 $0x2, v10;
	v6 =	vmul.u32 $0x3, v6;
	v59 =	vld.idx.msk [tilespmem:v4+s22+$0x0], $0xffff  }
0x431: {  	v13 =	vmul.u32 $0x3, v13;
	v5 =	vld.idx.msk [tilespmem:v5+s22+$0x0], $0xffff;
	v60 =	vadd.s32 $0x1, v11;
	v57 =	vadd.s32 $0x2, v11  }
0x432: {  	v62 =	vadd.s32 $0x1, v4;
	v7 =	vld.idx.msk [tilespmem:v7+s22+$0x0], $0xffff;
	v61 =	vadd.s32 $0x1, v6;
	v56 =	vadd.s32 $0x2, v6  }
0x433: {  	v63 =	vadd.s32 $0x1, v13;
	v58 =	vadd.s32 $0x2, v13;
	v9 =	vld.idx.msk [tilespmem:v9+s22+$0x0], $0xffff;
	[tilespmem:s8+$0xFFFFFFC0] =	vst v17  }
0x434: {  	v10 =	vld.idx.msk [tilespmem:v10+s22+$0x0], $0xffff;
	[tilespmem:s8+$0x10] =	vst v21  }
0x435: {  	s6 =	sadd.s32 $0x80, s6;
	v11 =	vld.idx.msk [tilespmem:v11+s22+$0x0], $0xffff;
	[tilespmem:s8+$0x20] =	vst v25  }
0x436: {  	v6 =	vld.idx.msk [tilespmem:v6+s22+$0x0], $0xffff;
	[tilespmem:s6+$0x30] =	vst v59  }
0x437: {  	[tilespmem:s6+$0xFFFFFFD0] =	vst v5;
	v5 =	vld.idx.msk [tilespmem:v62+s22+$0x0], $0xffff  }
0x438: {  	v13 =	vld.idx.msk [tilespmem:v13+s22+$0x0], $0xffff;
	[tilespmem:s6+$0xFFFFFFE0] =	vst v7  }
0x439: {  	v4 =	vadd.s32 $0x2, v4;
	v7 =	vld.idx.msk [tilespmem:v14+s22+$0x0], $0xffff;
	[tilespmem:s6+$0xFFFFFFF0] =	vst v9  }
0x43a: {  	v9 =	vld.idx.msk [tilespmem:v18+s22+$0x0], $0xffff;
	[tilespmem:s6+$0x0] =	vst v10  }
0x43b: {  	v10 =	vld.idx.msk [tilespmem:v22+s22+$0x0], $0xffff;
	[tilespmem:s6+$0x10] =	vst v11  }
0x43c: {  	s7 =	sadd.s32 $0x80, s7;
	v11 =	vld.idx.msk [tilespmem:v26+s22+$0x0], $0xffff;
	[tilespmem:s6+$0x20] =	vst v6  }
0x43d: {  	v6 =	vld.idx.msk [tilespmem:v60+s22+$0x0], $0xffff;
	[tilespmem:s7+$0x30] =	vst v5  }
0x43e: {  	[tilespmem:s6+$0xFFFFFFC0] =	vst v13;
	v4 =	vld.idx.msk [tilespmem:v4+s22+$0x0], $0xffff  }
0x43f: {  	v59 =	vld.idx.msk [tilespmem:v63+s22+$0x0], $0xffff;
	[tilespmem:s7+$0xFFFFFFD0] =	vst v7  }
.Ltmp9:
0x440: {  	[tilespmem:s7+$0xFFFFFFE0] =	vst v9;
	v63 =	vld.idx.msk [tilespmem:v61+s22+$0x0], $0xffff;
	(pc) =	sbr.rel @p0 .LBB2_20-.Ltmp9, $4  }
0x441: {  	v60 =	vld.idx.msk [tilespmem:v15+s22+$0x0], $0xffff;
	[tilespmem:s7+$0xFFFFFFF0] =	vst v10  }
0x442: {  	v61 =	vld.idx.msk [tilespmem:v19+s22+$0x0], $0xffff;
	[tilespmem:s7+$0x0] =	vst v11  }
0x443: {  	s8 =	sadd.s32 $0x80, s8;
	v62 =	vld.idx.msk [tilespmem:v23+s22+$0x0], $0xffff;
	[tilespmem:s7+$0x10] =	vst v6  }
0x444: {  	s10 =	sadd.s32 $0x80, s10;
	v5 =	vld.idx.msk [tilespmem:v27+s22+$0x0], $0xffff;
	[tilespmem:s8+$0x30] =	vst v4  }
0x445: {  	_ =	sdelay $0x2  }
0x446: {  	[tilespmem:s7+$0xFFFFFFC0] =	vst v59  }
0x447: {  	[tilespmem:s7+$0x20] =	vst v63;
	v6 =	vld.idx.msk [tilespmem:v57+s22+$0x0], $0xffff  }
0x448: {  	v4 =	vld.idx.msk [tilespmem:v58+s22+$0x0], $0xffff;
	[tilespmem:s8+$0xFFFFFFD0] =	vst v60  }
0x449: {  	v7 =	vld.idx.msk [tilespmem:v56+s22+$0x0], $0xffff;
	[tilespmem:s8+$0xFFFFFFE0] =	vst v61  }
0x44a: {  	[tilespmem:s8+$0xFFFFFFF0] =	vst v62  }
0x44b: {  	[tilespmem:s8+$0x0] =	vst v5  }
0x44c: {  	[tilespmem:s8+$0x10] =	vst v6  }
0x44d: {  	[tilespmem:s8+$0xFFFFFFC0] =	vst v4  }
0x44e: {  	[tilespmem:s8+$0x20] =	vst v7  }
0x44f: {  	s6 =	rddreg [dreg:$0x16]  }
0x450: {  	[hbm4b:s6+s2] =	stream.linear.scatter [tilespmem:s30], [sflag:$0x4], $0x2800, $0x38;
	[tilespmem:$0x14280] =	vst v63  }
0x451: {  	_ = 	snop  }
0x452: {  	[hbm4b:s16+s2] =	stream.linear.scatter [tilespmem:s31], [sflag:$0x4], $0x2800, $0x38;
	[tilespmem:$0x14280] =	vst v63  }
0x453: {  	_ = 	snop  }
0x454: {  	[hbm4b:s17+s2] =	stream.linear.scatter [tilespmem:s1], [sflag:$0x4], $0x2800, $0x38;
	[tilespmem:$0x14280] =	vst v63  }
0x455: {  	_ =	swait.ge [sflag:s0], $0x2800  }
0x456: {  	[sflag:s0] =	ssyncset.done $0x0  }
0x457: {  	[sflag:s0] =	ssyncadd.s32 $0xFFFFD800  }
0x458: {  	_ =	swait.ge [sflag:s0], $0x2800  }
0x459: {  	[sflag:s0] =	ssyncset.done $0x0  }
0x45a: {  	[sflag:s0] =	ssyncadd.s32 $0xFFFFD800  }
0x45b: {  	_ =	swait.ge [sflag:s0], $0x2800  }
0x45c: {  	[sflag:s0] =	ssyncset.done $0x0  }
0x45d: {  	[sflag:s0] =	ssyncadd.s32 $0xFFFFD800  }
0x45e: {  	_ =	swait.ge [sflag:s3], $0x2800  }
0x45f: {  	[sflag:s3] =	ssyncset.done $0x0  }
0x460: {  	[sflag:s3] =	ssyncadd.s32 $0xFFFFD800  }
0x461: {  	_ =	swait.ge [sflag:s3], $0x2800  }
0x462: {  	[sflag:s3] =	ssyncset.done $0x0  }
0x463: {  	[sflag:s3] =	ssyncadd.s32 $0xFFFFD800  }
0x464: {  	_ =	swait.ge [sflag:s3], $0x2800  }
0x465: {  	s4 =	sadd.s32 $0x1, s4;
	s10 =	rddreg [dreg:$0x1a]  }
0x466: {  	p0 =	sne.s32 s4, s10  }
.Ltmp10:
0x467: {  	_ = 	snop;
	(pc) =	sbr.rel @p0 .LBB2_1-.Ltmp10, $3  }
0x468: {  	_ =	sdelay $0x1  }
0x469: {  	[sflag:s3] =	ssyncset.done $0x0  }
0x46a: {  	[sflag:s3] =	ssyncadd.s32 $0xFFFFD800  }
0x46b: {  	_ =	sfence.sel $0x180000  }
0x46c: {  	[bflag:$0x0] =	sbarrier.arrive $0xFFFF  }
0x46d: {  	_ =	strace $0x90000047  }
0x46e: {  	s0 =	stileid.u32;
	[bflag:$0x2] =	sbarrier.arrive $0xFFFF  }
0x46f: {  	p0 =	sne.s32 s0, $0x0;
	s0 =	rddreg [dreg:$0x3]  }
0x470: {  	s0 =	sadd.s32 @!p0 $0x100000, s0  }
0x471: {  	[sflag:s0] =	ssyncadd.tile.s32 @!p0 $0x1;
	_ =	shalt  }
.Lfunc_end2:
_tile_overlayer_lowered:
.L_overlay_start_2:
0x472: {  	(tag) =	ssettag $0x2  }
0x473: {  	s0 =	rddreg [dreg:$0x0];
	s2 =	stileid.u32  }
0x474: {  	s1 =	rddreg [dreg:$0x1];
	p0 =	sne.s32 s2, $0x0  }
0x475: {  	s3 =	rddreg [dreg:$0x2];
	[bflag:$0x3] =	sbarrier.arrive $0xFFFF;
	s2 =	simm.s32 @!p0 $0x1C06  }
0x476: {  	[timem:s3], [sflag:s2] =	dma.local @!p0 [hbm:s0], s1  }
0x477: {  	s0 =	simm.s32 @!p0 $0x6  }
0x478: {  	_ =	swait.ge @!p0 [sflag:s0], s1  }
0x479: {  	s1 =	ssub.s32 @!p0 $0x0, s1;
	[sflag:s0] =	ssyncset.done @!p0 $0x0  }
0x47a: {  	[sflag:s0] =	ssyncadd.s32 @!p0 s1  }
0x47b: {  	[bflag:$0x3] =	sbarrier.arrive $0xFFFF  }
0x47c: {  	_ =	shalt  }

</sc_bundles>
